<compile_context>
chip_gen: v7x
topology: tpu7x:2x2x1
jax: 0.10.2.dev20260603
libtpu: 0.0.44.dev20260713+nightly
codegen_flags: <defaults>
</compile_context>

<pallas_src>
import functools

import jax
import jax.numpy as jnp
from jax import lax
from jax.experimental import pallas as pl
from jax.experimental.pallas import tpu as pltpu
from jax.experimental.pallas import tpu_sc as plsc

NC, NS = 2, 16
NW = NC * NS
B, L = 1024, 200
ROW = L * L
BPW = B // NW
VECS = ROW // 16
UNROLL = 25
P0 = 1016
NCELL = 192
DIV_MUL, DIV_SHIFT = 10486, 21


def _build_packed_table(boundaries):
    nb = boundaries.shape[0]
    p = jnp.arange(NCELL, dtype=jnp.int32) + P0
    s = lax.bitcast_convert_type(p << 20, jnp.float32)
    s_next = lax.bitcast_convert_type((p + 1) << 20, jnp.float32)
    dlo = jnp.ceil(s)
    base = jnp.searchsorted(boundaries, dlo, side="left").astype(jnp.int32)
    cand = jnp.minimum(base, nb - 1)
    bcand = boundaries[cand]
    has_thr = (base < nb) & (bcand < s_next)
    thr = jnp.where(has_thr, bcand, 2.0 ** 24).astype(jnp.int32)
    return (thr << 6) | base


@functools.cache
def _make_sc_bias_kernel():
    mesh = plsc.VectorSubcoreMesh(
        core_axis_name="c", subcore_axis_name="s", num_cores=NC)

    @functools.partial(
        pl.kernel,
        out_type=jax.ShapeDtypeStruct((B, ROW), jnp.float32),
        mesh=mesh,
        compiler_params=pltpu.CompilerParams(needs_layout_passes=False),
        scratch_types=[
            pltpu.VMEM((BPW * L,), jnp.int32),
            pltpu.VMEM((BPW * L,), jnp.int32),
            pltpu.VMEM((NCELL,), jnp.int32),
            pltpu.VMEM((64,), jnp.float32),
            pltpu.VMEM((ROW,), jnp.float32),
            pltpu.VMEM((ROW,), jnp.float32),
            pltpu.SemaphoreType.DMA,
            pltpu.SemaphoreType.DMA,
        ],
    )
    def _sc_bias_kernel(tsq_hbm, tsk_hbm, packed_hbm, tb_hbm, out_hbm,
                        tsq_v, tsk_v, packed_v, tb_v, out_v0, out_v1,
                        sem0, sem1):
        wid = lax.axis_index("s") * NC + lax.axis_index("c")
        b0 = wid * BPW
        pltpu.sync_copy(tsq_hbm.at[pl.ds(b0 * L, BPW * L)], tsq_v)
        pltpu.sync_copy(tsk_hbm.at[pl.ds(b0 * L, BPW * L)], tsk_v)
        pltpu.sync_copy(packed_hbm, packed_v)
        pltpu.sync_copy(tb_hbm, tb_v)
        lane = lax.iota(jnp.int32, 16)

        def compute_batch(bl, out_v):
            row16 = jnp.full((16,), bl * L, dtype=jnp.int32)

            def vec_body(it, carry2):
                base = it * (16 * UNROLL)
                ts = [base + u * 16 + lane for u in range(UNROLL)]
                iis = [(t * DIV_MUL) >> DIV_SHIFT for t in ts]
                jjs = [t - ii * L for t, ii in zip(ts, iis)]
                qs = [plsc.load_gather(tsq_v, [row16 + ii]) for ii in iis]
                ks = [plsc.load_gather(tsk_v, [row16 + jj]) for jj in jjs]
                ds = [jnp.maximum(jnp.abs(q - k), 1) for q, k in zip(qs, ks)]
                cells = [(lax.bitcast_convert_type(d.astype(jnp.float32),
                                                   jnp.int32) >> 20) - P0
                         for d in ds]
                pks = [plsc.load_gather(packed_v, [c]) for c in cells]
                buckets = [jnp.where(d > (pk >> 6), (pk & 63) + 1, pk & 63)
                           for d, pk in zip(ds, pks)]
                vals = [plsc.load_gather(tb_v, [b]) for b in buckets]
                for u in range(UNROLL):
                    out_v[pl.ds(base + u * 16, 16)] = vals[u]
                return carry2

            lax.fori_loop(0, VECS // UNROLL, vec_body, 0)

        def pair_body(bp, carry):
            bl = 2 * bp

            @pl.when(bp >= 1)
            def _():
                pltpu.make_async_copy(out_v0, out_hbm.at[b0 + bl - 2],
                                      sem0).wait()

            compute_batch(bl, out_v0)
            pltpu.async_copy(out_v0, out_hbm.at[b0 + bl], sem0)

            @pl.when(bp >= 1)
            def _():
                pltpu.make_async_copy(out_v1, out_hbm.at[b0 + bl - 1],
                                      sem1).wait()

            compute_batch(bl + 1, out_v1)
            pltpu.async_copy(out_v1, out_hbm.at[b0 + bl + 1], sem1)
            return carry

        lax.fori_loop(0, BPW // 2, pair_body, 0)
        pltpu.make_async_copy(out_v0, out_hbm.at[b0 + BPW - 2], sem0).wait()
        pltpu.make_async_copy(out_v1, out_hbm.at[b0 + BPW - 1], sem1).wait()

    return _sc_bias_kernel


def kernel(ts_q, ts_k, time_bias, boundaries):
    assert ts_q.shape == (B, L) and ts_k.shape == (B, L)
    tsq = ts_q.astype(jnp.int32).reshape(B * L)
    tsk = ts_k.astype(jnp.int32).reshape(B * L)
    packed = _build_packed_table(boundaries)
    tb = time_bias[:, 0]
    out = _make_sc_bias_kernel()(tsq, tsk, packed, tb)
    return out.reshape(B, 1, L, L)

# --- scband reference (transcript-rebuilt; emitter-appended) ---
"""Pipeline reference for scband-relative-attention-bias-module-38783554683547 (READ-ONLY COPY).

The authoritative reference and input builder live on the scoring server;
editing this copy changes nothing except your own understanding.
"""

import jax, jax.numpy as jnp
import numpy as np
import math

TIME_NUM_BUCKETS = 64
MAX_TIME_SPAN = 7776000
EMB_DIM = 1  # share_across_heads=True


def _build_boundaries(num_buckets, max_val):
    steps = max(1, num_buckets - 1)
    start = math.log(1.0)
    end = math.log(max(max_val, 1))
    log_part = np.exp(np.linspace(start, end, num=steps))
    b = np.unique(np.floor(np.clip(log_part, 1.0, None)).astype(np.int64))
    return jnp.asarray(b.astype(np.float32))


def setup_inputs(seed: int = 0) -> dict:
    key = jax.random.key(seed)
    k1, k2, k3 = jax.random.split(key, 3)
    ts_q = jax.random.randint(k1, (1024, 200), 0, MAX_TIME_SPAN, dtype=jnp.int64)
    ts_k = jax.random.randint(k2, (1024, 200), 0, MAX_TIME_SPAN, dtype=jnp.int64)
    # trunc_normal_(std=0.02) approximated with normal*0.02 clipped to 2 std
    time_bias = jnp.clip(jax.random.normal(k3, (TIME_NUM_BUCKETS, EMB_DIM), dtype=jnp.float32) * 0.02, -0.04, 0.04)
    boundaries = _build_boundaries(TIME_NUM_BUCKETS, MAX_TIME_SPAN)
    return {"ts_q": ts_q, "ts_k": ts_k, "time_bias": time_bias, "boundaries": boundaries}


def reference(ts_q, ts_k, time_bias, boundaries):
    # tdiff: [B, Lq, Lk]
    tdiff = jnp.abs(ts_q[:, :, None] - ts_k[:, None, :])
    tdiff = jnp.clip(tdiff, 1, None).astype(jnp.float32)
    # torch.bucketize(right=False) == searchsorted side='left'
    bucket = jnp.searchsorted(boundaries, tdiff, side='left')
    bias = jnp.take(time_bias, bucket, axis=0)  # [B, Lq, Lk, 1]
    bias = jnp.squeeze(bias, axis=-1)[:, None, :, :]  # [B, 1, Lq, Lk]
    return bias

if __name__ == "__main__":
    import jax
    _d = setup_inputs()
    print(jax.jit(kernel)(*tuple(_d.values())))

</pallas_src>

<mosaic_0001>
#map = affine_map<(d0, d1) -> (0)>
#map1 = affine_map<(d0, d1) -> (0, 0)>
module attributes {stable_mosaic.version = 14 : i64} {
  func.func @_sc_bias_kernel(%arg0: i32, %arg1: i32, %arg2: memref<204800xi32, #tpu.memory_space<hbm>>, %arg3: memref<204800xi32, #tpu.memory_space<hbm>>, %arg4: memref<192xi32, #tpu.memory_space<hbm>>, %arg5: memref<64xf32, #tpu.memory_space<hbm>>, %arg6: memref<1024x40000xf32, #tpu.memory_space<hbm>>, %arg7: memref<6400xi32, #tpu.memory_space<vmem>>, %arg8: memref<6400xi32, #tpu.memory_space<vmem>>, %arg9: memref<192xi32, #tpu.memory_space<vmem>>, %arg10: memref<64xf32, #tpu.memory_space<vmem>>, %arg11: memref<40000xf32, #tpu.memory_space<vmem>>, %arg12: memref<40000xf32, #tpu.memory_space<vmem>>, %arg13: memref<!tpu.dma_semaphore, #tpu.memory_space<semaphore_mem>>, %arg14: memref<!tpu.dma_semaphore, #tpu.memory_space<semaphore_mem>>) attributes {dimension_semantics = [#tpu.dimension_semantics<core_parallel>, #tpu.dimension_semantics<subcore_parallel>], iteration_bounds = array<i64: 2, 16>, scalar_prefetch = 0 : i64, scratch_operands = 8 : i64, tpu.core_type = #tpu.core_type<sc_vector_subcore>, window_params = [{transform_indices = #map}, {transform_indices = #map}, {transform_indices = #map}, {transform_indices = #map}, {transform_indices = #map1}]} {
    %mul3A = arith.constant 2 : i32
    %mul3A_0 = arith.muli %arg1, %mul3A : i32
    %add3A = arith.addi %mul3A_0, %arg0 : i32
    %mul3A_1 = arith.constant 32 : i32
    %mul3A_2 = arith.muli %add3A, %mul3A_1 : i32
    %mul3A_3 = arith.constant 200 : i32
    %mul3A_4 = arith.muli %mul3A_2, %mul3A_3 : i32
    "tpu.region"() ({
      %run_scoped3A = tpu.sem_alloc : memref<!tpu.dma_semaphore, #tpu.memory_space<semaphore_mem>>
      %dma_start3A = tpu.memref_slice %arg2[%mul3A_4] : memref<204800xi32, #tpu.memory_space<hbm>> -> memref<6400xi32, #tpu.memory_space<hbm>>
      %dma_start3A_30 = tpu.memref_slice %arg2[%mul3A_4] : memref<204800xi32, #tpu.memory_space<hbm>> -> memref<6400xi32, #tpu.memory_space<hbm>>
      tpu.enqueue_dma source(%dma_start3A_30 : memref<6400xi32, #tpu.memory_space<hbm>>) target(%arg7 : memref<6400xi32, #tpu.memory_space<vmem>>) target_semaphore(%run_scoped3A : memref<!tpu.dma_semaphore, #tpu.memory_space<semaphore_mem>>)
      %dma_wait3A_31 = tpu.memref_slice %arg2[%mul3A_4] : memref<204800xi32, #tpu.memory_space<hbm>> -> memref<6400xi32, #tpu.memory_space<hbm>>
      %dma_wait3A_32 = tpu.memref_slice %arg2[%mul3A_4] : memref<204800xi32, #tpu.memory_space<hbm>> -> memref<6400xi32, #tpu.memory_space<hbm>>
      tpu.wait_dma2 semaphore(%run_scoped3A : memref<!tpu.dma_semaphore, #tpu.memory_space<semaphore_mem>>) src(%dma_wait3A_32 : memref<6400xi32, #tpu.memory_space<hbm>>) dst(%arg7 : memref<6400xi32, #tpu.memory_space<vmem>>)
      tpu.yield
    }) : () -> ()
    %mul3A_5 = arith.constant 200 : i32
    %mul3A_6 = arith.muli %mul3A_2, %mul3A_5 : i32
    "tpu.region"() ({
      %run_scoped3A = tpu.sem_alloc : memref<!tpu.dma_semaphore, #tpu.memory_space<semaphore_mem>>
      %dma_start3A = tpu.memref_slice %arg3[%mul3A_6] : memref<204800xi32, #tpu.memory_space<hbm>> -> memref<6400xi32, #tpu.memory_space<hbm>>
      %dma_start3A_30 = tpu.memref_slice %arg3[%mul3A_6] : memref<204800xi32, #tpu.memory_space<hbm>> -> memref<6400xi32, #tpu.memory_space<hbm>>
      tpu.enqueue_dma source(%dma_start3A_30 : memref<6400xi32, #tpu.memory_space<hbm>>) target(%arg8 : memref<6400xi32, #tpu.memory_space<vmem>>) target_semaphore(%run_scoped3A : memref<!tpu.dma_semaphore, #tpu.memory_space<semaphore_mem>>)
      %dma_wait3A_31 = tpu.memref_slice %arg3[%mul3A_6] : memref<204800xi32, #tpu.memory_space<hbm>> -> memref<6400xi32, #tpu.memory_space<hbm>>
      %dma_wait3A_32 = tpu.memref_slice %arg3[%mul3A_6] : memref<204800xi32, #tpu.memory_space<hbm>> -> memref<6400xi32, #tpu.memory_space<hbm>>
      tpu.wait_dma2 semaphore(%run_scoped3A : memref<!tpu.dma_semaphore, #tpu.memory_space<semaphore_mem>>) src(%dma_wait3A_32 : memref<6400xi32, #tpu.memory_space<hbm>>) dst(%arg8 : memref<6400xi32, #tpu.memory_space<vmem>>)
      tpu.yield
    }) : () -> ()
    "tpu.region"() ({
      %run_scoped3A = tpu.sem_alloc : memref<!tpu.dma_semaphore, #tpu.memory_space<semaphore_mem>>
      tpu.enqueue_dma source(%arg4 : memref<192xi32, #tpu.memory_space<hbm>>) target(%arg9 : memref<192xi32, #tpu.memory_space<vmem>>) target_semaphore(%run_scoped3A : memref<!tpu.dma_semaphore, #tpu.memory_space<semaphore_mem>>)
      tpu.wait_dma2 semaphore(%run_scoped3A : memref<!tpu.dma_semaphore, #tpu.memory_space<semaphore_mem>>) src(%arg4 : memref<192xi32, #tpu.memory_space<hbm>>) dst(%arg9 : memref<192xi32, #tpu.memory_space<vmem>>)
      tpu.yield
    }) : () -> ()
    "tpu.region"() ({
      %run_scoped3A = tpu.sem_alloc : memref<!tpu.dma_semaphore, #tpu.memory_space<semaphore_mem>>
      tpu.enqueue_dma source(%arg5 : memref<64xf32, #tpu.memory_space<hbm>>) target(%arg10 : memref<64xf32, #tpu.memory_space<vmem>>) target_semaphore(%run_scoped3A : memref<!tpu.dma_semaphore, #tpu.memory_space<semaphore_mem>>)
      tpu.wait_dma2 semaphore(%run_scoped3A : memref<!tpu.dma_semaphore, #tpu.memory_space<semaphore_mem>>) src(%arg5 : memref<64xf32, #tpu.memory_space<hbm>>) dst(%arg10 : memref<64xf32, #tpu.memory_space<vmem>>)
      tpu.yield
    }) : () -> ()
    %iota3A = tpu.iota {dimensions = array<i32: 0>} : vector<16xi32>
    %scan3A = arith.constant 0 : i32
    %scan3A_7 = arith.constant 0 : i32
    %scan3A_8 = arith.constant 16 : i32
    %scan3A_9 = arith.addi %scan3A_7, %scan3A_8 : i32
    %scan3A_10 = arith.constant 1 : i32
    scf.for %scan3A_30 = %scan3A_7 to %scan3A_9 step %scan3A_10  : i32 {
      %mul3A_31 = arith.constant 2 : i32
      %mul3A_32 = arith.muli %mul3A_31, %scan3A_30 : i32
      %ge3A = arith.constant 1 : i32
      %ge3A_33 = arith.cmpi sge, %scan3A_30, %ge3A : i32
      %convert_element_type3A = arith.extui %ge3A_33 : i1 to i32
      %cond3A = arith.constant 0 : i32
      %cond3A_34 = arith.cmpi ne, %convert_element_type3A, %cond3A : i32
      scf.if %cond3A_34 {
        %add3A_74 = arith.addi %mul3A_2, %mul3A_32 : i32
        %sub3A_75 = arith.constant 2 : i32
        %sub3A_76 = arith.subi %add3A_74, %sub3A_75 : i32
        %dma_wait3A_77 = arith.constant 0 : i32
        %dma_wait3A_78 = tpu.memref_slice %arg6[%sub3A_76, %dma_wait3A_77] : memref<1024x40000xf32, #tpu.memory_space<hbm>> -> memref<1x40000xf32, #tpu.memory_space<hbm>>
        %dma_wait3A_79 = tpu.memref_squeeze %dma_wait3A_78 : memref<1x40000xf32, #tpu.memory_space<hbm>> -> memref<40000xf32, #tpu.memory_space<hbm>>
        %dma_wait3A_80 = arith.constant 0 : i32
        %dma_wait3A_81 = tpu.memref_slice %arg6[%sub3A_76, %dma_wait3A_80] : memref<1024x40000xf32, #tpu.memory_space<hbm>> -> memref<1x40000xf32, #tpu.memory_space<hbm>>
        %dma_wait3A_82 = tpu.memref_squeeze %dma_wait3A_81 : memref<1x40000xf32, #tpu.memory_space<hbm>> -> memref<40000xf32, #tpu.memory_space<hbm>>
        tpu.wait_dma2 semaphore(%arg13 : memref<!tpu.dma_semaphore, #tpu.memory_space<semaphore_mem>>) src(%arg11 : memref<40000xf32, #tpu.memory_space<vmem>>) dst(%dma_wait3A_82 : memref<40000xf32, #tpu.memory_space<hbm>>)
      } else {
      }
      %mul3A_35 = arith.constant 200 : i32
      %mul3A_36 = arith.muli %mul3A_32, %mul3A_35 : i32
      %broadcast_in_dim3A = vector.broadcast %mul3A_36 : i32 to vector<16xi32>
      %scan3A_37 = arith.constant 0 : i32
      %scan3A_38 = arith.constant 0 : i32
      %scan3A_39 = arith.constant 100 : i32
      %scan3A_40 = arith.addi %scan3A_38, %scan3A_39 : i32
      %scan3A_41 = arith.constant 1 : i32
      scf.for %scan3A_74 = %scan3A_38 to %scan3A_40 step %scan3A_41  : i32 {
        %mul3A_75 = arith.constant 400 : i32
        %mul3A_76 = arith.muli %scan3A_74, %mul3A_75 : i32
        %add3A_77 = arith.constant 0 : i32
        %add3A_78 = arith.addi %mul3A_76, %add3A_77 : i32
        %add3A_79 = vector.broadcast %add3A_78 : i32 to vector<16xi32>
        %add3A_80 = arith.addi %add3A_79, %iota3A : vector<16xi32>
        %add3A_81 = arith.constant 16 : i32
        %add3A_82 = arith.addi %mul3A_76, %add3A_81 : i32
        %add3A_83 = vector.broadcast %add3A_82 : i32 to vector<16xi32>
        %add3A_84 = arith.addi %add3A_83, %iota3A : vector<16xi32>
        %add3A_85 = arith.constant 32 : i32
        %add3A_86 = arith.addi %mul3A_76, %add3A_85 : i32
        %add3A_87 = vector.broadcast %add3A_86 : i32 to vector<16xi32>
        %add3A_88 = arith.addi %add3A_87, %iota3A : vector<16xi32>
        %add3A_89 = arith.constant 48 : i32
        %add3A_90 = arith.addi %mul3A_76, %add3A_89 : i32
        %add3A_91 = vector.broadcast %add3A_90 : i32 to vector<16xi32>
        %add3A_92 = arith.addi %add3A_91, %iota3A : vector<16xi32>
        %add3A_93 = arith.constant 64 : i32
        %add3A_94 = arith.addi %mul3A_76, %add3A_93 : i32
        %add3A_95 = vector.broadcast %add3A_94 : i32 to vector<16xi32>
        %add3A_96 = arith.addi %add3A_95, %iota3A : vector<16xi32>
        %add3A_97 = arith.constant 80 : i32
        %add3A_98 = arith.addi %mul3A_76, %add3A_97 : i32
        %add3A_99 = vector.broadcast %add3A_98 : i32 to vector<16xi32>
        %add3A_100 = arith.addi %add3A_99, %iota3A : vector<16xi32>
        %add3A_101 = arith.constant 96 : i32
        %add3A_102 = arith.addi %mul3A_76, %add3A_101 : i32
        %add3A_103 = vector.broadcast %add3A_102 : i32 to vector<16xi32>
        %add3A_104 = arith.addi %add3A_103, %iota3A : vector<16xi32>
        %add3A_105 = arith.constant 112 : i32
        %add3A_106 = arith.addi %mul3A_76, %add3A_105 : i32
        %add3A_107 = vector.broadcast %add3A_106 : i32 to vector<16xi32>
        %add3A_108 = arith.addi %add3A_107, %iota3A : vector<16xi32>
        %add3A_109 = arith.constant 128 : i32
        %add3A_110 = arith.addi %mul3A_76, %add3A_109 : i32
        %add3A_111 = vector.broadcast %add3A_110 : i32 to vector<16xi32>
        %add3A_112 = arith.addi %add3A_111, %iota3A : vector<16xi32>
        %add3A_113 = arith.constant 144 : i32
        %add3A_114 = arith.addi %mul3A_76, %add3A_113 : i32
        %add3A_115 = vector.broadcast %add3A_114 : i32 to vector<16xi32>
        %add3A_116 = arith.addi %add3A_115, %iota3A : vector<16xi32>
        %add3A_117 = arith.constant 160 : i32
        %add3A_118 = arith.addi %mul3A_76, %add3A_117 : i32
        %add3A_119 = vector.broadcast %add3A_118 : i32 to vector<16xi32>
        %add3A_120 = arith.addi %add3A_119, %iota3A : vector<16xi32>
        %add3A_121 = arith.constant 176 : i32
        %add3A_122 = arith.addi %mul3A_76, %add3A_121 : i32
        %add3A_123 = vector.broadcast %add3A_122 : i32 to vector<16xi32>
        %add3A_124 = arith.addi %add3A_123, %iota3A : vector<16xi32>
        %add3A_125 = arith.constant 192 : i32
        %add3A_126 = arith.addi %mul3A_76, %add3A_125 : i32
        %add3A_127 = vector.broadcast %add3A_126 : i32 to vector<16xi32>
        %add3A_128 = arith.addi %add3A_127, %iota3A : vector<16xi32>
        %add3A_129 = arith.constant 208 : i32
        %add3A_130 = arith.addi %mul3A_76, %add3A_129 : i32
        %add3A_131 = vector.broadcast %add3A_130 : i32 to vector<16xi32>
        %add3A_132 = arith.addi %add3A_131, %iota3A : vector<16xi32>
        %add3A_133 = arith.constant 224 : i32
        %add3A_134 = arith.addi %mul3A_76, %add3A_133 : i32
        %add3A_135 = vector.broadcast %add3A_134 : i32 to vector<16xi32>
        %add3A_136 = arith.addi %add3A_135, %iota3A : vector<16xi32>
        %add3A_137 = arith.constant 240 : i32
        %add3A_138 = arith.addi %mul3A_76, %add3A_137 : i32
        %add3A_139 = vector.broadcast %add3A_138 : i32 to vector<16xi32>
        %add3A_140 = arith.addi %add3A_139, %iota3A : vector<16xi32>
        %add3A_141 = arith.constant 256 : i32
        %add3A_142 = arith.addi %mul3A_76, %add3A_141 : i32
        %add3A_143 = vector.broadcast %add3A_142 : i32 to vector<16xi32>
        %add3A_144 = arith.addi %add3A_143, %iota3A : vector<16xi32>
        %add3A_145 = arith.constant 272 : i32
        %add3A_146 = arith.addi %mul3A_76, %add3A_145 : i32
        %add3A_147 = vector.broadcast %add3A_146 : i32 to vector<16xi32>
        %add3A_148 = arith.addi %add3A_147, %iota3A : vector<16xi32>
        %add3A_149 = arith.constant 288 : i32
        %add3A_150 = arith.addi %mul3A_76, %add3A_149 : i32
        %add3A_151 = vector.broadcast %add3A_150 : i32 to vector<16xi32>
        %add3A_152 = arith.addi %add3A_151, %iota3A : vector<16xi32>
        %add3A_153 = arith.constant 304 : i32
        %add3A_154 = arith.addi %mul3A_76, %add3A_153 : i32
        %add3A_155 = vector.broadcast %add3A_154 : i32 to vector<16xi32>
        %add3A_156 = arith.addi %add3A_155, %iota3A : vector<16xi32>
        %add3A_157 = arith.constant 320 : i32
        %add3A_158 = arith.addi %mul3A_76, %add3A_157 : i32
        %add3A_159 = vector.broadcast %add3A_158 : i32 to vector<16xi32>
        %add3A_160 = arith.addi %add3A_159, %iota3A : vector<16xi32>
        %add3A_161 = arith.constant 336 : i32
        %add3A_162 = arith.addi %mul3A_76, %add3A_161 : i32
        %add3A_163 = vector.broadcast %add3A_162 : i32 to vector<16xi32>
        %add3A_164 = arith.addi %add3A_163, %iota3A : vector<16xi32>
        %add3A_165 = arith.constant 352 : i32
        %add3A_166 = arith.addi %mul3A_76, %add3A_165 : i32
        %add3A_167 = vector.broadcast %add3A_166 : i32 to vector<16xi32>
        %add3A_168 = arith.addi %add3A_167, %iota3A : vector<16xi32>
        %add3A_169 = arith.constant 368 : i32
        %add3A_170 = arith.addi %mul3A_76, %add3A_169 : i32
        %add3A_171 = vector.broadcast %add3A_170 : i32 to vector<16xi32>
        %add3A_172 = arith.addi %add3A_171, %iota3A : vector<16xi32>
        %add3A_173 = arith.constant 384 : i32
        %add3A_174 = arith.addi %mul3A_76, %add3A_173 : i32
        %add3A_175 = vector.broadcast %add3A_174 : i32 to vector<16xi32>
        %add3A_176 = arith.addi %add3A_175, %iota3A : vector<16xi32>
        %mul3A_177 = arith.constant 10486 : i32
        %mul3A_178 = vector.broadcast %mul3A_177 : i32 to vector<16xi32>
        %mul3A_179 = arith.muli %add3A_80, %mul3A_178 : vector<16xi32>
        %shift_right_arithmetic3A = arith.constant 21 : i32
        %shift_right_arithmetic3A_180 = vector.broadcast %shift_right_arithmetic3A : i32 to vector<16xi32>
        %shift_right_arithmetic3A_181 = arith.shrsi %mul3A_179, %shift_right_arithmetic3A_180 : vector<16xi32>
        %mul3A_182 = arith.constant 10486 : i32
        %mul3A_183 = vector.broadcast %mul3A_182 : i32 to vector<16xi32>
        %mul3A_184 = arith.muli %add3A_84, %mul3A_183 : vector<16xi32>
        %shift_right_arithmetic3A_185 = arith.constant 21 : i32
        %shift_right_arithmetic3A_186 = vector.broadcast %shift_right_arithmetic3A_185 : i32 to vector<16xi32>
        %shift_right_arithmetic3A_187 = arith.shrsi %mul3A_184, %shift_right_arithmetic3A_186 : vector<16xi32>
        %mul3A_188 = arith.constant 10486 : i32
        %mul3A_189 = vector.broadcast %mul3A_188 : i32 to vector<16xi32>
        %mul3A_190 = arith.muli %add3A_88, %mul3A_189 : vector<16xi32>
        %shift_right_arithmetic3A_191 = arith.constant 21 : i32
        %shift_right_arithmetic3A_192 = vector.broadcast %shift_right_arithmetic3A_191 : i32 to vector<16xi32>
        %shift_right_arithmetic3A_193 = arith.shrsi %mul3A_190, %shift_right_arithmetic3A_192 : vector<16xi32>
        %mul3A_194 = arith.constant 10486 : i32
        %mul3A_195 = vector.broadcast %mul3A_194 : i32 to vector<16xi32>
        %mul3A_196 = arith.muli %add3A_92, %mul3A_195 : vector<16xi32>
        %shift_right_arithmetic3A_197 = arith.constant 21 : i32
        %shift_right_arithmetic3A_198 = vector.broadcast %shift_right_arithmetic3A_197 : i32 to vector<16xi32>
        %shift_right_arithmetic3A_199 = arith.shrsi %mul3A_196, %shift_right_arithmetic3A_198 : vector<16xi32>
        %mul3A_200 = arith.constant 10486 : i32
        %mul3A_201 = vector.broadcast %mul3A_200 : i32 to vector<16xi32>
        %mul3A_202 = arith.muli %add3A_96, %mul3A_201 : vector<16xi32>
        %shift_right_arithmetic3A_203 = arith.constant 21 : i32
        %shift_right_arithmetic3A_204 = vector.broadcast %shift_right_arithmetic3A_203 : i32 to vector<16xi32>
        %shift_right_arithmetic3A_205 = arith.shrsi %mul3A_202, %shift_right_arithmetic3A_204 : vector<16xi32>
        %mul3A_206 = arith.constant 10486 : i32
        %mul3A_207 = vector.broadcast %mul3A_206 : i32 to vector<16xi32>
        %mul3A_208 = arith.muli %add3A_100, %mul3A_207 : vector<16xi32>
        %shift_right_arithmetic3A_209 = arith.constant 21 : i32
        %shift_right_arithmetic3A_210 = vector.broadcast %shift_right_arithmetic3A_209 : i32 to vector<16xi32>
        %shift_right_arithmetic3A_211 = arith.shrsi %mul3A_208, %shift_right_arithmetic3A_210 : vector<16xi32>
        %mul3A_212 = arith.constant 10486 : i32
        %mul3A_213 = vector.broadcast %mul3A_212 : i32 to vector<16xi32>
        %mul3A_214 = arith.muli %add3A_104, %mul3A_213 : vector<16xi32>
        %shift_right_arithmetic3A_215 = arith.constant 21 : i32
        %shift_right_arithmetic3A_216 = vector.broadcast %shift_right_arithmetic3A_215 : i32 to vector<16xi32>
        %shift_right_arithmetic3A_217 = arith.shrsi %mul3A_214, %shift_right_arithmetic3A_216 : vector<16xi32>
        %mul3A_218 = arith.constant 10486 : i32
        %mul3A_219 = vector.broadcast %mul3A_218 : i32 to vector<16xi32>
        %mul3A_220 = arith.muli %add3A_108, %mul3A_219 : vector<16xi32>
        %shift_right_arithmetic3A_221 = arith.constant 21 : i32
        %shift_right_arithmetic3A_222 = vector.broadcast %shift_right_arithmetic3A_221 : i32 to vector<16xi32>
        %shift_right_arithmetic3A_223 = arith.shrsi %mul3A_220, %shift_right_arithmetic3A_222 : vector<16xi32>
        %mul3A_224 = arith.constant 10486 : i32
        %mul3A_225 = vector.broadcast %mul3A_224 : i32 to vector<16xi32>
        %mul3A_226 = arith.muli %add3A_112, %mul3A_225 : vector<16xi32>
        %shift_right_arithmetic3A_227 = arith.constant 21 : i32
        %shift_right_arithmetic3A_228 = vector.broadcast %shift_right_arithmetic3A_227 : i32 to vector<16xi32>
        %shift_right_arithmetic3A_229 = arith.shrsi %mul3A_226, %shift_right_arithmetic3A_228 : vector<16xi32>
        %mul3A_230 = arith.constant 10486 : i32
        %mul3A_231 = vector.broadcast %mul3A_230 : i32 to vector<16xi32>
        %mul3A_232 = arith.muli %add3A_116, %mul3A_231 : vector<16xi32>
        %shift_right_arithmetic3A_233 = arith.constant 21 : i32
        %shift_right_arithmetic3A_234 = vector.broadcast %shift_right_arithmetic3A_233 : i32 to vector<16xi32>
        %shift_right_arithmetic3A_235 = arith.shrsi %mul3A_232, %shift_right_arithmetic3A_234 : vector<16xi32>
        %mul3A_236 = arith.constant 10486 : i32
        %mul3A_237 = vector.broadcast %mul3A_236 : i32 to vector<16xi32>
        %mul3A_238 = arith.muli %add3A_120, %mul3A_237 : vector<16xi32>
        %shift_right_arithmetic3A_239 = arith.constant 21 : i32
        %shift_right_arithmetic3A_240 = vector.broadcast %shift_right_arithmetic3A_239 : i32 to vector<16xi32>
        %shift_right_arithmetic3A_241 = arith.shrsi %mul3A_238, %shift_right_arithmetic3A_240 : vector<16xi32>
        %mul3A_242 = arith.constant 10486 : i32
        %mul3A_243 = vector.broadcast %mul3A_242 : i32 to vector<16xi32>
        %mul3A_244 = arith.muli %add3A_124, %mul3A_243 : vector<16xi32>
        %shift_right_arithmetic3A_245 = arith.constant 21 : i32
        %shift_right_arithmetic3A_246 = vector.broadcast %shift_right_arithmetic3A_245 : i32 to vector<16xi32>
        %shift_right_arithmetic3A_247 = arith.shrsi %mul3A_244, %shift_right_arithmetic3A_246 : vector<16xi32>
        %mul3A_248 = arith.constant 10486 : i32
        %mul3A_249 = vector.broadcast %mul3A_248 : i32 to vector<16xi32>
        %mul3A_250 = arith.muli %add3A_128, %mul3A_249 : vector<16xi32>
        %shift_right_arithmetic3A_251 = arith.constant 21 : i32
        %shift_right_arithmetic3A_252 = vector.broadcast %shift_right_arithmetic3A_251 : i32 to vector<16xi32>
        %shift_right_arithmetic3A_253 = arith.shrsi %mul3A_250, %shift_right_arithmetic3A_252 : vector<16xi32>
        %mul3A_254 = arith.constant 10486 : i32
        %mul3A_255 = vector.broadcast %mul3A_254 : i32 to vector<16xi32>
        %mul3A_256 = arith.muli %add3A_132, %mul3A_255 : vector<16xi32>
        %shift_right_arithmetic3A_257 = arith.constant 21 : i32
        %shift_right_arithmetic3A_258 = vector.broadcast %shift_right_arithmetic3A_257 : i32 to vector<16xi32>
        %shift_right_arithmetic3A_259 = arith.shrsi %mul3A_256, %shift_right_arithmetic3A_258 : vector<16xi32>
        %mul3A_260 = arith.constant 10486 : i32
        %mul3A_261 = vector.broadcast %mul3A_260 : i32 to vector<16xi32>
        %mul3A_262 = arith.muli %add3A_136, %mul3A_261 : vector<16xi32>
        %shift_right_arithmetic3A_263 = arith.constant 21 : i32
        %shift_right_arithmetic3A_264 = vector.broadcast %shift_right_arithmetic3A_263 : i32 to vector<16xi32>
        %shift_right_arithmetic3A_265 = arith.shrsi %mul3A_262, %shift_right_arithmetic3A_264 : vector<16xi32>
        %mul3A_266 = arith.constant 10486 : i32
        %mul3A_267 = vector.broadcast %mul3A_266 : i32 to vector<16xi32>
        %mul3A_268 = arith.muli %add3A_140, %mul3A_267 : vector<16xi32>
        %shift_right_arithmetic3A_269 = arith.constant 21 : i32
        %shift_right_arithmetic3A_270 = vector.broadcast %shift_right_arithmetic3A_269 : i32 to vector<16xi32>
        %shift_right_arithmetic3A_271 = arith.shrsi %mul3A_268, %shift_right_arithmetic3A_270 : vector<16xi32>
        %mul3A_272 = arith.constant 10486 : i32
        %mul3A_273 = vector.broadcast %mul3A_272 : i32 to vector<16xi32>
        %mul3A_274 = arith.muli %add3A_144, %mul3A_273 : vector<16xi32>
        %shift_right_arithmetic3A_275 = arith.constant 21 : i32
        %shift_right_arithmetic3A_276 = vector.broadcast %shift_right_arithmetic3A_275 : i32 to vector<16xi32>
        %shift_right_arithmetic3A_277 = arith.shrsi %mul3A_274, %shift_right_arithmetic3A_276 : vector<16xi32>
        %mul3A_278 = arith.constant 10486 : i32
        %mul3A_279 = vector.broadcast %mul3A_278 : i32 to vector<16xi32>
        %mul3A_280 = arith.muli %add3A_148, %mul3A_279 : vector<16xi32>
        %shift_right_arithmetic3A_281 = arith.constant 21 : i32
        %shift_right_arithmetic3A_282 = vector.broadcast %shift_right_arithmetic3A_281 : i32 to vector<16xi32>
        %shift_right_arithmetic3A_283 = arith.shrsi %mul3A_280, %shift_right_arithmetic3A_282 : vector<16xi32>
        %mul3A_284 = arith.constant 10486 : i32
        %mul3A_285 = vector.broadcast %mul3A_284 : i32 to vector<16xi32>
        %mul3A_286 = arith.muli %add3A_152, %mul3A_285 : vector<16xi32>
        %shift_right_arithmetic3A_287 = arith.constant 21 : i32
        %shift_right_arithmetic3A_288 = vector.broadcast %shift_right_arithmetic3A_287 : i32 to vector<16xi32>
        %shift_right_arithmetic3A_289 = arith.shrsi %mul3A_286, %shift_right_arithmetic3A_288 : vector<16xi32>
        %mul3A_290 = arith.constant 10486 : i32
        %mul3A_291 = vector.broadcast %mul3A_290 : i32 to vector<16xi32>
        %mul3A_292 = arith.muli %add3A_156, %mul3A_291 : vector<16xi32>
        %shift_right_arithmetic3A_293 = arith.constant 21 : i32
        %shift_right_arithmetic3A_294 = vector.broadcast %shift_right_arithmetic3A_293 : i32 to vector<16xi32>
        %shift_right_arithmetic3A_295 = arith.shrsi %mul3A_292, %shift_right_arithmetic3A_294 : vector<16xi32>
        %mul3A_296 = arith.constant 10486 : i32
        %mul3A_297 = vector.broadcast %mul3A_296 : i32 to vector<16xi32>
        %mul3A_298 = arith.muli %add3A_160, %mul3A_297 : vector<16xi32>
        %shift_right_arithmetic3A_299 = arith.constant 21 : i32
        %shift_right_arithmetic3A_300 = vector.broadcast %shift_right_arithmetic3A_299 : i32 to vector<16xi32>
        %shift_right_arithmetic3A_301 = arith.shrsi %mul3A_298, %shift_right_arithmetic3A_300 : vector<16xi32>
        %mul3A_302 = arith.constant 10486 : i32
        %mul3A_303 = vector.broadcast %mul3A_302 : i32 to vector<16xi32>
        %mul3A_304 = arith.muli %add3A_164, %mul3A_303 : vector<16xi32>
        %shift_right_arithmetic3A_305 = arith.constant 21 : i32
        %shift_right_arithmetic3A_306 = vector.broadcast %shift_right_arithmetic3A_305 : i32 to vector<16xi32>
        %shift_right_arithmetic3A_307 = arith.shrsi %mul3A_304, %shift_right_arithmetic3A_306 : vector<16xi32>
        %mul3A_308 = arith.constant 10486 : i32
        %mul3A_309 = vector.broadcast %mul3A_308 : i32 to vector<16xi32>
        %mul3A_310 = arith.muli %add3A_168, %mul3A_309 : vector<16xi32>
        %shift_right_arithmetic3A_311 = arith.constant 21 : i32
        %shift_right_arithmetic3A_312 = vector.broadcast %shift_right_arithmetic3A_311 : i32 to vector<16xi32>
        %shift_right_arithmetic3A_313 = arith.shrsi %mul3A_310, %shift_right_arithmetic3A_312 : vector<16xi32>
        %mul3A_314 = arith.constant 10486 : i32
        %mul3A_315 = vector.broadcast %mul3A_314 : i32 to vector<16xi32>
        %mul3A_316 = arith.muli %add3A_172, %mul3A_315 : vector<16xi32>
        %shift_right_arithmetic3A_317 = arith.constant 21 : i32
        %shift_right_arithmetic3A_318 = vector.broadcast %shift_right_arithmetic3A_317 : i32 to vector<16xi32>
        %shift_right_arithmetic3A_319 = arith.shrsi %mul3A_316, %shift_right_arithmetic3A_318 : vector<16xi32>
        %mul3A_320 = arith.constant 10486 : i32
        %mul3A_321 = vector.broadcast %mul3A_320 : i32 to vector<16xi32>
        %mul3A_322 = arith.muli %add3A_176, %mul3A_321 : vector<16xi32>
        %shift_right_arithmetic3A_323 = arith.constant 21 : i32
        %shift_right_arithmetic3A_324 = vector.broadcast %shift_right_arithmetic3A_323 : i32 to vector<16xi32>
        %shift_right_arithmetic3A_325 = arith.shrsi %mul3A_322, %shift_right_arithmetic3A_324 : vector<16xi32>
        %mul3A_326 = arith.constant 200 : i32
        %mul3A_327 = vector.broadcast %mul3A_326 : i32 to vector<16xi32>
        %mul3A_328 = arith.muli %shift_right_arithmetic3A_181, %mul3A_327 : vector<16xi32>
        %sub3A_329 = arith.subi %add3A_80, %mul3A_328 : vector<16xi32>
        %mul3A_330 = arith.constant 200 : i32
        %mul3A_331 = vector.broadcast %mul3A_330 : i32 to vector<16xi32>
        %mul3A_332 = arith.muli %shift_right_arithmetic3A_187, %mul3A_331 : vector<16xi32>
        %sub3A_333 = arith.subi %add3A_84, %mul3A_332 : vector<16xi32>
        %mul3A_334 = arith.constant 200 : i32
        %mul3A_335 = vector.broadcast %mul3A_334 : i32 to vector<16xi32>
        %mul3A_336 = arith.muli %shift_right_arithmetic3A_193, %mul3A_335 : vector<16xi32>
        %sub3A_337 = arith.subi %add3A_88, %mul3A_336 : vector<16xi32>
        %mul3A_338 = arith.constant 200 : i32
        %mul3A_339 = vector.broadcast %mul3A_338 : i32 to vector<16xi32>
        %mul3A_340 = arith.muli %shift_right_arithmetic3A_199, %mul3A_339 : vector<16xi32>
        %sub3A_341 = arith.subi %add3A_92, %mul3A_340 : vector<16xi32>
        %mul3A_342 = arith.constant 200 : i32
        %mul3A_343 = vector.broadcast %mul3A_342 : i32 to vector<16xi32>
        %mul3A_344 = arith.muli %shift_right_arithmetic3A_205, %mul3A_343 : vector<16xi32>
        %sub3A_345 = arith.subi %add3A_96, %mul3A_344 : vector<16xi32>
        %mul3A_346 = arith.constant 200 : i32
        %mul3A_347 = vector.broadcast %mul3A_346 : i32 to vector<16xi32>
        %mul3A_348 = arith.muli %shift_right_arithmetic3A_211, %mul3A_347 : vector<16xi32>
        %sub3A_349 = arith.subi %add3A_100, %mul3A_348 : vector<16xi32>
        %mul3A_350 = arith.constant 200 : i32
        %mul3A_351 = vector.broadcast %mul3A_350 : i32 to vector<16xi32>
        %mul3A_352 = arith.muli %shift_right_arithmetic3A_217, %mul3A_351 : vector<16xi32>
        %sub3A_353 = arith.subi %add3A_104, %mul3A_352 : vector<16xi32>
        %mul3A_354 = arith.constant 200 : i32
        %mul3A_355 = vector.broadcast %mul3A_354 : i32 to vector<16xi32>
        %mul3A_356 = arith.muli %shift_right_arithmetic3A_223, %mul3A_355 : vector<16xi32>
        %sub3A_357 = arith.subi %add3A_108, %mul3A_356 : vector<16xi32>
        %mul3A_358 = arith.constant 200 : i32
        %mul3A_359 = vector.broadcast %mul3A_358 : i32 to vector<16xi32>
        %mul3A_360 = arith.muli %shift_right_arithmetic3A_229, %mul3A_359 : vector<16xi32>
        %sub3A_361 = arith.subi %add3A_112, %mul3A_360 : vector<16xi32>
        %mul3A_362 = arith.constant 200 : i32
        %mul3A_363 = vector.broadcast %mul3A_362 : i32 to vector<16xi32>
        %mul3A_364 = arith.muli %shift_right_arithmetic3A_235, %mul3A_363 : vector<16xi32>
        %sub3A_365 = arith.subi %add3A_116, %mul3A_364 : vector<16xi32>
        %mul3A_366 = arith.constant 200 : i32
        %mul3A_367 = vector.broadcast %mul3A_366 : i32 to vector<16xi32>
        %mul3A_368 = arith.muli %shift_right_arithmetic3A_241, %mul3A_367 : vector<16xi32>
        %sub3A_369 = arith.subi %add3A_120, %mul3A_368 : vector<16xi32>
        %mul3A_370 = arith.constant 200 : i32
        %mul3A_371 = vector.broadcast %mul3A_370 : i32 to vector<16xi32>
        %mul3A_372 = arith.muli %shift_right_arithmetic3A_247, %mul3A_371 : vector<16xi32>
        %sub3A_373 = arith.subi %add3A_124, %mul3A_372 : vector<16xi32>
        %mul3A_374 = arith.constant 200 : i32
        %mul3A_375 = vector.broadcast %mul3A_374 : i32 to vector<16xi32>
        %mul3A_376 = arith.muli %shift_right_arithmetic3A_253, %mul3A_375 : vector<16xi32>
        %sub3A_377 = arith.subi %add3A_128, %mul3A_376 : vector<16xi32>
        %mul3A_378 = arith.constant 200 : i32
        %mul3A_379 = vector.broadcast %mul3A_378 : i32 to vector<16xi32>
        %mul3A_380 = arith.muli %shift_right_arithmetic3A_259, %mul3A_379 : vector<16xi32>
        %sub3A_381 = arith.subi %add3A_132, %mul3A_380 : vector<16xi32>
        %mul3A_382 = arith.constant 200 : i32
        %mul3A_383 = vector.broadcast %mul3A_382 : i32 to vector<16xi32>
        %mul3A_384 = arith.muli %shift_right_arithmetic3A_265, %mul3A_383 : vector<16xi32>
        %sub3A_385 = arith.subi %add3A_136, %mul3A_384 : vector<16xi32>
        %mul3A_386 = arith.constant 200 : i32
        %mul3A_387 = vector.broadcast %mul3A_386 : i32 to vector<16xi32>
        %mul3A_388 = arith.muli %shift_right_arithmetic3A_271, %mul3A_387 : vector<16xi32>
        %sub3A_389 = arith.subi %add3A_140, %mul3A_388 : vector<16xi32>
        %mul3A_390 = arith.constant 200 : i32
        %mul3A_391 = vector.broadcast %mul3A_390 : i32 to vector<16xi32>
        %mul3A_392 = arith.muli %shift_right_arithmetic3A_277, %mul3A_391 : vector<16xi32>
        %sub3A_393 = arith.subi %add3A_144, %mul3A_392 : vector<16xi32>
        %mul3A_394 = arith.constant 200 : i32
        %mul3A_395 = vector.broadcast %mul3A_394 : i32 to vector<16xi32>
        %mul3A_396 = arith.muli %shift_right_arithmetic3A_283, %mul3A_395 : vector<16xi32>
        %sub3A_397 = arith.subi %add3A_148, %mul3A_396 : vector<16xi32>
        %mul3A_398 = arith.constant 200 : i32
        %mul3A_399 = vector.broadcast %mul3A_398 : i32 to vector<16xi32>
        %mul3A_400 = arith.muli %shift_right_arithmetic3A_289, %mul3A_399 : vector<16xi32>
        %sub3A_401 = arith.subi %add3A_152, %mul3A_400 : vector<16xi32>
        %mul3A_402 = arith.constant 200 : i32
        %mul3A_403 = vector.broadcast %mul3A_402 : i32 to vector<16xi32>
        %mul3A_404 = arith.muli %shift_right_arithmetic3A_295, %mul3A_403 : vector<16xi32>
        %sub3A_405 = arith.subi %add3A_156, %mul3A_404 : vector<16xi32>
        %mul3A_406 = arith.constant 200 : i32
        %mul3A_407 = vector.broadcast %mul3A_406 : i32 to vector<16xi32>
        %mul3A_408 = arith.muli %shift_right_arithmetic3A_301, %mul3A_407 : vector<16xi32>
        %sub3A_409 = arith.subi %add3A_160, %mul3A_408 : vector<16xi32>
        %mul3A_410 = arith.constant 200 : i32
        %mul3A_411 = vector.broadcast %mul3A_410 : i32 to vector<16xi32>
        %mul3A_412 = arith.muli %shift_right_arithmetic3A_307, %mul3A_411 : vector<16xi32>
        %sub3A_413 = arith.subi %add3A_164, %mul3A_412 : vector<16xi32>
        %mul3A_414 = arith.constant 200 : i32
        %mul3A_415 = vector.broadcast %mul3A_414 : i32 to vector<16xi32>
        %mul3A_416 = arith.muli %shift_right_arithmetic3A_313, %mul3A_415 : vector<16xi32>
        %sub3A_417 = arith.subi %add3A_168, %mul3A_416 : vector<16xi32>
        %mul3A_418 = arith.constant 200 : i32
        %mul3A_419 = vector.broadcast %mul3A_418 : i32 to vector<16xi32>
        %mul3A_420 = arith.muli %shift_right_arithmetic3A_319, %mul3A_419 : vector<16xi32>
        %sub3A_421 = arith.subi %add3A_172, %mul3A_420 : vector<16xi32>
        %mul3A_422 = arith.constant 200 : i32
        %mul3A_423 = vector.broadcast %mul3A_422 : i32 to vector<16xi32>
        %mul3A_424 = arith.muli %shift_right_arithmetic3A_325, %mul3A_423 : vector<16xi32>
        %sub3A_425 = arith.subi %add3A_176, %mul3A_424 : vector<16xi32>
        %add3A_426 = arith.addi %broadcast_in_dim3A, %shift_right_arithmetic3A_181 : vector<16xi32>
        %gather3A = tpu.vector_load_idx %arg7[%add3A_426] : memref<6400xi32, #tpu.memory_space<vmem>>[vector<16xi32>], vector<16xi32>,
        %add3A_427 = arith.addi %broadcast_in_dim3A, %shift_right_arithmetic3A_187 : vector<16xi32>
        %gather3A_428 = tpu.vector_load_idx %arg7[%add3A_427] : memref<6400xi32, #tpu.memory_space<vmem>>[vector<16xi32>], vector<16xi32>,
        %add3A_429 = arith.addi %broadcast_in_dim3A, %shift_right_arithmetic3A_193 : vector<16xi32>
        %gather3A_430 = tpu.vector_load_idx %arg7[%add3A_429] : memref<6400xi32, #tpu.memory_space<vmem>>[vector<16xi32>], vector<16xi32>,
        %add3A_431 = arith.addi %broadcast_in_dim3A, %shift_right_arithmetic3A_199 : vector<16xi32>
        %gather3A_432 = tpu.vector_load_idx %arg7[%add3A_431] : memref<6400xi32, #tpu.memory_space<vmem>>[vector<16xi32>], vector<16xi32>,
        %add3A_433 = arith.addi %broadcast_in_dim3A, %shift_right_arithmetic3A_205 : vector<16xi32>
        %gather3A_434 = tpu.vector_load_idx %arg7[%add3A_433] : memref<6400xi32, #tpu.memory_space<vmem>>[vector<16xi32>], vector<16xi32>,
        %add3A_435 = arith.addi %broadcast_in_dim3A, %shift_right_arithmetic3A_211 : vector<16xi32>
        %gather3A_436 = tpu.vector_load_idx %arg7[%add3A_435] : memref<6400xi32, #tpu.memory_space<vmem>>[vector<16xi32>], vector<16xi32>,
        %add3A_437 = arith.addi %broadcast_in_dim3A, %shift_right_arithmetic3A_217 : vector<16xi32>
        %gather3A_438 = tpu.vector_load_idx %arg7[%add3A_437] : memref<6400xi32, #tpu.memory_space<vmem>>[vector<16xi32>], vector<16xi32>,
        %add3A_439 = arith.addi %broadcast_in_dim3A, %shift_right_arithmetic3A_223 : vector<16xi32>
        %gather3A_440 = tpu.vector_load_idx %arg7[%add3A_439] : memref<6400xi32, #tpu.memory_space<vmem>>[vector<16xi32>], vector<16xi32>,
        %add3A_441 = arith.addi %broadcast_in_dim3A, %shift_right_arithmetic3A_229 : vector<16xi32>
        %gather3A_442 = tpu.vector_load_idx %arg7[%add3A_441] : memref<6400xi32, #tpu.memory_space<vmem>>[vector<16xi32>], vector<16xi32>,
        %add3A_443 = arith.addi %broadcast_in_dim3A, %shift_right_arithmetic3A_235 : vector<16xi32>
        %gather3A_444 = tpu.vector_load_idx %arg7[%add3A_443] : memref<6400xi32, #tpu.memory_space<vmem>>[vector<16xi32>], vector<16xi32>,
        %add3A_445 = arith.addi %broadcast_in_dim3A, %shift_right_arithmetic3A_241 : vector<16xi32>
        %gather3A_446 = tpu.vector_load_idx %arg7[%add3A_445] : memref<6400xi32, #tpu.memory_space<vmem>>[vector<16xi32>], vector<16xi32>,
        %add3A_447 = arith.addi %broadcast_in_dim3A, %shift_right_arithmetic3A_247 : vector<16xi32>
        %gather3A_448 = tpu.vector_load_idx %arg7[%add3A_447] : memref<6400xi32, #tpu.memory_space<vmem>>[vector<16xi32>], vector<16xi32>,
        %add3A_449 = arith.addi %broadcast_in_dim3A, %shift_right_arithmetic3A_253 : vector<16xi32>
        %gather3A_450 = tpu.vector_load_idx %arg7[%add3A_449] : memref<6400xi32, #tpu.memory_space<vmem>>[vector<16xi32>], vector<16xi32>,
        %add3A_451 = arith.addi %broadcast_in_dim3A, %shift_right_arithmetic3A_259 : vector<16xi32>
        %gather3A_452 = tpu.vector_load_idx %arg7[%add3A_451] : memref<6400xi32, #tpu.memory_space<vmem>>[vector<16xi32>], vector<16xi32>,
        %add3A_453 = arith.addi %broadcast_in_dim3A, %shift_right_arithmetic3A_265 : vector<16xi32>
        %gather3A_454 = tpu.vector_load_idx %arg7[%add3A_453] : memref<6400xi32, #tpu.memory_space<vmem>>[vector<16xi32>], vector<16xi32>,
        %add3A_455 = arith.addi %broadcast_in_dim3A, %shift_right_arithmetic3A_271 : vector<16xi32>
        %gather3A_456 = tpu.vector_load_idx %arg7[%add3A_455] : memref<6400xi32, #tpu.memory_space<vmem>>[vector<16xi32>], vector<16xi32>,
        %add3A_457 = arith.addi %broadcast_in_dim3A, %shift_right_arithmetic3A_277 : vector<16xi32>
        %gather3A_458 = tpu.vector_load_idx %arg7[%add3A_457] : memref<6400xi32, #tpu.memory_space<vmem>>[vector<16xi32>], vector<16xi32>,
        %add3A_459 = arith.addi %broadcast_in_dim3A, %shift_right_arithmetic3A_283 : vector<16xi32>
        %gather3A_460 = tpu.vector_load_idx %arg7[%add3A_459] : memref<6400xi32, #tpu.memory_space<vmem>>[vector<16xi32>], vector<16xi32>,
        %add3A_461 = arith.addi %broadcast_in_dim3A, %shift_right_arithmetic3A_289 : vector<16xi32>
        %gather3A_462 = tpu.vector_load_idx %arg7[%add3A_461] : memref<6400xi32, #tpu.memory_space<vmem>>[vector<16xi32>], vector<16xi32>,
        %add3A_463 = arith.addi %broadcast_in_dim3A, %shift_right_arithmetic3A_295 : vector<16xi32>
        %gather3A_464 = tpu.vector_load_idx %arg7[%add3A_463] : memref<6400xi32, #tpu.memory_space<vmem>>[vector<16xi32>], vector<16xi32>,
        %add3A_465 = arith.addi %broadcast_in_dim3A, %shift_right_arithmetic3A_301 : vector<16xi32>
        %gather3A_466 = tpu.vector_load_idx %arg7[%add3A_465] : memref<6400xi32, #tpu.memory_space<vmem>>[vector<16xi32>], vector<16xi32>,
        %add3A_467 = arith.addi %broadcast_in_dim3A, %shift_right_arithmetic3A_307 : vector<16xi32>
        %gather3A_468 = tpu.vector_load_idx %arg7[%add3A_467] : memref<6400xi32, #tpu.memory_space<vmem>>[vector<16xi32>], vector<16xi32>,
        %add3A_469 = arith.addi %broadcast_in_dim3A, %shift_right_arithmetic3A_313 : vector<16xi32>
        %gather3A_470 = tpu.vector_load_idx %arg7[%add3A_469] : memref<6400xi32, #tpu.memory_space<vmem>>[vector<16xi32>], vector<16xi32>,
        %add3A_471 = arith.addi %broadcast_in_dim3A, %shift_right_arithmetic3A_319 : vector<16xi32>
        %gather3A_472 = tpu.vector_load_idx %arg7[%add3A_471] : memref<6400xi32, #tpu.memory_space<vmem>>[vector<16xi32>], vector<16xi32>,
        %add3A_473 = arith.addi %broadcast_in_dim3A, %shift_right_arithmetic3A_325 : vector<16xi32>
        %gather3A_474 = tpu.vector_load_idx %arg7[%add3A_473] : memref<6400xi32, #tpu.memory_space<vmem>>[vector<16xi32>], vector<16xi32>,
        %add3A_475 = arith.addi %broadcast_in_dim3A, %sub3A_329 : vector<16xi32>
        %gather3A_476 = tpu.vector_load_idx %arg8[%add3A_475] : memref<6400xi32, #tpu.memory_space<vmem>>[vector<16xi32>], vector<16xi32>,
        %add3A_477 = arith.addi %broadcast_in_dim3A, %sub3A_333 : vector<16xi32>
        %gather3A_478 = tpu.vector_load_idx %arg8[%add3A_477] : memref<6400xi32, #tpu.memory_space<vmem>>[vector<16xi32>], vector<16xi32>,
        %add3A_479 = arith.addi %broadcast_in_dim3A, %sub3A_337 : vector<16xi32>
        %gather3A_480 = tpu.vector_load_idx %arg8[%add3A_479] : memref<6400xi32, #tpu.memory_space<vmem>>[vector<16xi32>], vector<16xi32>,
        %add3A_481 = arith.addi %broadcast_in_dim3A, %sub3A_341 : vector<16xi32>
        %gather3A_482 = tpu.vector_load_idx %arg8[%add3A_481] : memref<6400xi32, #tpu.memory_space<vmem>>[vector<16xi32>], vector<16xi32>,
        %add3A_483 = arith.addi %broadcast_in_dim3A, %sub3A_345 : vector<16xi32>
        %gather3A_484 = tpu.vector_load_idx %arg8[%add3A_483] : memref<6400xi32, #tpu.memory_space<vmem>>[vector<16xi32>], vector<16xi32>,
        %add3A_485 = arith.addi %broadcast_in_dim3A, %sub3A_349 : vector<16xi32>
        %gather3A_486 = tpu.vector_load_idx %arg8[%add3A_485] : memref<6400xi32, #tpu.memory_space<vmem>>[vector<16xi32>], vector<16xi32>,
        %add3A_487 = arith.addi %broadcast_in_dim3A, %sub3A_353 : vector<16xi32>
        %gather3A_488 = tpu.vector_load_idx %arg8[%add3A_487] : memref<6400xi32, #tpu.memory_space<vmem>>[vector<16xi32>], vector<16xi32>,
        %add3A_489 = arith.addi %broadcast_in_dim3A, %sub3A_357 : vector<16xi32>
        %gather3A_490 = tpu.vector_load_idx %arg8[%add3A_489] : memref<6400xi32, #tpu.memory_space<vmem>>[vector<16xi32>], vector<16xi32>,
        %add3A_491 = arith.addi %broadcast_in_dim3A, %sub3A_361 : vector<16xi32>
        %gather3A_492 = tpu.vector_load_idx %arg8[%add3A_491] : memref<6400xi32, #tpu.memory_space<vmem>>[vector<16xi32>], vector<16xi32>,
        %add3A_493 = arith.addi %broadcast_in_dim3A, %sub3A_365 : vector<16xi32>
        %gather3A_494 = tpu.vector_load_idx %arg8[%add3A_493] : memref<6400xi32, #tpu.memory_space<vmem>>[vector<16xi32>], vector<16xi32>,
        %add3A_495 = arith.addi %broadcast_in_dim3A, %sub3A_369 : vector<16xi32>
        %gather3A_496 = tpu.vector_load_idx %arg8[%add3A_495] : memref<6400xi32, #tpu.memory_space<vmem>>[vector<16xi32>], vector<16xi32>,
        %add3A_497 = arith.addi %broadcast_in_dim3A, %sub3A_373 : vector<16xi32>
        %gather3A_498 = tpu.vector_load_idx %arg8[%add3A_497] : memref<6400xi32, #tpu.memory_space<vmem>>[vector<16xi32>], vector<16xi32>,
        %add3A_499 = arith.addi %broadcast_in_dim3A, %sub3A_377 : vector<16xi32>
        %gather3A_500 = tpu.vector_load_idx %arg8[%add3A_499] : memref<6400xi32, #tpu.memory_space<vmem>>[vector<16xi32>], vector<16xi32>,
        %add3A_501 = arith.addi %broadcast_in_dim3A, %sub3A_381 : vector<16xi32>
        %gather3A_502 = tpu.vector_load_idx %arg8[%add3A_501] : memref<6400xi32, #tpu.memory_space<vmem>>[vector<16xi32>], vector<16xi32>,
        %add3A_503 = arith.addi %broadcast_in_dim3A, %sub3A_385 : vector<16xi32>
        %gather3A_504 = tpu.vector_load_idx %arg8[%add3A_503] : memref<6400xi32, #tpu.memory_space<vmem>>[vector<16xi32>], vector<16xi32>,
        %add3A_505 = arith.addi %broadcast_in_dim3A, %sub3A_389 : vector<16xi32>
        %gather3A_506 = tpu.vector_load_idx %arg8[%add3A_505] : memref<6400xi32, #tpu.memory_space<vmem>>[vector<16xi32>], vector<16xi32>,
        %add3A_507 = arith.addi %broadcast_in_dim3A, %sub3A_393 : vector<16xi32>
        %gather3A_508 = tpu.vector_load_idx %arg8[%add3A_507] : memref<6400xi32, #tpu.memory_space<vmem>>[vector<16xi32>], vector<16xi32>,
        %add3A_509 = arith.addi %broadcast_in_dim3A, %sub3A_397 : vector<16xi32>
        %gather3A_510 = tpu.vector_load_idx %arg8[%add3A_509] : memref<6400xi32, #tpu.memory_space<vmem>>[vector<16xi32>], vector<16xi32>,
        %add3A_511 = arith.addi %broadcast_in_dim3A, %sub3A_401 : vector<16xi32>
        %gather3A_512 = tpu.vector_load_idx %arg8[%add3A_511] : memref<6400xi32, #tpu.memory_space<vmem>>[vector<16xi32>], vector<16xi32>,
        %add3A_513 = arith.addi %broadcast_in_dim3A, %sub3A_405 : vector<16xi32>
        %gather3A_514 = tpu.vector_load_idx %arg8[%add3A_513] : memref<6400xi32, #tpu.memory_space<vmem>>[vector<16xi32>], vector<16xi32>,
        %add3A_515 = arith.addi %broadcast_in_dim3A, %sub3A_409 : vector<16xi32>
        %gather3A_516 = tpu.vector_load_idx %arg8[%add3A_515] : memref<6400xi32, #tpu.memory_space<vmem>>[vector<16xi32>], vector<16xi32>,
        %add3A_517 = arith.addi %broadcast_in_dim3A, %sub3A_413 : vector<16xi32>
        %gather3A_518 = tpu.vector_load_idx %arg8[%add3A_517] : memref<6400xi32, #tpu.memory_space<vmem>>[vector<16xi32>], vector<16xi32>,
        %add3A_519 = arith.addi %broadcast_in_dim3A, %sub3A_417 : vector<16xi32>
        %gather3A_520 = tpu.vector_load_idx %arg8[%add3A_519] : memref<6400xi32, #tpu.memory_space<vmem>>[vector<16xi32>], vector<16xi32>,
        %add3A_521 = arith.addi %broadcast_in_dim3A, %sub3A_421 : vector<16xi32>
        %gather3A_522 = tpu.vector_load_idx %arg8[%add3A_521] : memref<6400xi32, #tpu.memory_space<vmem>>[vector<16xi32>], vector<16xi32>,
        %add3A_523 = arith.addi %broadcast_in_dim3A, %sub3A_425 : vector<16xi32>
        %gather3A_524 = tpu.vector_load_idx %arg8[%add3A_523] : memref<6400xi32, #tpu.memory_space<vmem>>[vector<16xi32>], vector<16xi32>,
        %sub3A_525 = arith.subi %gather3A, %gather3A_476 : vector<16xi32>
        %abs3A = math.absi %sub3A_525 : vector<16xi32>
        %max3A = arith.constant 1 : i32
        %max3A_526 = vector.broadcast %max3A : i32 to vector<16xi32>
        %max3A_527 = arith.maxsi %abs3A, %max3A_526 : vector<16xi32>
        %sub3A_528 = arith.subi %gather3A_428, %gather3A_478 : vector<16xi32>
        %abs3A_529 = math.absi %sub3A_528 : vector<16xi32>
        %max3A_530 = arith.constant 1 : i32
        %max3A_531 = vector.broadcast %max3A_530 : i32 to vector<16xi32>
        %max3A_532 = arith.maxsi %abs3A_529, %max3A_531 : vector<16xi32>
        %sub3A_533 = arith.subi %gather3A_430, %gather3A_480 : vector<16xi32>
        %abs3A_534 = math.absi %sub3A_533 : vector<16xi32>
        %max3A_535 = arith.constant 1 : i32
        %max3A_536 = vector.broadcast %max3A_535 : i32 to vector<16xi32>
        %max3A_537 = arith.maxsi %abs3A_534, %max3A_536 : vector<16xi32>
        %sub3A_538 = arith.subi %gather3A_432, %gather3A_482 : vector<16xi32>
        %abs3A_539 = math.absi %sub3A_538 : vector<16xi32>
        %max3A_540 = arith.constant 1 : i32
        %max3A_541 = vector.broadcast %max3A_540 : i32 to vector<16xi32>
        %max3A_542 = arith.maxsi %abs3A_539, %max3A_541 : vector<16xi32>
        %sub3A_543 = arith.subi %gather3A_434, %gather3A_484 : vector<16xi32>
        %abs3A_544 = math.absi %sub3A_543 : vector<16xi32>
        %max3A_545 = arith.constant 1 : i32
        %max3A_546 = vector.broadcast %max3A_545 : i32 to vector<16xi32>
        %max3A_547 = arith.maxsi %abs3A_544, %max3A_546 : vector<16xi32>
        %sub3A_548 = arith.subi %gather3A_436, %gather3A_486 : vector<16xi32>
        %abs3A_549 = math.absi %sub3A_548 : vector<16xi32>
        %max3A_550 = arith.constant 1 : i32
        %max3A_551 = vector.broadcast %max3A_550 : i32 to vector<16xi32>
        %max3A_552 = arith.maxsi %abs3A_549, %max3A_551 : vector<16xi32>
        %sub3A_553 = arith.subi %gather3A_438, %gather3A_488 : vector<16xi32>
        %abs3A_554 = math.absi %sub3A_553 : vector<16xi32>
        %max3A_555 = arith.constant 1 : i32
        %max3A_556 = vector.broadcast %max3A_555 : i32 to vector<16xi32>
        %max3A_557 = arith.maxsi %abs3A_554, %max3A_556 : vector<16xi32>
        %sub3A_558 = arith.subi %gather3A_440, %gather3A_490 : vector<16xi32>
        %abs3A_559 = math.absi %sub3A_558 : vector<16xi32>
        %max3A_560 = arith.constant 1 : i32
        %max3A_561 = vector.broadcast %max3A_560 : i32 to vector<16xi32>
        %max3A_562 = arith.maxsi %abs3A_559, %max3A_561 : vector<16xi32>
        %sub3A_563 = arith.subi %gather3A_442, %gather3A_492 : vector<16xi32>
        %abs3A_564 = math.absi %sub3A_563 : vector<16xi32>
        %max3A_565 = arith.constant 1 : i32
        %max3A_566 = vector.broadcast %max3A_565 : i32 to vector<16xi32>
        %max3A_567 = arith.maxsi %abs3A_564, %max3A_566 : vector<16xi32>
        %sub3A_568 = arith.subi %gather3A_444, %gather3A_494 : vector<16xi32>
        %abs3A_569 = math.absi %sub3A_568 : vector<16xi32>
        %max3A_570 = arith.constant 1 : i32
        %max3A_571 = vector.broadcast %max3A_570 : i32 to vector<16xi32>
        %max3A_572 = arith.maxsi %abs3A_569, %max3A_571 : vector<16xi32>
        %sub3A_573 = arith.subi %gather3A_446, %gather3A_496 : vector<16xi32>
        %abs3A_574 = math.absi %sub3A_573 : vector<16xi32>
        %max3A_575 = arith.constant 1 : i32
        %max3A_576 = vector.broadcast %max3A_575 : i32 to vector<16xi32>
        %max3A_577 = arith.maxsi %abs3A_574, %max3A_576 : vector<16xi32>
        %sub3A_578 = arith.subi %gather3A_448, %gather3A_498 : vector<16xi32>
        %abs3A_579 = math.absi %sub3A_578 : vector<16xi32>
        %max3A_580 = arith.constant 1 : i32
        %max3A_581 = vector.broadcast %max3A_580 : i32 to vector<16xi32>
        %max3A_582 = arith.maxsi %abs3A_579, %max3A_581 : vector<16xi32>
        %sub3A_583 = arith.subi %gather3A_450, %gather3A_500 : vector<16xi32>
        %abs3A_584 = math.absi %sub3A_583 : vector<16xi32>
        %max3A_585 = arith.constant 1 : i32
        %max3A_586 = vector.broadcast %max3A_585 : i32 to vector<16xi32>
        %max3A_587 = arith.maxsi %abs3A_584, %max3A_586 : vector<16xi32>
        %sub3A_588 = arith.subi %gather3A_452, %gather3A_502 : vector<16xi32>
        %abs3A_589 = math.absi %sub3A_588 : vector<16xi32>
        %max3A_590 = arith.constant 1 : i32
        %max3A_591 = vector.broadcast %max3A_590 : i32 to vector<16xi32>
        %max3A_592 = arith.maxsi %abs3A_589, %max3A_591 : vector<16xi32>
        %sub3A_593 = arith.subi %gather3A_454, %gather3A_504 : vector<16xi32>
        %abs3A_594 = math.absi %sub3A_593 : vector<16xi32>
        %max3A_595 = arith.constant 1 : i32
        %max3A_596 = vector.broadcast %max3A_595 : i32 to vector<16xi32>
        %max3A_597 = arith.maxsi %abs3A_594, %max3A_596 : vector<16xi32>
        %sub3A_598 = arith.subi %gather3A_456, %gather3A_506 : vector<16xi32>
        %abs3A_599 = math.absi %sub3A_598 : vector<16xi32>
        %max3A_600 = arith.constant 1 : i32
        %max3A_601 = vector.broadcast %max3A_600 : i32 to vector<16xi32>
        %max3A_602 = arith.maxsi %abs3A_599, %max3A_601 : vector<16xi32>
        %sub3A_603 = arith.subi %gather3A_458, %gather3A_508 : vector<16xi32>
        %abs3A_604 = math.absi %sub3A_603 : vector<16xi32>
        %max3A_605 = arith.constant 1 : i32
        %max3A_606 = vector.broadcast %max3A_605 : i32 to vector<16xi32>
        %max3A_607 = arith.maxsi %abs3A_604, %max3A_606 : vector<16xi32>
        %sub3A_608 = arith.subi %gather3A_460, %gather3A_510 : vector<16xi32>
        %abs3A_609 = math.absi %sub3A_608 : vector<16xi32>
        %max3A_610 = arith.constant 1 : i32
        %max3A_611 = vector.broadcast %max3A_610 : i32 to vector<16xi32>
        %max3A_612 = arith.maxsi %abs3A_609, %max3A_611 : vector<16xi32>
        %sub3A_613 = arith.subi %gather3A_462, %gather3A_512 : vector<16xi32>
        %abs3A_614 = math.absi %sub3A_613 : vector<16xi32>
        %max3A_615 = arith.constant 1 : i32
        %max3A_616 = vector.broadcast %max3A_615 : i32 to vector<16xi32>
        %max3A_617 = arith.maxsi %abs3A_614, %max3A_616 : vector<16xi32>
        %sub3A_618 = arith.subi %gather3A_464, %gather3A_514 : vector<16xi32>
        %abs3A_619 = math.absi %sub3A_618 : vector<16xi32>
        %max3A_620 = arith.constant 1 : i32
        %max3A_621 = vector.broadcast %max3A_620 : i32 to vector<16xi32>
        %max3A_622 = arith.maxsi %abs3A_619, %max3A_621 : vector<16xi32>
        %sub3A_623 = arith.subi %gather3A_466, %gather3A_516 : vector<16xi32>
        %abs3A_624 = math.absi %sub3A_623 : vector<16xi32>
        %max3A_625 = arith.constant 1 : i32
        %max3A_626 = vector.broadcast %max3A_625 : i32 to vector<16xi32>
        %max3A_627 = arith.maxsi %abs3A_624, %max3A_626 : vector<16xi32>
        %sub3A_628 = arith.subi %gather3A_468, %gather3A_518 : vector<16xi32>
        %abs3A_629 = math.absi %sub3A_628 : vector<16xi32>
        %max3A_630 = arith.constant 1 : i32
        %max3A_631 = vector.broadcast %max3A_630 : i32 to vector<16xi32>
        %max3A_632 = arith.maxsi %abs3A_629, %max3A_631 : vector<16xi32>
        %sub3A_633 = arith.subi %gather3A_470, %gather3A_520 : vector<16xi32>
        %abs3A_634 = math.absi %sub3A_633 : vector<16xi32>
        %max3A_635 = arith.constant 1 : i32
        %max3A_636 = vector.broadcast %max3A_635 : i32 to vector<16xi32>
        %max3A_637 = arith.maxsi %abs3A_634, %max3A_636 : vector<16xi32>
        %sub3A_638 = arith.subi %gather3A_472, %gather3A_522 : vector<16xi32>
        %abs3A_639 = math.absi %sub3A_638 : vector<16xi32>
        %max3A_640 = arith.constant 1 : i32
        %max3A_641 = vector.broadcast %max3A_640 : i32 to vector<16xi32>
        %max3A_642 = arith.maxsi %abs3A_639, %max3A_641 : vector<16xi32>
        %sub3A_643 = arith.subi %gather3A_474, %gather3A_524 : vector<16xi32>
        %abs3A_644 = math.absi %sub3A_643 : vector<16xi32>
        %max3A_645 = arith.constant 1 : i32
        %max3A_646 = vector.broadcast %max3A_645 : i32 to vector<16xi32>
        %max3A_647 = arith.maxsi %abs3A_644, %max3A_646 : vector<16xi32>
        %convert_element_type3A_648 = arith.sitofp %max3A_527 : vector<16xi32> to vector<16xf32>
        %bitcast_convert_type3A = tpu.bitcast %convert_element_type3A_648 : vector<16xf32> -> vector<16xi32>
        %shift_right_arithmetic3A_649 = arith.constant 20 : i32
        %shift_right_arithmetic3A_650 = vector.broadcast %shift_right_arithmetic3A_649 : i32 to vector<16xi32>
        %shift_right_arithmetic3A_651 = arith.shrsi %bitcast_convert_type3A, %shift_right_arithmetic3A_650 : vector<16xi32>
        %sub3A_652 = arith.constant 1016 : i32
        %sub3A_653 = vector.broadcast %sub3A_652 : i32 to vector<16xi32>
        %sub3A_654 = arith.subi %shift_right_arithmetic3A_651, %sub3A_653 : vector<16xi32>
        %convert_element_type3A_655 = arith.sitofp %max3A_532 : vector<16xi32> to vector<16xf32>
        %bitcast_convert_type3A_656 = tpu.bitcast %convert_element_type3A_655 : vector<16xf32> -> vector<16xi32>
        %shift_right_arithmetic3A_657 = arith.constant 20 : i32
        %shift_right_arithmetic3A_658 = vector.broadcast %shift_right_arithmetic3A_657 : i32 to vector<16xi32>
        %shift_right_arithmetic3A_659 = arith.shrsi %bitcast_convert_type3A_656, %shift_right_arithmetic3A_658 : vector<16xi32>
        %sub3A_660 = arith.constant 1016 : i32
        %sub3A_661 = vector.broadcast %sub3A_660 : i32 to vector<16xi32>
        %sub3A_662 = arith.subi %shift_right_arithmetic3A_659, %sub3A_661 : vector<16xi32>
        %convert_element_type3A_663 = arith.sitofp %max3A_537 : vector<16xi32> to vector<16xf32>
        %bitcast_convert_type3A_664 = tpu.bitcast %convert_element_type3A_663 : vector<16xf32> -> vector<16xi32>
        %shift_right_arithmetic3A_665 = arith.constant 20 : i32
        %shift_right_arithmetic3A_666 = vector.broadcast %shift_right_arithmetic3A_665 : i32 to vector<16xi32>
        %shift_right_arithmetic3A_667 = arith.shrsi %bitcast_convert_type3A_664, %shift_right_arithmetic3A_666 : vector<16xi32>
        %sub3A_668 = arith.constant 1016 : i32
        %sub3A_669 = vector.broadcast %sub3A_668 : i32 to vector<16xi32>
        %sub3A_670 = arith.subi %shift_right_arithmetic3A_667, %sub3A_669 : vector<16xi32>
        %convert_element_type3A_671 = arith.sitofp %max3A_542 : vector<16xi32> to vector<16xf32>
        %bitcast_convert_type3A_672 = tpu.bitcast %convert_element_type3A_671 : vector<16xf32> -> vector<16xi32>
        %shift_right_arithmetic3A_673 = arith.constant 20 : i32
        %shift_right_arithmetic3A_674 = vector.broadcast %shift_right_arithmetic3A_673 : i32 to vector<16xi32>
        %shift_right_arithmetic3A_675 = arith.shrsi %bitcast_convert_type3A_672, %shift_right_arithmetic3A_674 : vector<16xi32>
        %sub3A_676 = arith.constant 1016 : i32
        %sub3A_677 = vector.broadcast %sub3A_676 : i32 to vector<16xi32>
        %sub3A_678 = arith.subi %shift_right_arithmetic3A_675, %sub3A_677 : vector<16xi32>
        %convert_element_type3A_679 = arith.sitofp %max3A_547 : vector<16xi32> to vector<16xf32>
        %bitcast_convert_type3A_680 = tpu.bitcast %convert_element_type3A_679 : vector<16xf32> -> vector<16xi32>
        %shift_right_arithmetic3A_681 = arith.constant 20 : i32
        %shift_right_arithmetic3A_682 = vector.broadcast %shift_right_arithmetic3A_681 : i32 to vector<16xi32>
        %shift_right_arithmetic3A_683 = arith.shrsi %bitcast_convert_type3A_680, %shift_right_arithmetic3A_682 : vector<16xi32>
        %sub3A_684 = arith.constant 1016 : i32
        %sub3A_685 = vector.broadcast %sub3A_684 : i32 to vector<16xi32>
        %sub3A_686 = arith.subi %shift_right_arithmetic3A_683, %sub3A_685 : vector<16xi32>
        %convert_element_type3A_687 = arith.sitofp %max3A_552 : vector<16xi32> to vector<16xf32>
        %bitcast_convert_type3A_688 = tpu.bitcast %convert_element_type3A_687 : vector<16xf32> -> vector<16xi32>
        %shift_right_arithmetic3A_689 = arith.constant 20 : i32
        %shift_right_arithmetic3A_690 = vector.broadcast %shift_right_arithmetic3A_689 : i32 to vector<16xi32>
        %shift_right_arithmetic3A_691 = arith.shrsi %bitcast_convert_type3A_688, %shift_right_arithmetic3A_690 : vector<16xi32>
        %sub3A_692 = arith.constant 1016 : i32
        %sub3A_693 = vector.broadcast %sub3A_692 : i32 to vector<16xi32>
        %sub3A_694 = arith.subi %shift_right_arithmetic3A_691, %sub3A_693 : vector<16xi32>
        %convert_element_type3A_695 = arith.sitofp %max3A_557 : vector<16xi32> to vector<16xf32>
        %bitcast_convert_type3A_696 = tpu.bitcast %convert_element_type3A_695 : vector<16xf32> -> vector<16xi32>
        %shift_right_arithmetic3A_697 = arith.constant 20 : i32
        %shift_right_arithmetic3A_698 = vector.broadcast %shift_right_arithmetic3A_697 : i32 to vector<16xi32>
        %shift_right_arithmetic3A_699 = arith.shrsi %bitcast_convert_type3A_696, %shift_right_arithmetic3A_698 : vector<16xi32>
        %sub3A_700 = arith.constant 1016 : i32
        %sub3A_701 = vector.broadcast %sub3A_700 : i32 to vector<16xi32>
        %sub3A_702 = arith.subi %shift_right_arithmetic3A_699, %sub3A_701 : vector<16xi32>
        %convert_element_type3A_703 = arith.sitofp %max3A_562 : vector<16xi32> to vector<16xf32>
        %bitcast_convert_type3A_704 = tpu.bitcast %convert_element_type3A_703 : vector<16xf32> -> vector<16xi32>
        %shift_right_arithmetic3A_705 = arith.constant 20 : i32
        %shift_right_arithmetic3A_706 = vector.broadcast %shift_right_arithmetic3A_705 : i32 to vector<16xi32>
        %shift_right_arithmetic3A_707 = arith.shrsi %bitcast_convert_type3A_704, %shift_right_arithmetic3A_706 : vector<16xi32>
        %sub3A_708 = arith.constant 1016 : i32
        %sub3A_709 = vector.broadcast %sub3A_708 : i32 to vector<16xi32>
        %sub3A_710 = arith.subi %shift_right_arithmetic3A_707, %sub3A_709 : vector<16xi32>
        %convert_element_type3A_711 = arith.sitofp %max3A_567 : vector<16xi32> to vector<16xf32>
        %bitcast_convert_type3A_712 = tpu.bitcast %convert_element_type3A_711 : vector<16xf32> -> vector<16xi32>
        %shift_right_arithmetic3A_713 = arith.constant 20 : i32
        %shift_right_arithmetic3A_714 = vector.broadcast %shift_right_arithmetic3A_713 : i32 to vector<16xi32>
        %shift_right_arithmetic3A_715 = arith.shrsi %bitcast_convert_type3A_712, %shift_right_arithmetic3A_714 : vector<16xi32>
        %sub3A_716 = arith.constant 1016 : i32
        %sub3A_717 = vector.broadcast %sub3A_716 : i32 to vector<16xi32>
        %sub3A_718 = arith.subi %shift_right_arithmetic3A_715, %sub3A_717 : vector<16xi32>
        %convert_element_type3A_719 = arith.sitofp %max3A_572 : vector<16xi32> to vector<16xf32>
        %bitcast_convert_type3A_720 = tpu.bitcast %convert_element_type3A_719 : vector<16xf32> -> vector<16xi32>
        %shift_right_arithmetic3A_721 = arith.constant 20 : i32
        %shift_right_arithmetic3A_722 = vector.broadcast %shift_right_arithmetic3A_721 : i32 to vector<16xi32>
        %shift_right_arithmetic3A_723 = arith.shrsi %bitcast_convert_type3A_720, %shift_right_arithmetic3A_722 : vector<16xi32>
        %sub3A_724 = arith.constant 1016 : i32
        %sub3A_725 = vector.broadcast %sub3A_724 : i32 to vector<16xi32>
        %sub3A_726 = arith.subi %shift_right_arithmetic3A_723, %sub3A_725 : vector<16xi32>
        %convert_element_type3A_727 = arith.sitofp %max3A_577 : vector<16xi32> to vector<16xf32>
        %bitcast_convert_type3A_728 = tpu.bitcast %convert_element_type3A_727 : vector<16xf32> -> vector<16xi32>
        %shift_right_arithmetic3A_729 = arith.constant 20 : i32
        %shift_right_arithmetic3A_730 = vector.broadcast %shift_right_arithmetic3A_729 : i32 to vector<16xi32>
        %shift_right_arithmetic3A_731 = arith.shrsi %bitcast_convert_type3A_728, %shift_right_arithmetic3A_730 : vector<16xi32>
        %sub3A_732 = arith.constant 1016 : i32
        %sub3A_733 = vector.broadcast %sub3A_732 : i32 to vector<16xi32>
        %sub3A_734 = arith.subi %shift_right_arithmetic3A_731, %sub3A_733 : vector<16xi32>
        %convert_element_type3A_735 = arith.sitofp %max3A_582 : vector<16xi32> to vector<16xf32>
        %bitcast_convert_type3A_736 = tpu.bitcast %convert_element_type3A_735 : vector<16xf32> -> vector<16xi32>
        %shift_right_arithmetic3A_737 = arith.constant 20 : i32
        %shift_right_arithmetic3A_738 = vector.broadcast %shift_right_arithmetic3A_737 : i32 to vector<16xi32>
        %shift_right_arithmetic3A_739 = arith.shrsi %bitcast_convert_type3A_736, %shift_right_arithmetic3A_738 : vector<16xi32>
        %sub3A_740 = arith.constant 1016 : i32
        %sub3A_741 = vector.broadcast %sub3A_740 : i32 to vector<16xi32>
        %sub3A_742 = arith.subi %shift_right_arithmetic3A_739, %sub3A_741 : vector<16xi32>
        %convert_element_type3A_743 = arith.sitofp %max3A_587 : vector<16xi32> to vector<16xf32>
        %bitcast_convert_type3A_744 = tpu.bitcast %convert_element_type3A_743 : vector<16xf32> -> vector<16xi32>
        %shift_right_arithmetic3A_745 = arith.constant 20 : i32
        %shift_right_arithmetic3A_746 = vector.broadcast %shift_right_arithmetic3A_745 : i32 to vector<16xi32>
        %shift_right_arithmetic3A_747 = arith.shrsi %bitcast_convert_type3A_744, %shift_right_arithmetic3A_746 : vector<16xi32>
        %sub3A_748 = arith.constant 1016 : i32
        %sub3A_749 = vector.broadcast %sub3A_748 : i32 to vector<16xi32>
        %sub3A_750 = arith.subi %shift_right_arithmetic3A_747, %sub3A_749 : vector<16xi32>
        %convert_element_type3A_751 = arith.sitofp %max3A_592 : vector<16xi32> to vector<16xf32>
        %bitcast_convert_type3A_752 = tpu.bitcast %convert_element_type3A_751 : vector<16xf32> -> vector<16xi32>
        %shift_right_arithmetic3A_753 = arith.constant 20 : i32
        %shift_right_arithmetic3A_754 = vector.broadcast %shift_right_arithmetic3A_753 : i32 to vector<16xi32>
        %shift_right_arithmetic3A_755 = arith.shrsi %bitcast_convert_type3A_752, %shift_right_arithmetic3A_754 : vector<16xi32>
        %sub3A_756 = arith.constant 1016 : i32
        %sub3A_757 = vector.broadcast %sub3A_756 : i32 to vector<16xi32>
        %sub3A_758 = arith.subi %shift_right_arithmetic3A_755, %sub3A_757 : vector<16xi32>
        %convert_element_type3A_759 = arith.sitofp %max3A_597 : vector<16xi32> to vector<16xf32>
        %bitcast_convert_type3A_760 = tpu.bitcast %convert_element_type3A_759 : vector<16xf32> -> vector<16xi32>
        %shift_right_arithmetic3A_761 = arith.constant 20 : i32
        %shift_right_arithmetic3A_762 = vector.broadcast %shift_right_arithmetic3A_761 : i32 to vector<16xi32>
        %shift_right_arithmetic3A_763 = arith.shrsi %bitcast_convert_type3A_760, %shift_right_arithmetic3A_762 : vector<16xi32>
        %sub3A_764 = arith.constant 1016 : i32
        %sub3A_765 = vector.broadcast %sub3A_764 : i32 to vector<16xi32>
        %sub3A_766 = arith.subi %shift_right_arithmetic3A_763, %sub3A_765 : vector<16xi32>
        %convert_element_type3A_767 = arith.sitofp %max3A_602 : vector<16xi32> to vector<16xf32>
        %bitcast_convert_type3A_768 = tpu.bitcast %convert_element_type3A_767 : vector<16xf32> -> vector<16xi32>
        %shift_right_arithmetic3A_769 = arith.constant 20 : i32
        %shift_right_arithmetic3A_770 = vector.broadcast %shift_right_arithmetic3A_769 : i32 to vector<16xi32>
        %shift_right_arithmetic3A_771 = arith.shrsi %bitcast_convert_type3A_768, %shift_right_arithmetic3A_770 : vector<16xi32>
        %sub3A_772 = arith.constant 1016 : i32
        %sub3A_773 = vector.broadcast %sub3A_772 : i32 to vector<16xi32>
        %sub3A_774 = arith.subi %shift_right_arithmetic3A_771, %sub3A_773 : vector<16xi32>
        %convert_element_type3A_775 = arith.sitofp %max3A_607 : vector<16xi32> to vector<16xf32>
        %bitcast_convert_type3A_776 = tpu.bitcast %convert_element_type3A_775 : vector<16xf32> -> vector<16xi32>
        %shift_right_arithmetic3A_777 = arith.constant 20 : i32
        %shift_right_arithmetic3A_778 = vector.broadcast %shift_right_arithmetic3A_777 : i32 to vector<16xi32>
        %shift_right_arithmetic3A_779 = arith.shrsi %bitcast_convert_type3A_776, %shift_right_arithmetic3A_778 : vector<16xi32>
        %sub3A_780 = arith.constant 1016 : i32
        %sub3A_781 = vector.broadcast %sub3A_780 : i32 to vector<16xi32>
        %sub3A_782 = arith.subi %shift_right_arithmetic3A_779, %sub3A_781 : vector<16xi32>
        %convert_element_type3A_783 = arith.sitofp %max3A_612 : vector<16xi32> to vector<16xf32>
        %bitcast_convert_type3A_784 = tpu.bitcast %convert_element_type3A_783 : vector<16xf32> -> vector<16xi32>
        %shift_right_arithmetic3A_785 = arith.constant 20 : i32
        %shift_right_arithmetic3A_786 = vector.broadcast %shift_right_arithmetic3A_785 : i32 to vector<16xi32>
        %shift_right_arithmetic3A_787 = arith.shrsi %bitcast_convert_type3A_784, %shift_right_arithmetic3A_786 : vector<16xi32>
        %sub3A_788 = arith.constant 1016 : i32
        %sub3A_789 = vector.broadcast %sub3A_788 : i32 to vector<16xi32>
        %sub3A_790 = arith.subi %shift_right_arithmetic3A_787, %sub3A_789 : vector<16xi32>
        %convert_element_type3A_791 = arith.sitofp %max3A_617 : vector<16xi32> to vector<16xf32>
        %bitcast_convert_type3A_792 = tpu.bitcast %convert_element_type3A_791 : vector<16xf32> -> vector<16xi32>
        %shift_right_arithmetic3A_793 = arith.constant 20 : i32
        %shift_right_arithmetic3A_794 = vector.broadcast %shift_right_arithmetic3A_793 : i32 to vector<16xi32>
        %shift_right_arithmetic3A_795 = arith.shrsi %bitcast_convert_type3A_792, %shift_right_arithmetic3A_794 : vector<16xi32>
        %sub3A_796 = arith.constant 1016 : i32
        %sub3A_797 = vector.broadcast %sub3A_796 : i32 to vector<16xi32>
        %sub3A_798 = arith.subi %shift_right_arithmetic3A_795, %sub3A_797 : vector<16xi32>
        %convert_element_type3A_799 = arith.sitofp %max3A_622 : vector<16xi32> to vector<16xf32>
        %bitcast_convert_type3A_800 = tpu.bitcast %convert_element_type3A_799 : vector<16xf32> -> vector<16xi32>
        %shift_right_arithmetic3A_801 = arith.constant 20 : i32
        %shift_right_arithmetic3A_802 = vector.broadcast %shift_right_arithmetic3A_801 : i32 to vector<16xi32>
        %shift_right_arithmetic3A_803 = arith.shrsi %bitcast_convert_type3A_800, %shift_right_arithmetic3A_802 : vector<16xi32>
        %sub3A_804 = arith.constant 1016 : i32
        %sub3A_805 = vector.broadcast %sub3A_804 : i32 to vector<16xi32>
        %sub3A_806 = arith.subi %shift_right_arithmetic3A_803, %sub3A_805 : vector<16xi32>
        %convert_element_type3A_807 = arith.sitofp %max3A_627 : vector<16xi32> to vector<16xf32>
        %bitcast_convert_type3A_808 = tpu.bitcast %convert_element_type3A_807 : vector<16xf32> -> vector<16xi32>
        %shift_right_arithmetic3A_809 = arith.constant 20 : i32
        %shift_right_arithmetic3A_810 = vector.broadcast %shift_right_arithmetic3A_809 : i32 to vector<16xi32>
        %shift_right_arithmetic3A_811 = arith.shrsi %bitcast_convert_type3A_808, %shift_right_arithmetic3A_810 : vector<16xi32>
        %sub3A_812 = arith.constant 1016 : i32
        %sub3A_813 = vector.broadcast %sub3A_812 : i32 to vector<16xi32>
        %sub3A_814 = arith.subi %shift_right_arithmetic3A_811, %sub3A_813 : vector<16xi32>
        %convert_element_type3A_815 = arith.sitofp %max3A_632 : vector<16xi32> to vector<16xf32>
        %bitcast_convert_type3A_816 = tpu.bitcast %convert_element_type3A_815 : vector<16xf32> -> vector<16xi32>
        %shift_right_arithmetic3A_817 = arith.constant 20 : i32
        %shift_right_arithmetic3A_818 = vector.broadcast %shift_right_arithmetic3A_817 : i32 to vector<16xi32>
        %shift_right_arithmetic3A_819 = arith.shrsi %bitcast_convert_type3A_816, %shift_right_arithmetic3A_818 : vector<16xi32>
        %sub3A_820 = arith.constant 1016 : i32
        %sub3A_821 = vector.broadcast %sub3A_820 : i32 to vector<16xi32>
        %sub3A_822 = arith.subi %shift_right_arithmetic3A_819, %sub3A_821 : vector<16xi32>
        %convert_element_type3A_823 = arith.sitofp %max3A_637 : vector<16xi32> to vector<16xf32>
        %bitcast_convert_type3A_824 = tpu.bitcast %convert_element_type3A_823 : vector<16xf32> -> vector<16xi32>
        %shift_right_arithmetic3A_825 = arith.constant 20 : i32
        %shift_right_arithmetic3A_826 = vector.broadcast %shift_right_arithmetic3A_825 : i32 to vector<16xi32>
        %shift_right_arithmetic3A_827 = arith.shrsi %bitcast_convert_type3A_824, %shift_right_arithmetic3A_826 : vector<16xi32>
        %sub3A_828 = arith.constant 1016 : i32
        %sub3A_829 = vector.broadcast %sub3A_828 : i32 to vector<16xi32>
        %sub3A_830 = arith.subi %shift_right_arithmetic3A_827, %sub3A_829 : vector<16xi32>
        %convert_element_type3A_831 = arith.sitofp %max3A_642 : vector<16xi32> to vector<16xf32>
        %bitcast_convert_type3A_832 = tpu.bitcast %convert_element_type3A_831 : vector<16xf32> -> vector<16xi32>
        %shift_right_arithmetic3A_833 = arith.constant 20 : i32
        %shift_right_arithmetic3A_834 = vector.broadcast %shift_right_arithmetic3A_833 : i32 to vector<16xi32>
        %shift_right_arithmetic3A_835 = arith.shrsi %bitcast_convert_type3A_832, %shift_right_arithmetic3A_834 : vector<16xi32>
        %sub3A_836 = arith.constant 1016 : i32
        %sub3A_837 = vector.broadcast %sub3A_836 : i32 to vector<16xi32>
        %sub3A_838 = arith.subi %shift_right_arithmetic3A_835, %sub3A_837 : vector<16xi32>
        %convert_element_type3A_839 = arith.sitofp %max3A_647 : vector<16xi32> to vector<16xf32>
        %bitcast_convert_type3A_840 = tpu.bitcast %convert_element_type3A_839 : vector<16xf32> -> vector<16xi32>
        %shift_right_arithmetic3A_841 = arith.constant 20 : i32
        %shift_right_arithmetic3A_842 = vector.broadcast %shift_right_arithmetic3A_841 : i32 to vector<16xi32>
        %shift_right_arithmetic3A_843 = arith.shrsi %bitcast_convert_type3A_840, %shift_right_arithmetic3A_842 : vector<16xi32>
        %sub3A_844 = arith.constant 1016 : i32
        %sub3A_845 = vector.broadcast %sub3A_844 : i32 to vector<16xi32>
        %sub3A_846 = arith.subi %shift_right_arithmetic3A_843, %sub3A_845 : vector<16xi32>
        %gather3A_847 = tpu.vector_load_idx %arg9[%sub3A_654] : memref<192xi32, #tpu.memory_space<vmem>>[vector<16xi32>], vector<16xi32>,
        %gather3A_848 = tpu.vector_load_idx %arg9[%sub3A_662] : memref<192xi32, #tpu.memory_space<vmem>>[vector<16xi32>], vector<16xi32>,
        %gather3A_849 = tpu.vector_load_idx %arg9[%sub3A_670] : memref<192xi32, #tpu.memory_space<vmem>>[vector<16xi32>], vector<16xi32>,
        %gather3A_850 = tpu.vector_load_idx %arg9[%sub3A_678] : memref<192xi32, #tpu.memory_space<vmem>>[vector<16xi32>], vector<16xi32>,
        %gather3A_851 = tpu.vector_load_idx %arg9[%sub3A_686] : memref<192xi32, #tpu.memory_space<vmem>>[vector<16xi32>], vector<16xi32>,
        %gather3A_852 = tpu.vector_load_idx %arg9[%sub3A_694] : memref<192xi32, #tpu.memory_space<vmem>>[vector<16xi32>], vector<16xi32>,
        %gather3A_853 = tpu.vector_load_idx %arg9[%sub3A_702] : memref<192xi32, #tpu.memory_space<vmem>>[vector<16xi32>], vector<16xi32>,
        %gather3A_854 = tpu.vector_load_idx %arg9[%sub3A_710] : memref<192xi32, #tpu.memory_space<vmem>>[vector<16xi32>], vector<16xi32>,
        %gather3A_855 = tpu.vector_load_idx %arg9[%sub3A_718] : memref<192xi32, #tpu.memory_space<vmem>>[vector<16xi32>], vector<16xi32>,
        %gather3A_856 = tpu.vector_load_idx %arg9[%sub3A_726] : memref<192xi32, #tpu.memory_space<vmem>>[vector<16xi32>], vector<16xi32>,
        %gather3A_857 = tpu.vector_load_idx %arg9[%sub3A_734] : memref<192xi32, #tpu.memory_space<vmem>>[vector<16xi32>], vector<16xi32>,
        %gather3A_858 = tpu.vector_load_idx %arg9[%sub3A_742] : memref<192xi32, #tpu.memory_space<vmem>>[vector<16xi32>], vector<16xi32>,
        %gather3A_859 = tpu.vector_load_idx %arg9[%sub3A_750] : memref<192xi32, #tpu.memory_space<vmem>>[vector<16xi32>], vector<16xi32>,
        %gather3A_860 = tpu.vector_load_idx %arg9[%sub3A_758] : memref<192xi32, #tpu.memory_space<vmem>>[vector<16xi32>], vector<16xi32>,
        %gather3A_861 = tpu.vector_load_idx %arg9[%sub3A_766] : memref<192xi32, #tpu.memory_space<vmem>>[vector<16xi32>], vector<16xi32>,
        %gather3A_862 = tpu.vector_load_idx %arg9[%sub3A_774] : memref<192xi32, #tpu.memory_space<vmem>>[vector<16xi32>], vector<16xi32>,
        %gather3A_863 = tpu.vector_load_idx %arg9[%sub3A_782] : memref<192xi32, #tpu.memory_space<vmem>>[vector<16xi32>], vector<16xi32>,
        %gather3A_864 = tpu.vector_load_idx %arg9[%sub3A_790] : memref<192xi32, #tpu.memory_space<vmem>>[vector<16xi32>], vector<16xi32>,
        %gather3A_865 = tpu.vector_load_idx %arg9[%sub3A_798] : memref<192xi32, #tpu.memory_space<vmem>>[vector<16xi32>], vector<16xi32>,
        %gather3A_866 = tpu.vector_load_idx %arg9[%sub3A_806] : memref<192xi32, #tpu.memory_space<vmem>>[vector<16xi32>], vector<16xi32>,
        %gather3A_867 = tpu.vector_load_idx %arg9[%sub3A_814] : memref<192xi32, #tpu.memory_space<vmem>>[vector<16xi32>], vector<16xi32>,
        %gather3A_868 = tpu.vector_load_idx %arg9[%sub3A_822] : memref<192xi32, #tpu.memory_space<vmem>>[vector<16xi32>], vector<16xi32>,
        %gather3A_869 = tpu.vector_load_idx %arg9[%sub3A_830] : memref<192xi32, #tpu.memory_space<vmem>>[vector<16xi32>], vector<16xi32>,
        %gather3A_870 = tpu.vector_load_idx %arg9[%sub3A_838] : memref<192xi32, #tpu.memory_space<vmem>>[vector<16xi32>], vector<16xi32>,
        %gather3A_871 = tpu.vector_load_idx %arg9[%sub3A_846] : memref<192xi32, #tpu.memory_space<vmem>>[vector<16xi32>], vector<16xi32>,
        %shift_right_arithmetic3A_872 = arith.constant 6 : i32
        %shift_right_arithmetic3A_873 = vector.broadcast %shift_right_arithmetic3A_872 : i32 to vector<16xi32>
        %shift_right_arithmetic3A_874 = arith.shrsi %gather3A_847, %shift_right_arithmetic3A_873 : vector<16xi32>
        %gt3A = arith.cmpi sgt, %max3A_527, %shift_right_arithmetic3A_874 : vector<16xi32>
        %and3A = arith.constant 63 : i32
        %and3A_875 = vector.broadcast %and3A : i32 to vector<16xi32>
        %and3A_876 = arith.andi %gather3A_847, %and3A_875 : vector<16xi32>
        %add3A_877 = arith.constant 1 : i32
        %add3A_878 = vector.broadcast %add3A_877 : i32 to vector<16xi32>
        %add3A_879 = arith.addi %and3A_876, %add3A_878 : vector<16xi32>
        %and3A_880 = arith.constant 63 : i32
        %and3A_881 = vector.broadcast %and3A_880 : i32 to vector<16xi32>
        %and3A_882 = arith.andi %gather3A_847, %and3A_881 : vector<16xi32>
        %select_n3A = arith.select %gt3A, %add3A_879, %and3A_882 : vector<16xi1>, vector<16xi32>
        %shift_right_arithmetic3A_883 = arith.constant 6 : i32
        %shift_right_arithmetic3A_884 = vector.broadcast %shift_right_arithmetic3A_883 : i32 to vector<16xi32>
        %shift_right_arithmetic3A_885 = arith.shrsi %gather3A_848, %shift_right_arithmetic3A_884 : vector<16xi32>
        %gt3A_886 = arith.cmpi sgt, %max3A_532, %shift_right_arithmetic3A_885 : vector<16xi32>
        %and3A_887 = arith.constant 63 : i32
        %and3A_888 = vector.broadcast %and3A_887 : i32 to vector<16xi32>
        %and3A_889 = arith.andi %gather3A_848, %and3A_888 : vector<16xi32>
        %add3A_890 = arith.constant 1 : i32
        %add3A_891 = vector.broadcast %add3A_890 : i32 to vector<16xi32>
        %add3A_892 = arith.addi %and3A_889, %add3A_891 : vector<16xi32>
        %and3A_893 = arith.constant 63 : i32
        %and3A_894 = vector.broadcast %and3A_893 : i32 to vector<16xi32>
        %and3A_895 = arith.andi %gather3A_848, %and3A_894 : vector<16xi32>
        %select_n3A_896 = arith.select %gt3A_886, %add3A_892, %and3A_895 : vector<16xi1>, vector<16xi32>
        %shift_right_arithmetic3A_897 = arith.constant 6 : i32
        %shift_right_arithmetic3A_898 = vector.broadcast %shift_right_arithmetic3A_897 : i32 to vector<16xi32>
        %shift_right_arithmetic3A_899 = arith.shrsi %gather3A_849, %shift_right_arithmetic3A_898 : vector<16xi32>
        %gt3A_900 = arith.cmpi sgt, %max3A_537, %shift_right_arithmetic3A_899 : vector<16xi32>
        %and3A_901 = arith.constant 63 : i32
        %and3A_902 = vector.broadcast %and3A_901 : i32 to vector<16xi32>
        %and3A_903 = arith.andi %gather3A_849, %and3A_902 : vector<16xi32>
        %add3A_904 = arith.constant 1 : i32
        %add3A_905 = vector.broadcast %add3A_904 : i32 to vector<16xi32>
        %add3A_906 = arith.addi %and3A_903, %add3A_905 : vector<16xi32>
        %and3A_907 = arith.constant 63 : i32
        %and3A_908 = vector.broadcast %and3A_907 : i32 to vector<16xi32>
        %and3A_909 = arith.andi %gather3A_849, %and3A_908 : vector<16xi32>
        %select_n3A_910 = arith.select %gt3A_900, %add3A_906, %and3A_909 : vector<16xi1>, vector<16xi32>
        %shift_right_arithmetic3A_911 = arith.constant 6 : i32
        %shift_right_arithmetic3A_912 = vector.broadcast %shift_right_arithmetic3A_911 : i32 to vector<16xi32>
        %shift_right_arithmetic3A_913 = arith.shrsi %gather3A_850, %shift_right_arithmetic3A_912 : vector<16xi32>
        %gt3A_914 = arith.cmpi sgt, %max3A_542, %shift_right_arithmetic3A_913 : vector<16xi32>
        %and3A_915 = arith.constant 63 : i32
        %and3A_916 = vector.broadcast %and3A_915 : i32 to vector<16xi32>
        %and3A_917 = arith.andi %gather3A_850, %and3A_916 : vector<16xi32>
        %add3A_918 = arith.constant 1 : i32
        %add3A_919 = vector.broadcast %add3A_918 : i32 to vector<16xi32>
        %add3A_920 = arith.addi %and3A_917, %add3A_919 : vector<16xi32>
        %and3A_921 = arith.constant 63 : i32
        %and3A_922 = vector.broadcast %and3A_921 : i32 to vector<16xi32>
        %and3A_923 = arith.andi %gather3A_850, %and3A_922 : vector<16xi32>
        %select_n3A_924 = arith.select %gt3A_914, %add3A_920, %and3A_923 : vector<16xi1>, vector<16xi32>
        %shift_right_arithmetic3A_925 = arith.constant 6 : i32
        %shift_right_arithmetic3A_926 = vector.broadcast %shift_right_arithmetic3A_925 : i32 to vector<16xi32>
        %shift_right_arithmetic3A_927 = arith.shrsi %gather3A_851, %shift_right_arithmetic3A_926 : vector<16xi32>
        %gt3A_928 = arith.cmpi sgt, %max3A_547, %shift_right_arithmetic3A_927 : vector<16xi32>
        %and3A_929 = arith.constant 63 : i32
        %and3A_930 = vector.broadcast %and3A_929 : i32 to vector<16xi32>
        %and3A_931 = arith.andi %gather3A_851, %and3A_930 : vector<16xi32>
        %add3A_932 = arith.constant 1 : i32
        %add3A_933 = vector.broadcast %add3A_932 : i32 to vector<16xi32>
        %add3A_934 = arith.addi %and3A_931, %add3A_933 : vector<16xi32>
        %and3A_935 = arith.constant 63 : i32
        %and3A_936 = vector.broadcast %and3A_935 : i32 to vector<16xi32>
        %and3A_937 = arith.andi %gather3A_851, %and3A_936 : vector<16xi32>
        %select_n3A_938 = arith.select %gt3A_928, %add3A_934, %and3A_937 : vector<16xi1>, vector<16xi32>
        %shift_right_arithmetic3A_939 = arith.constant 6 : i32
        %shift_right_arithmetic3A_940 = vector.broadcast %shift_right_arithmetic3A_939 : i32 to vector<16xi32>
        %shift_right_arithmetic3A_941 = arith.shrsi %gather3A_852, %shift_right_arithmetic3A_940 : vector<16xi32>
        %gt3A_942 = arith.cmpi sgt, %max3A_552, %shift_right_arithmetic3A_941 : vector<16xi32>
        %and3A_943 = arith.constant 63 : i32
        %and3A_944 = vector.broadcast %and3A_943 : i32 to vector<16xi32>
        %and3A_945 = arith.andi %gather3A_852, %and3A_944 : vector<16xi32>
        %add3A_946 = arith.constant 1 : i32
        %add3A_947 = vector.broadcast %add3A_946 : i32 to vector<16xi32>
        %add3A_948 = arith.addi %and3A_945, %add3A_947 : vector<16xi32>
        %and3A_949 = arith.constant 63 : i32
        %and3A_950 = vector.broadcast %and3A_949 : i32 to vector<16xi32>
        %and3A_951 = arith.andi %gather3A_852, %and3A_950 : vector<16xi32>
        %select_n3A_952 = arith.select %gt3A_942, %add3A_948, %and3A_951 : vector<16xi1>, vector<16xi32>
        %shift_right_arithmetic3A_953 = arith.constant 6 : i32
        %shift_right_arithmetic3A_954 = vector.broadcast %shift_right_arithmetic3A_953 : i32 to vector<16xi32>
        %shift_right_arithmetic3A_955 = arith.shrsi %gather3A_853, %shift_right_arithmetic3A_954 : vector<16xi32>
        %gt3A_956 = arith.cmpi sgt, %max3A_557, %shift_right_arithmetic3A_955 : vector<16xi32>
        %and3A_957 = arith.constant 63 : i32
        %and3A_958 = vector.broadcast %and3A_957 : i32 to vector<16xi32>
        %and3A_959 = arith.andi %gather3A_853, %and3A_958 : vector<16xi32>
        %add3A_960 = arith.constant 1 : i32
        %add3A_961 = vector.broadcast %add3A_960 : i32 to vector<16xi32>
        %add3A_962 = arith.addi %and3A_959, %add3A_961 : vector<16xi32>
        %and3A_963 = arith.constant 63 : i32
        %and3A_964 = vector.broadcast %and3A_963 : i32 to vector<16xi32>
        %and3A_965 = arith.andi %gather3A_853, %and3A_964 : vector<16xi32>
        %select_n3A_966 = arith.select %gt3A_956, %add3A_962, %and3A_965 : vector<16xi1>, vector<16xi32>
        %shift_right_arithmetic3A_967 = arith.constant 6 : i32
        %shift_right_arithmetic3A_968 = vector.broadcast %shift_right_arithmetic3A_967 : i32 to vector<16xi32>
        %shift_right_arithmetic3A_969 = arith.shrsi %gather3A_854, %shift_right_arithmetic3A_968 : vector<16xi32>
        %gt3A_970 = arith.cmpi sgt, %max3A_562, %shift_right_arithmetic3A_969 : vector<16xi32>
        %and3A_971 = arith.constant 63 : i32
        %and3A_972 = vector.broadcast %and3A_971 : i32 to vector<16xi32>
        %and3A_973 = arith.andi %gather3A_854, %and3A_972 : vector<16xi32>
        %add3A_974 = arith.constant 1 : i32
        %add3A_975 = vector.broadcast %add3A_974 : i32 to vector<16xi32>
        %add3A_976 = arith.addi %and3A_973, %add3A_975 : vector<16xi32>
        %and3A_977 = arith.constant 63 : i32
        %and3A_978 = vector.broadcast %and3A_977 : i32 to vector<16xi32>
        %and3A_979 = arith.andi %gather3A_854, %and3A_978 : vector<16xi32>
        %select_n3A_980 = arith.select %gt3A_970, %add3A_976, %and3A_979 : vector<16xi1>, vector<16xi32>
        %shift_right_arithmetic3A_981 = arith.constant 6 : i32
        %shift_right_arithmetic3A_982 = vector.broadcast %shift_right_arithmetic3A_981 : i32 to vector<16xi32>
        %shift_right_arithmetic3A_983 = arith.shrsi %gather3A_855, %shift_right_arithmetic3A_982 : vector<16xi32>
        %gt3A_984 = arith.cmpi sgt, %max3A_567, %shift_right_arithmetic3A_983 : vector<16xi32>
        %and3A_985 = arith.constant 63 : i32
        %and3A_986 = vector.broadcast %and3A_985 : i32 to vector<16xi32>
        %and3A_987 = arith.andi %gather3A_855, %and3A_986 : vector<16xi32>
        %add3A_988 = arith.constant 1 : i32
        %add3A_989 = vector.broadcast %add3A_988 : i32 to vector<16xi32>
        %add3A_990 = arith.addi %and3A_987, %add3A_989 : vector<16xi32>
        %and3A_991 = arith.constant 63 : i32
        %and3A_992 = vector.broadcast %and3A_991 : i32 to vector<16xi32>
        %and3A_993 = arith.andi %gather3A_855, %and3A_992 : vector<16xi32>
        %select_n3A_994 = arith.select %gt3A_984, %add3A_990, %and3A_993 : vector<16xi1>, vector<16xi32>
        %shift_right_arithmetic3A_995 = arith.constant 6 : i32
        %shift_right_arithmetic3A_996 = vector.broadcast %shift_right_arithmetic3A_995 : i32 to vector<16xi32>
        %shift_right_arithmetic3A_997 = arith.shrsi %gather3A_856, %shift_right_arithmetic3A_996 : vector<16xi32>
        %gt3A_998 = arith.cmpi sgt, %max3A_572, %shift_right_arithmetic3A_997 : vector<16xi32>
        %and3A_999 = arith.constant 63 : i32
        %and3A_1000 = vector.broadcast %and3A_999 : i32 to vector<16xi32>
        %and3A_1001 = arith.andi %gather3A_856, %and3A_1000 : vector<16xi32>
        %add3A_1002 = arith.constant 1 : i32
        %add3A_1003 = vector.broadcast %add3A_1002 : i32 to vector<16xi32>
        %add3A_1004 = arith.addi %and3A_1001, %add3A_1003 : vector<16xi32>
        %and3A_1005 = arith.constant 63 : i32
        %and3A_1006 = vector.broadcast %and3A_1005 : i32 to vector<16xi32>
        %and3A_1007 = arith.andi %gather3A_856, %and3A_1006 : vector<16xi32>
        %select_n3A_1008 = arith.select %gt3A_998, %add3A_1004, %and3A_1007 : vector<16xi1>, vector<16xi32>
        %shift_right_arithmetic3A_1009 = arith.constant 6 : i32
        %shift_right_arithmetic3A_1010 = vector.broadcast %shift_right_arithmetic3A_1009 : i32 to vector<16xi32>
        %shift_right_arithmetic3A_1011 = arith.shrsi %gather3A_857, %shift_right_arithmetic3A_1010 : vector<16xi32>
        %gt3A_1012 = arith.cmpi sgt, %max3A_577, %shift_right_arithmetic3A_1011 : vector<16xi32>
        %and3A_1013 = arith.constant 63 : i32
        %and3A_1014 = vector.broadcast %and3A_1013 : i32 to vector<16xi32>
        %and3A_1015 = arith.andi %gather3A_857, %and3A_1014 : vector<16xi32>
        %add3A_1016 = arith.constant 1 : i32
        %add3A_1017 = vector.broadcast %add3A_1016 : i32 to vector<16xi32>
        %add3A_1018 = arith.addi %and3A_1015, %add3A_1017 : vector<16xi32>
        %and3A_1019 = arith.constant 63 : i32
        %and3A_1020 = vector.broadcast %and3A_1019 : i32 to vector<16xi32>
        %and3A_1021 = arith.andi %gather3A_857, %and3A_1020 : vector<16xi32>
        %select_n3A_1022 = arith.select %gt3A_1012, %add3A_1018, %and3A_1021 : vector<16xi1>, vector<16xi32>
        %shift_right_arithmetic3A_1023 = arith.constant 6 : i32
        %shift_right_arithmetic3A_1024 = vector.broadcast %shift_right_arithmetic3A_1023 : i32 to vector<16xi32>
        %shift_right_arithmetic3A_1025 = arith.shrsi %gather3A_858, %shift_right_arithmetic3A_1024 : vector<16xi32>
        %gt3A_1026 = arith.cmpi sgt, %max3A_582, %shift_right_arithmetic3A_1025 : vector<16xi32>
        %and3A_1027 = arith.constant 63 : i32
        %and3A_1028 = vector.broadcast %and3A_1027 : i32 to vector<16xi32>
        %and3A_1029 = arith.andi %gather3A_858, %and3A_1028 : vector<16xi32>
        %add3A_1030 = arith.constant 1 : i32
        %add3A_1031 = vector.broadcast %add3A_1030 : i32 to vector<16xi32>
        %add3A_1032 = arith.addi %and3A_1029, %add3A_1031 : vector<16xi32>
        %and3A_1033 = arith.constant 63 : i32
        %and3A_1034 = vector.broadcast %and3A_1033 : i32 to vector<16xi32>
        %and3A_1035 = arith.andi %gather3A_858, %and3A_1034 : vector<16xi32>
        %select_n3A_1036 = arith.select %gt3A_1026, %add3A_1032, %and3A_1035 : vector<16xi1>, vector<16xi32>
        %shift_right_arithmetic3A_1037 = arith.constant 6 : i32
        %shift_right_arithmetic3A_1038 = vector.broadcast %shift_right_arithmetic3A_1037 : i32 to vector<16xi32>
        %shift_right_arithmetic3A_1039 = arith.shrsi %gather3A_859, %shift_right_arithmetic3A_1038 : vector<16xi32>
        %gt3A_1040 = arith.cmpi sgt, %max3A_587, %shift_right_arithmetic3A_1039 : vector<16xi32>
        %and3A_1041 = arith.constant 63 : i32
        %and3A_1042 = vector.broadcast %and3A_1041 : i32 to vector<16xi32>
        %and3A_1043 = arith.andi %gather3A_859, %and3A_1042 : vector<16xi32>
        %add3A_1044 = arith.constant 1 : i32
        %add3A_1045 = vector.broadcast %add3A_1044 : i32 to vector<16xi32>
        %add3A_1046 = arith.addi %and3A_1043, %add3A_1045 : vector<16xi32>
        %and3A_1047 = arith.constant 63 : i32
        %and3A_1048 = vector.broadcast %and3A_1047 : i32 to vector<16xi32>
        %and3A_1049 = arith.andi %gather3A_859, %and3A_1048 : vector<16xi32>
        %select_n3A_1050 = arith.select %gt3A_1040, %add3A_1046, %and3A_1049 : vector<16xi1>, vector<16xi32>
        %shift_right_arithmetic3A_1051 = arith.constant 6 : i32
        %shift_right_arithmetic3A_1052 = vector.broadcast %shift_right_arithmetic3A_1051 : i32 to vector<16xi32>
        %shift_right_arithmetic3A_1053 = arith.shrsi %gather3A_860, %shift_right_arithmetic3A_1052 : vector<16xi32>
        %gt3A_1054 = arith.cmpi sgt, %max3A_592, %shift_right_arithmetic3A_1053 : vector<16xi32>
        %and3A_1055 = arith.constant 63 : i32
        %and3A_1056 = vector.broadcast %and3A_1055 : i32 to vector<16xi32>
        %and3A_1057 = arith.andi %gather3A_860, %and3A_1056 : vector<16xi32>
        %add3A_1058 = arith.constant 1 : i32
        %add3A_1059 = vector.broadcast %add3A_1058 : i32 to vector<16xi32>
        %add3A_1060 = arith.addi %and3A_1057, %add3A_1059 : vector<16xi32>
        %and3A_1061 = arith.constant 63 : i32
        %and3A_1062 = vector.broadcast %and3A_1061 : i32 to vector<16xi32>
        %and3A_1063 = arith.andi %gather3A_860, %and3A_1062 : vector<16xi32>
        %select_n3A_1064 = arith.select %gt3A_1054, %add3A_1060, %and3A_1063 : vector<16xi1>, vector<16xi32>
        %shift_right_arithmetic3A_1065 = arith.constant 6 : i32
        %shift_right_arithmetic3A_1066 = vector.broadcast %shift_right_arithmetic3A_1065 : i32 to vector<16xi32>
        %shift_right_arithmetic3A_1067 = arith.shrsi %gather3A_861, %shift_right_arithmetic3A_1066 : vector<16xi32>
        %gt3A_1068 = arith.cmpi sgt, %max3A_597, %shift_right_arithmetic3A_1067 : vector<16xi32>
        %and3A_1069 = arith.constant 63 : i32
        %and3A_1070 = vector.broadcast %and3A_1069 : i32 to vector<16xi32>
        %and3A_1071 = arith.andi %gather3A_861, %and3A_1070 : vector<16xi32>
        %add3A_1072 = arith.constant 1 : i32
        %add3A_1073 = vector.broadcast %add3A_1072 : i32 to vector<16xi32>
        %add3A_1074 = arith.addi %and3A_1071, %add3A_1073 : vector<16xi32>
        %and3A_1075 = arith.constant 63 : i32
        %and3A_1076 = vector.broadcast %and3A_1075 : i32 to vector<16xi32>
        %and3A_1077 = arith.andi %gather3A_861, %and3A_1076 : vector<16xi32>
        %select_n3A_1078 = arith.select %gt3A_1068, %add3A_1074, %and3A_1077 : vector<16xi1>, vector<16xi32>
        %shift_right_arithmetic3A_1079 = arith.constant 6 : i32
        %shift_right_arithmetic3A_1080 = vector.broadcast %shift_right_arithmetic3A_1079 : i32 to vector<16xi32>
        %shift_right_arithmetic3A_1081 = arith.shrsi %gather3A_862, %shift_right_arithmetic3A_1080 : vector<16xi32>
        %gt3A_1082 = arith.cmpi sgt, %max3A_602, %shift_right_arithmetic3A_1081 : vector<16xi32>
        %and3A_1083 = arith.constant 63 : i32
        %and3A_1084 = vector.broadcast %and3A_1083 : i32 to vector<16xi32>
        %and3A_1085 = arith.andi %gather3A_862, %and3A_1084 : vector<16xi32>
        %add3A_1086 = arith.constant 1 : i32
        %add3A_1087 = vector.broadcast %add3A_1086 : i32 to vector<16xi32>
        %add3A_1088 = arith.addi %and3A_1085, %add3A_1087 : vector<16xi32>
        %and3A_1089 = arith.constant 63 : i32
        %and3A_1090 = vector.broadcast %and3A_1089 : i32 to vector<16xi32>
        %and3A_1091 = arith.andi %gather3A_862, %and3A_1090 : vector<16xi32>
        %select_n3A_1092 = arith.select %gt3A_1082, %add3A_1088, %and3A_1091 : vector<16xi1>, vector<16xi32>
        %shift_right_arithmetic3A_1093 = arith.constant 6 : i32
        %shift_right_arithmetic3A_1094 = vector.broadcast %shift_right_arithmetic3A_1093 : i32 to vector<16xi32>
        %shift_right_arithmetic3A_1095 = arith.shrsi %gather3A_863, %shift_right_arithmetic3A_1094 : vector<16xi32>
        %gt3A_1096 = arith.cmpi sgt, %max3A_607, %shift_right_arithmetic3A_1095 : vector<16xi32>
        %and3A_1097 = arith.constant 63 : i32
        %and3A_1098 = vector.broadcast %and3A_1097 : i32 to vector<16xi32>
        %and3A_1099 = arith.andi %gather3A_863, %and3A_1098 : vector<16xi32>
        %add3A_1100 = arith.constant 1 : i32
        %add3A_1101 = vector.broadcast %add3A_1100 : i32 to vector<16xi32>
        %add3A_1102 = arith.addi %and3A_1099, %add3A_1101 : vector<16xi32>
        %and3A_1103 = arith.constant 63 : i32
        %and3A_1104 = vector.broadcast %and3A_1103 : i32 to vector<16xi32>
        %and3A_1105 = arith.andi %gather3A_863, %and3A_1104 : vector<16xi32>
        %select_n3A_1106 = arith.select %gt3A_1096, %add3A_1102, %and3A_1105 : vector<16xi1>, vector<16xi32>
        %shift_right_arithmetic3A_1107 = arith.constant 6 : i32
        %shift_right_arithmetic3A_1108 = vector.broadcast %shift_right_arithmetic3A_1107 : i32 to vector<16xi32>
        %shift_right_arithmetic3A_1109 = arith.shrsi %gather3A_864, %shift_right_arithmetic3A_1108 : vector<16xi32>
        %gt3A_1110 = arith.cmpi sgt, %max3A_612, %shift_right_arithmetic3A_1109 : vector<16xi32>
        %and3A_1111 = arith.constant 63 : i32
        %and3A_1112 = vector.broadcast %and3A_1111 : i32 to vector<16xi32>
        %and3A_1113 = arith.andi %gather3A_864, %and3A_1112 : vector<16xi32>
        %add3A_1114 = arith.constant 1 : i32
        %add3A_1115 = vector.broadcast %add3A_1114 : i32 to vector<16xi32>
        %add3A_1116 = arith.addi %and3A_1113, %add3A_1115 : vector<16xi32>
        %and3A_1117 = arith.constant 63 : i32
        %and3A_1118 = vector.broadcast %and3A_1117 : i32 to vector<16xi32>
        %and3A_1119 = arith.andi %gather3A_864, %and3A_1118 : vector<16xi32>
        %select_n3A_1120 = arith.select %gt3A_1110, %add3A_1116, %and3A_1119 : vector<16xi1>, vector<16xi32>
        %shift_right_arithmetic3A_1121 = arith.constant 6 : i32
        %shift_right_arithmetic3A_1122 = vector.broadcast %shift_right_arithmetic3A_1121 : i32 to vector<16xi32>
        %shift_right_arithmetic3A_1123 = arith.shrsi %gather3A_865, %shift_right_arithmetic3A_1122 : vector<16xi32>
        %gt3A_1124 = arith.cmpi sgt, %max3A_617, %shift_right_arithmetic3A_1123 : vector<16xi32>
        %and3A_1125 = arith.constant 63 : i32
        %and3A_1126 = vector.broadcast %and3A_1125 : i32 to vector<16xi32>
        %and3A_1127 = arith.andi %gather3A_865, %and3A_1126 : vector<16xi32>
        %add3A_1128 = arith.constant 1 : i32
        %add3A_1129 = vector.broadcast %add3A_1128 : i32 to vector<16xi32>
        %add3A_1130 = arith.addi %and3A_1127, %add3A_1129 : vector<16xi32>
        %and3A_1131 = arith.constant 63 : i32
        %and3A_1132 = vector.broadcast %and3A_1131 : i32 to vector<16xi32>
        %and3A_1133 = arith.andi %gather3A_865, %and3A_1132 : vector<16xi32>
        %select_n3A_1134 = arith.select %gt3A_1124, %add3A_1130, %and3A_1133 : vector<16xi1>, vector<16xi32>
        %shift_right_arithmetic3A_1135 = arith.constant 6 : i32
        %shift_right_arithmetic3A_1136 = vector.broadcast %shift_right_arithmetic3A_1135 : i32 to vector<16xi32>
        %shift_right_arithmetic3A_1137 = arith.shrsi %gather3A_866, %shift_right_arithmetic3A_1136 : vector<16xi32>
        %gt3A_1138 = arith.cmpi sgt, %max3A_622, %shift_right_arithmetic3A_1137 : vector<16xi32>
        %and3A_1139 = arith.constant 63 : i32
        %and3A_1140 = vector.broadcast %and3A_1139 : i32 to vector<16xi32>
        %and3A_1141 = arith.andi %gather3A_866, %and3A_1140 : vector<16xi32>
        %add3A_1142 = arith.constant 1 : i32
        %add3A_1143 = vector.broadcast %add3A_1142 : i32 to vector<16xi32>
        %add3A_1144 = arith.addi %and3A_1141, %add3A_1143 : vector<16xi32>
        %and3A_1145 = arith.constant 63 : i32
        %and3A_1146 = vector.broadcast %and3A_1145 : i32 to vector<16xi32>
        %and3A_1147 = arith.andi %gather3A_866, %and3A_1146 : vector<16xi32>
        %select_n3A_1148 = arith.select %gt3A_1138, %add3A_1144, %and3A_1147 : vector<16xi1>, vector<16xi32>
        %shift_right_arithmetic3A_1149 = arith.constant 6 : i32
        %shift_right_arithmetic3A_1150 = vector.broadcast %shift_right_arithmetic3A_1149 : i32 to vector<16xi32>
        %shift_right_arithmetic3A_1151 = arith.shrsi %gather3A_867, %shift_right_arithmetic3A_1150 : vector<16xi32>
        %gt3A_1152 = arith.cmpi sgt, %max3A_627, %shift_right_arithmetic3A_1151 : vector<16xi32>
        %and3A_1153 = arith.constant 63 : i32
        %and3A_1154 = vector.broadcast %and3A_1153 : i32 to vector<16xi32>
        %and3A_1155 = arith.andi %gather3A_867, %and3A_1154 : vector<16xi32>
        %add3A_1156 = arith.constant 1 : i32
        %add3A_1157 = vector.broadcast %add3A_1156 : i32 to vector<16xi32>
        %add3A_1158 = arith.addi %and3A_1155, %add3A_1157 : vector<16xi32>
        %and3A_1159 = arith.constant 63 : i32
        %and3A_1160 = vector.broadcast %and3A_1159 : i32 to vector<16xi32>
        %and3A_1161 = arith.andi %gather3A_867, %and3A_1160 : vector<16xi32>
        %select_n3A_1162 = arith.select %gt3A_1152, %add3A_1158, %and3A_1161 : vector<16xi1>, vector<16xi32>
        %shift_right_arithmetic3A_1163 = arith.constant 6 : i32
        %shift_right_arithmetic3A_1164 = vector.broadcast %shift_right_arithmetic3A_1163 : i32 to vector<16xi32>
        %shift_right_arithmetic3A_1165 = arith.shrsi %gather3A_868, %shift_right_arithmetic3A_1164 : vector<16xi32>
        %gt3A_1166 = arith.cmpi sgt, %max3A_632, %shift_right_arithmetic3A_1165 : vector<16xi32>
        %and3A_1167 = arith.constant 63 : i32
        %and3A_1168 = vector.broadcast %and3A_1167 : i32 to vector<16xi32>
        %and3A_1169 = arith.andi %gather3A_868, %and3A_1168 : vector<16xi32>
        %add3A_1170 = arith.constant 1 : i32
        %add3A_1171 = vector.broadcast %add3A_1170 : i32 to vector<16xi32>
        %add3A_1172 = arith.addi %and3A_1169, %add3A_1171 : vector<16xi32>
        %and3A_1173 = arith.constant 63 : i32
        %and3A_1174 = vector.broadcast %and3A_1173 : i32 to vector<16xi32>
        %and3A_1175 = arith.andi %gather3A_868, %and3A_1174 : vector<16xi32>
        %select_n3A_1176 = arith.select %gt3A_1166, %add3A_1172, %and3A_1175 : vector<16xi1>, vector<16xi32>
        %shift_right_arithmetic3A_1177 = arith.constant 6 : i32
        %shift_right_arithmetic3A_1178 = vector.broadcast %shift_right_arithmetic3A_1177 : i32 to vector<16xi32>
        %shift_right_arithmetic3A_1179 = arith.shrsi %gather3A_869, %shift_right_arithmetic3A_1178 : vector<16xi32>
        %gt3A_1180 = arith.cmpi sgt, %max3A_637, %shift_right_arithmetic3A_1179 : vector<16xi32>
        %and3A_1181 = arith.constant 63 : i32
        %and3A_1182 = vector.broadcast %and3A_1181 : i32 to vector<16xi32>
        %and3A_1183 = arith.andi %gather3A_869, %and3A_1182 : vector<16xi32>
        %add3A_1184 = arith.constant 1 : i32
        %add3A_1185 = vector.broadcast %add3A_1184 : i32 to vector<16xi32>
        %add3A_1186 = arith.addi %and3A_1183, %add3A_1185 : vector<16xi32>
        %and3A_1187 = arith.constant 63 : i32
        %and3A_1188 = vector.broadcast %and3A_1187 : i32 to vector<16xi32>
        %and3A_1189 = arith.andi %gather3A_869, %and3A_1188 : vector<16xi32>
        %select_n3A_1190 = arith.select %gt3A_1180, %add3A_1186, %and3A_1189 : vector<16xi1>, vector<16xi32>
        %shift_right_arithmetic3A_1191 = arith.constant 6 : i32
        %shift_right_arithmetic3A_1192 = vector.broadcast %shift_right_arithmetic3A_1191 : i32 to vector<16xi32>
        %shift_right_arithmetic3A_1193 = arith.shrsi %gather3A_870, %shift_right_arithmetic3A_1192 : vector<16xi32>
        %gt3A_1194 = arith.cmpi sgt, %max3A_642, %shift_right_arithmetic3A_1193 : vector<16xi32>
        %and3A_1195 = arith.constant 63 : i32
        %and3A_1196 = vector.broadcast %and3A_1195 : i32 to vector<16xi32>
        %and3A_1197 = arith.andi %gather3A_870, %and3A_1196 : vector<16xi32>
        %add3A_1198 = arith.constant 1 : i32
        %add3A_1199 = vector.broadcast %add3A_1198 : i32 to vector<16xi32>
        %add3A_1200 = arith.addi %and3A_1197, %add3A_1199 : vector<16xi32>
        %and3A_1201 = arith.constant 63 : i32
        %and3A_1202 = vector.broadcast %and3A_1201 : i32 to vector<16xi32>
        %and3A_1203 = arith.andi %gather3A_870, %and3A_1202 : vector<16xi32>
        %select_n3A_1204 = arith.select %gt3A_1194, %add3A_1200, %and3A_1203 : vector<16xi1>, vector<16xi32>
        %shift_right_arithmetic3A_1205 = arith.constant 6 : i32
        %shift_right_arithmetic3A_1206 = vector.broadcast %shift_right_arithmetic3A_1205 : i32 to vector<16xi32>
        %shift_right_arithmetic3A_1207 = arith.shrsi %gather3A_871, %shift_right_arithmetic3A_1206 : vector<16xi32>
        %gt3A_1208 = arith.cmpi sgt, %max3A_647, %shift_right_arithmetic3A_1207 : vector<16xi32>
        %and3A_1209 = arith.constant 63 : i32
        %and3A_1210 = vector.broadcast %and3A_1209 : i32 to vector<16xi32>
        %and3A_1211 = arith.andi %gather3A_871, %and3A_1210 : vector<16xi32>
        %add3A_1212 = arith.constant 1 : i32
        %add3A_1213 = vector.broadcast %add3A_1212 : i32 to vector<16xi32>
        %add3A_1214 = arith.addi %and3A_1211, %add3A_1213 : vector<16xi32>
        %and3A_1215 = arith.constant 63 : i32
        %and3A_1216 = vector.broadcast %and3A_1215 : i32 to vector<16xi32>
        %and3A_1217 = arith.andi %gather3A_871, %and3A_1216 : vector<16xi32>
        %select_n3A_1218 = arith.select %gt3A_1208, %add3A_1214, %and3A_1217 : vector<16xi1>, vector<16xi32>
        %gather3A_1219 = tpu.vector_load_idx %arg10[%select_n3A] : memref<64xf32, #tpu.memory_space<vmem>>[vector<16xi32>], vector<16xf32>,
        %gather3A_1220 = tpu.vector_load_idx %arg10[%select_n3A_896] : memref<64xf32, #tpu.memory_space<vmem>>[vector<16xi32>], vector<16xf32>,
        %gather3A_1221 = tpu.vector_load_idx %arg10[%select_n3A_910] : memref<64xf32, #tpu.memory_space<vmem>>[vector<16xi32>], vector<16xf32>,
        %gather3A_1222 = tpu.vector_load_idx %arg10[%select_n3A_924] : memref<64xf32, #tpu.memory_space<vmem>>[vector<16xi32>], vector<16xf32>,
        %gather3A_1223 = tpu.vector_load_idx %arg10[%select_n3A_938] : memref<64xf32, #tpu.memory_space<vmem>>[vector<16xi32>], vector<16xf32>,
        %gather3A_1224 = tpu.vector_load_idx %arg10[%select_n3A_952] : memref<64xf32, #tpu.memory_space<vmem>>[vector<16xi32>], vector<16xf32>,
        %gather3A_1225 = tpu.vector_load_idx %arg10[%select_n3A_966] : memref<64xf32, #tpu.memory_space<vmem>>[vector<16xi32>], vector<16xf32>,
        %gather3A_1226 = tpu.vector_load_idx %arg10[%select_n3A_980] : memref<64xf32, #tpu.memory_space<vmem>>[vector<16xi32>], vector<16xf32>,
        %gather3A_1227 = tpu.vector_load_idx %arg10[%select_n3A_994] : memref<64xf32, #tpu.memory_space<vmem>>[vector<16xi32>], vector<16xf32>,
        %gather3A_1228 = tpu.vector_load_idx %arg10[%select_n3A_1008] : memref<64xf32, #tpu.memory_space<vmem>>[vector<16xi32>], vector<16xf32>,
        %gather3A_1229 = tpu.vector_load_idx %arg10[%select_n3A_1022] : memref<64xf32, #tpu.memory_space<vmem>>[vector<16xi32>], vector<16xf32>,
        %gather3A_1230 = tpu.vector_load_idx %arg10[%select_n3A_1036] : memref<64xf32, #tpu.memory_space<vmem>>[vector<16xi32>], vector<16xf32>,
        %gather3A_1231 = tpu.vector_load_idx %arg10[%select_n3A_1050] : memref<64xf32, #tpu.memory_space<vmem>>[vector<16xi32>], vector<16xf32>,
        %gather3A_1232 = tpu.vector_load_idx %arg10[%select_n3A_1064] : memref<64xf32, #tpu.memory_space<vmem>>[vector<16xi32>], vector<16xf32>,
        %gather3A_1233 = tpu.vector_load_idx %arg10[%select_n3A_1078] : memref<64xf32, #tpu.memory_space<vmem>>[vector<16xi32>], vector<16xf32>,
        %gather3A_1234 = tpu.vector_load_idx %arg10[%select_n3A_1092] : memref<64xf32, #tpu.memory_space<vmem>>[vector<16xi32>], vector<16xf32>,
        %gather3A_1235 = tpu.vector_load_idx %arg10[%select_n3A_1106] : memref<64xf32, #tpu.memory_space<vmem>>[vector<16xi32>], vector<16xf32>,
        %gather3A_1236 = tpu.vector_load_idx %arg10[%select_n3A_1120] : memref<64xf32, #tpu.memory_space<vmem>>[vector<16xi32>], vector<16xf32>,
        %gather3A_1237 = tpu.vector_load_idx %arg10[%select_n3A_1134] : memref<64xf32, #tpu.memory_space<vmem>>[vector<16xi32>], vector<16xf32>,
        %gather3A_1238 = tpu.vector_load_idx %arg10[%select_n3A_1148] : memref<64xf32, #tpu.memory_space<vmem>>[vector<16xi32>], vector<16xf32>,
        %gather3A_1239 = tpu.vector_load_idx %arg10[%select_n3A_1162] : memref<64xf32, #tpu.memory_space<vmem>>[vector<16xi32>], vector<16xf32>,
        %gather3A_1240 = tpu.vector_load_idx %arg10[%select_n3A_1176] : memref<64xf32, #tpu.memory_space<vmem>>[vector<16xi32>], vector<16xf32>,
        %gather3A_1241 = tpu.vector_load_idx %arg10[%select_n3A_1190] : memref<64xf32, #tpu.memory_space<vmem>>[vector<16xi32>], vector<16xf32>,
        %gather3A_1242 = tpu.vector_load_idx %arg10[%select_n3A_1204] : memref<64xf32, #tpu.memory_space<vmem>>[vector<16xi32>], vector<16xf32>,
        %gather3A_1243 = tpu.vector_load_idx %arg10[%select_n3A_1218] : memref<64xf32, #tpu.memory_space<vmem>>[vector<16xi32>], vector<16xf32>,
        %add3A_1244 = arith.constant 0 : i32
        %add3A_1245 = arith.addi %mul3A_76, %add3A_1244 : i32
        %swap3A = arith.index_cast %add3A_1245 : i32 to index
        %swap3A_1246 = tpu.vector_load %arg11[%swap3A] {strides = array<i32>} : memref<40000xf32, #tpu.memory_space<vmem>>, vector<16xf32>,
        tpu.vector_store %arg11[%swap3A], %gather3A_1219 {strides = array<i32>} : memref<40000xf32, #tpu.memory_space<vmem>>, vector<16xf32>,
        %add3A_1247 = arith.constant 16 : i32
        %add3A_1248 = arith.addi %mul3A_76, %add3A_1247 : i32
        %swap3A_1249 = arith.index_cast %add3A_1248 : i32 to index
        %swap3A_1250 = tpu.vector_load %arg11[%swap3A_1249] {strides = array<i32>} : memref<40000xf32, #tpu.memory_space<vmem>>, vector<16xf32>,
        tpu.vector_store %arg11[%swap3A_1249], %gather3A_1220 {strides = array<i32>} : memref<40000xf32, #tpu.memory_space<vmem>>, vector<16xf32>,
        %add3A_1251 = arith.constant 32 : i32
        %add3A_1252 = arith.addi %mul3A_76, %add3A_1251 : i32
        %swap3A_1253 = arith.index_cast %add3A_1252 : i32 to index
        %swap3A_1254 = tpu.vector_load %arg11[%swap3A_1253] {strides = array<i32>} : memref<40000xf32, #tpu.memory_space<vmem>>, vector<16xf32>,
        tpu.vector_store %arg11[%swap3A_1253], %gather3A_1221 {strides = array<i32>} : memref<40000xf32, #tpu.memory_space<vmem>>, vector<16xf32>,
        %add3A_1255 = arith.constant 48 : i32
        %add3A_1256 = arith.addi %mul3A_76, %add3A_1255 : i32
        %swap3A_1257 = arith.index_cast %add3A_1256 : i32 to index
        %swap3A_1258 = tpu.vector_load %arg11[%swap3A_1257] {strides = array<i32>} : memref<40000xf32, #tpu.memory_space<vmem>>, vector<16xf32>,
        tpu.vector_store %arg11[%swap3A_1257], %gather3A_1222 {strides = array<i32>} : memref<40000xf32, #tpu.memory_space<vmem>>, vector<16xf32>,
        %add3A_1259 = arith.constant 64 : i32
        %add3A_1260 = arith.addi %mul3A_76, %add3A_1259 : i32
        %swap3A_1261 = arith.index_cast %add3A_1260 : i32 to index
        %swap3A_1262 = tpu.vector_load %arg11[%swap3A_1261] {strides = array<i32>} : memref<40000xf32, #tpu.memory_space<vmem>>, vector<16xf32>,
        tpu.vector_store %arg11[%swap3A_1261], %gather3A_1223 {strides = array<i32>} : memref<40000xf32, #tpu.memory_space<vmem>>, vector<16xf32>,
        %add3A_1263 = arith.constant 80 : i32
        %add3A_1264 = arith.addi %mul3A_76, %add3A_1263 : i32
        %swap3A_1265 = arith.index_cast %add3A_1264 : i32 to index
        %swap3A_1266 = tpu.vector_load %arg11[%swap3A_1265] {strides = array<i32>} : memref<40000xf32, #tpu.memory_space<vmem>>, vector<16xf32>,
        tpu.vector_store %arg11[%swap3A_1265], %gather3A_1224 {strides = array<i32>} : memref<40000xf32, #tpu.memory_space<vmem>>, vector<16xf32>,
        %add3A_1267 = arith.constant 96 : i32
        %add3A_1268 = arith.addi %mul3A_76, %add3A_1267 : i32
        %swap3A_1269 = arith.index_cast %add3A_1268 : i32 to index
        %swap3A_1270 = tpu.vector_load %arg11[%swap3A_1269] {strides = array<i32>} : memref<40000xf32, #tpu.memory_space<vmem>>, vector<16xf32>,
        tpu.vector_store %arg11[%swap3A_1269], %gather3A_1225 {strides = array<i32>} : memref<40000xf32, #tpu.memory_space<vmem>>, vector<16xf32>,
        %add3A_1271 = arith.constant 112 : i32
        %add3A_1272 = arith.addi %mul3A_76, %add3A_1271 : i32
        %swap3A_1273 = arith.index_cast %add3A_1272 : i32 to index
        %swap3A_1274 = tpu.vector_load %arg11[%swap3A_1273] {strides = array<i32>} : memref<40000xf32, #tpu.memory_space<vmem>>, vector<16xf32>,
        tpu.vector_store %arg11[%swap3A_1273], %gather3A_1226 {strides = array<i32>} : memref<40000xf32, #tpu.memory_space<vmem>>, vector<16xf32>,
        %add3A_1275 = arith.constant 128 : i32
        %add3A_1276 = arith.addi %mul3A_76, %add3A_1275 : i32
        %swap3A_1277 = arith.index_cast %add3A_1276 : i32 to index
        %swap3A_1278 = tpu.vector_load %arg11[%swap3A_1277] {strides = array<i32>} : memref<40000xf32, #tpu.memory_space<vmem>>, vector<16xf32>,
        tpu.vector_store %arg11[%swap3A_1277], %gather3A_1227 {strides = array<i32>} : memref<40000xf32, #tpu.memory_space<vmem>>, vector<16xf32>,
        %add3A_1279 = arith.constant 144 : i32
        %add3A_1280 = arith.addi %mul3A_76, %add3A_1279 : i32
        %swap3A_1281 = arith.index_cast %add3A_1280 : i32 to index
        %swap3A_1282 = tpu.vector_load %arg11[%swap3A_1281] {strides = array<i32>} : memref<40000xf32, #tpu.memory_space<vmem>>, vector<16xf32>,
        tpu.vector_store %arg11[%swap3A_1281], %gather3A_1228 {strides = array<i32>} : memref<40000xf32, #tpu.memory_space<vmem>>, vector<16xf32>,
        %add3A_1283 = arith.constant 160 : i32
        %add3A_1284 = arith.addi %mul3A_76, %add3A_1283 : i32
        %swap3A_1285 = arith.index_cast %add3A_1284 : i32 to index
        %swap3A_1286 = tpu.vector_load %arg11[%swap3A_1285] {strides = array<i32>} : memref<40000xf32, #tpu.memory_space<vmem>>, vector<16xf32>,
        tpu.vector_store %arg11[%swap3A_1285], %gather3A_1229 {strides = array<i32>} : memref<40000xf32, #tpu.memory_space<vmem>>, vector<16xf32>,
        %add3A_1287 = arith.constant 176 : i32
        %add3A_1288 = arith.addi %mul3A_76, %add3A_1287 : i32
        %swap3A_1289 = arith.index_cast %add3A_1288 : i32 to index
        %swap3A_1290 = tpu.vector_load %arg11[%swap3A_1289] {strides = array<i32>} : memref<40000xf32, #tpu.memory_space<vmem>>, vector<16xf32>,
        tpu.vector_store %arg11[%swap3A_1289], %gather3A_1230 {strides = array<i32>} : memref<40000xf32, #tpu.memory_space<vmem>>, vector<16xf32>,
        %add3A_1291 = arith.constant 192 : i32
        %add3A_1292 = arith.addi %mul3A_76, %add3A_1291 : i32
        %swap3A_1293 = arith.index_cast %add3A_1292 : i32 to index
        %swap3A_1294 = tpu.vector_load %arg11[%swap3A_1293] {strides = array<i32>} : memref<40000xf32, #tpu.memory_space<vmem>>, vector<16xf32>,
        tpu.vector_store %arg11[%swap3A_1293], %gather3A_1231 {strides = array<i32>} : memref<40000xf32, #tpu.memory_space<vmem>>, vector<16xf32>,
        %add3A_1295 = arith.constant 208 : i32
        %add3A_1296 = arith.addi %mul3A_76, %add3A_1295 : i32
        %swap3A_1297 = arith.index_cast %add3A_1296 : i32 to index
        %swap3A_1298 = tpu.vector_load %arg11[%swap3A_1297] {strides = array<i32>} : memref<40000xf32, #tpu.memory_space<vmem>>, vector<16xf32>,
        tpu.vector_store %arg11[%swap3A_1297], %gather3A_1232 {strides = array<i32>} : memref<40000xf32, #tpu.memory_space<vmem>>, vector<16xf32>,
        %add3A_1299 = arith.constant 224 : i32
        %add3A_1300 = arith.addi %mul3A_76, %add3A_1299 : i32
        %swap3A_1301 = arith.index_cast %add3A_1300 : i32 to index
        %swap3A_1302 = tpu.vector_load %arg11[%swap3A_1301] {strides = array<i32>} : memref<40000xf32, #tpu.memory_space<vmem>>, vector<16xf32>,
        tpu.vector_store %arg11[%swap3A_1301], %gather3A_1233 {strides = array<i32>} : memref<40000xf32, #tpu.memory_space<vmem>>, vector<16xf32>,
        %add3A_1303 = arith.constant 240 : i32
        %add3A_1304 = arith.addi %mul3A_76, %add3A_1303 : i32
        %swap3A_1305 = arith.index_cast %add3A_1304 : i32 to index
        %swap3A_1306 = tpu.vector_load %arg11[%swap3A_1305] {strides = array<i32>} : memref<40000xf32, #tpu.memory_space<vmem>>, vector<16xf32>,
        tpu.vector_store %arg11[%swap3A_1305], %gather3A_1234 {strides = array<i32>} : memref<40000xf32, #tpu.memory_space<vmem>>, vector<16xf32>,
        %add3A_1307 = arith.constant 256 : i32
        %add3A_1308 = arith.addi %mul3A_76, %add3A_1307 : i32
        %swap3A_1309 = arith.index_cast %add3A_1308 : i32 to index
        %swap3A_1310 = tpu.vector_load %arg11[%swap3A_1309] {strides = array<i32>} : memref<40000xf32, #tpu.memory_space<vmem>>, vector<16xf32>,
        tpu.vector_store %arg11[%swap3A_1309], %gather3A_1235 {strides = array<i32>} : memref<40000xf32, #tpu.memory_space<vmem>>, vector<16xf32>,
        %add3A_1311 = arith.constant 272 : i32
        %add3A_1312 = arith.addi %mul3A_76, %add3A_1311 : i32
        %swap3A_1313 = arith.index_cast %add3A_1312 : i32 to index
        %swap3A_1314 = tpu.vector_load %arg11[%swap3A_1313] {strides = array<i32>} : memref<40000xf32, #tpu.memory_space<vmem>>, vector<16xf32>,
        tpu.vector_store %arg11[%swap3A_1313], %gather3A_1236 {strides = array<i32>} : memref<40000xf32, #tpu.memory_space<vmem>>, vector<16xf32>,
        %add3A_1315 = arith.constant 288 : i32
        %add3A_1316 = arith.addi %mul3A_76, %add3A_1315 : i32
        %swap3A_1317 = arith.index_cast %add3A_1316 : i32 to index
        %swap3A_1318 = tpu.vector_load %arg11[%swap3A_1317] {strides = array<i32>} : memref<40000xf32, #tpu.memory_space<vmem>>, vector<16xf32>,
        tpu.vector_store %arg11[%swap3A_1317], %gather3A_1237 {strides = array<i32>} : memref<40000xf32, #tpu.memory_space<vmem>>, vector<16xf32>,
        %add3A_1319 = arith.constant 304 : i32
        %add3A_1320 = arith.addi %mul3A_76, %add3A_1319 : i32
        %swap3A_1321 = arith.index_cast %add3A_1320 : i32 to index
        %swap3A_1322 = tpu.vector_load %arg11[%swap3A_1321] {strides = array<i32>} : memref<40000xf32, #tpu.memory_space<vmem>>, vector<16xf32>,
        tpu.vector_store %arg11[%swap3A_1321], %gather3A_1238 {strides = array<i32>} : memref<40000xf32, #tpu.memory_space<vmem>>, vector<16xf32>,
        %add3A_1323 = arith.constant 320 : i32
        %add3A_1324 = arith.addi %mul3A_76, %add3A_1323 : i32
        %swap3A_1325 = arith.index_cast %add3A_1324 : i32 to index
        %swap3A_1326 = tpu.vector_load %arg11[%swap3A_1325] {strides = array<i32>} : memref<40000xf32, #tpu.memory_space<vmem>>, vector<16xf32>,
        tpu.vector_store %arg11[%swap3A_1325], %gather3A_1239 {strides = array<i32>} : memref<40000xf32, #tpu.memory_space<vmem>>, vector<16xf32>,
        %add3A_1327 = arith.constant 336 : i32
        %add3A_1328 = arith.addi %mul3A_76, %add3A_1327 : i32
        %swap3A_1329 = arith.index_cast %add3A_1328 : i32 to index
        %swap3A_1330 = tpu.vector_load %arg11[%swap3A_1329] {strides = array<i32>} : memref<40000xf32, #tpu.memory_space<vmem>>, vector<16xf32>,
        tpu.vector_store %arg11[%swap3A_1329], %gather3A_1240 {strides = array<i32>} : memref<40000xf32, #tpu.memory_space<vmem>>, vector<16xf32>,
        %add3A_1331 = arith.constant 352 : i32
        %add3A_1332 = arith.addi %mul3A_76, %add3A_1331 : i32
        %swap3A_1333 = arith.index_cast %add3A_1332 : i32 to index
        %swap3A_1334 = tpu.vector_load %arg11[%swap3A_1333] {strides = array<i32>} : memref<40000xf32, #tpu.memory_space<vmem>>, vector<16xf32>,
        tpu.vector_store %arg11[%swap3A_1333], %gather3A_1241 {strides = array<i32>} : memref<40000xf32, #tpu.memory_space<vmem>>, vector<16xf32>,
        %add3A_1335 = arith.constant 368 : i32
        %add3A_1336 = arith.addi %mul3A_76, %add3A_1335 : i32
        %swap3A_1337 = arith.index_cast %add3A_1336 : i32 to index
        %swap3A_1338 = tpu.vector_load %arg11[%swap3A_1337] {strides = array<i32>} : memref<40000xf32, #tpu.memory_space<vmem>>, vector<16xf32>,
        tpu.vector_store %arg11[%swap3A_1337], %gather3A_1242 {strides = array<i32>} : memref<40000xf32, #tpu.memory_space<vmem>>, vector<16xf32>,
        %add3A_1339 = arith.constant 384 : i32
        %add3A_1340 = arith.addi %mul3A_76, %add3A_1339 : i32
        %swap3A_1341 = arith.index_cast %add3A_1340 : i32 to index
        %swap3A_1342 = tpu.vector_load %arg11[%swap3A_1341] {strides = array<i32>} : memref<40000xf32, #tpu.memory_space<vmem>>, vector<16xf32>,
        tpu.vector_store %arg11[%swap3A_1341], %gather3A_1243 {strides = array<i32>} : memref<40000xf32, #tpu.memory_space<vmem>>, vector<16xf32>,
      }
      %scan3A_42 = arith.constant 100 : i32
      %add3A_43 = arith.addi %mul3A_2, %mul3A_32 : i32
      %dma_start3A = arith.constant 0 : i32
      %dma_start3A_44 = tpu.memref_slice %arg6[%add3A_43, %dma_start3A] : memref<1024x40000xf32, #tpu.memory_space<hbm>> -> memref<1x40000xf32, #tpu.memory_space<hbm>>
      %dma_start3A_45 = tpu.memref_squeeze %dma_start3A_44 : memref<1x40000xf32, #tpu.memory_space<hbm>> -> memref<40000xf32, #tpu.memory_space<hbm>>
      %dma_start3A_46 = arith.constant 0 : i32
      %dma_start3A_47 = tpu.memref_slice %arg6[%add3A_43, %dma_start3A_46] : memref<1024x40000xf32, #tpu.memory_space<hbm>> -> memref<1x40000xf32, #tpu.memory_space<hbm>>
      %dma_start3A_48 = tpu.memref_squeeze %dma_start3A_47 : memref<1x40000xf32, #tpu.memory_space<hbm>> -> memref<40000xf32, #tpu.memory_space<hbm>>
      tpu.enqueue_dma source(%arg11 : memref<40000xf32, #tpu.memory_space<vmem>>) target(%dma_start3A_48 : memref<40000xf32, #tpu.memory_space<hbm>>) target_semaphore(%arg13 : memref<!tpu.dma_semaphore, #tpu.memory_space<semaphore_mem>>)
      %ge3A_49 = arith.constant 1 : i32
      %ge3A_50 = arith.cmpi sge, %scan3A_30, %ge3A_49 : i32
      %convert_element_type3A_51 = arith.extui %ge3A_50 : i1 to i32
      %cond3A_52 = arith.constant 0 : i32
      %cond3A_53 = arith.cmpi ne, %convert_element_type3A_51, %cond3A_52 : i32
      scf.if %cond3A_53 {
        %add3A_74 = arith.addi %mul3A_2, %mul3A_32 : i32
        %sub3A_75 = arith.constant 1 : i32
        %sub3A_76 = arith.subi %add3A_74, %sub3A_75 : i32
        %dma_wait3A_77 = arith.constant 0 : i32
        %dma_wait3A_78 = tpu.memref_slice %arg6[%sub3A_76, %dma_wait3A_77] : memref<1024x40000xf32, #tpu.memory_space<hbm>> -> memref<1x40000xf32, #tpu.memory_space<hbm>>
        %dma_wait3A_79 = tpu.memref_squeeze %dma_wait3A_78 : memref<1x40000xf32, #tpu.memory_space<hbm>> -> memref<40000xf32, #tpu.memory_space<hbm>>
        %dma_wait3A_80 = arith.constant 0 : i32
        %dma_wait3A_81 = tpu.memref_slice %arg6[%sub3A_76, %dma_wait3A_80] : memref<1024x40000xf32, #tpu.memory_space<hbm>> -> memref<1x40000xf32, #tpu.memory_space<hbm>>
        %dma_wait3A_82 = tpu.memref_squeeze %dma_wait3A_81 : memref<1x40000xf32, #tpu.memory_space<hbm>> -> memref<40000xf32, #tpu.memory_space<hbm>>
        tpu.wait_dma2 semaphore(%arg14 : memref<!tpu.dma_semaphore, #tpu.memory_space<semaphore_mem>>) src(%arg12 : memref<40000xf32, #tpu.memory_space<vmem>>) dst(%dma_wait3A_82 : memref<40000xf32, #tpu.memory_space<hbm>>)
      } else {
      }
      %add3A_54 = arith.constant 1 : i32
      %add3A_55 = arith.addi %mul3A_32, %add3A_54 : i32
      %mul3A_56 = arith.constant 200 : i32
      %mul3A_57 = arith.muli %add3A_55, %mul3A_56 : i32
      %broadcast_in_dim3A_58 = vector.broadcast %mul3A_57 : i32 to vector<16xi32>
      %scan3A_59 = arith.constant 0 : i32
      %scan3A_60 = arith.constant 0 : i32
      %scan3A_61 = arith.constant 100 : i32
      %scan3A_62 = arith.addi %scan3A_60, %scan3A_61 : i32
      %scan3A_63 = arith.constant 1 : i32
      scf.for %scan3A_74 = %scan3A_60 to %scan3A_62 step %scan3A_63  : i32 {
        %mul3A_75 = arith.constant 400 : i32
        %mul3A_76 = arith.muli %scan3A_74, %mul3A_75 : i32
        %add3A_77 = arith.constant 0 : i32
        %add3A_78 = arith.addi %mul3A_76, %add3A_77 : i32
        %add3A_79 = vector.broadcast %add3A_78 : i32 to vector<16xi32>
        %add3A_80 = arith.addi %add3A_79, %iota3A : vector<16xi32>
        %add3A_81 = arith.constant 16 : i32
        %add3A_82 = arith.addi %mul3A_76, %add3A_81 : i32
        %add3A_83 = vector.broadcast %add3A_82 : i32 to vector<16xi32>
        %add3A_84 = arith.addi %add3A_83, %iota3A : vector<16xi32>
        %add3A_85 = arith.constant 32 : i32
        %add3A_86 = arith.addi %mul3A_76, %add3A_85 : i32
        %add3A_87 = vector.broadcast %add3A_86 : i32 to vector<16xi32>
        %add3A_88 = arith.addi %add3A_87, %iota3A : vector<16xi32>
        %add3A_89 = arith.constant 48 : i32
        %add3A_90 = arith.addi %mul3A_76, %add3A_89 : i32
        %add3A_91 = vector.broadcast %add3A_90 : i32 to vector<16xi32>
        %add3A_92 = arith.addi %add3A_91, %iota3A : vector<16xi32>
        %add3A_93 = arith.constant 64 : i32
        %add3A_94 = arith.addi %mul3A_76, %add3A_93 : i32
        %add3A_95 = vector.broadcast %add3A_94 : i32 to vector<16xi32>
        %add3A_96 = arith.addi %add3A_95, %iota3A : vector<16xi32>
        %add3A_97 = arith.constant 80 : i32
        %add3A_98 = arith.addi %mul3A_76, %add3A_97 : i32
        %add3A_99 = vector.broadcast %add3A_98 : i32 to vector<16xi32>
        %add3A_100 = arith.addi %add3A_99, %iota3A : vector<16xi32>
        %add3A_101 = arith.constant 96 : i32
        %add3A_102 = arith.addi %mul3A_76, %add3A_101 : i32
        %add3A_103 = vector.broadcast %add3A_102 : i32 to vector<16xi32>
        %add3A_104 = arith.addi %add3A_103, %iota3A : vector<16xi32>
        %add3A_105 = arith.constant 112 : i32
        %add3A_106 = arith.addi %mul3A_76, %add3A_105 : i32
        %add3A_107 = vector.broadcast %add3A_106 : i32 to vector<16xi32>
        %add3A_108 = arith.addi %add3A_107, %iota3A : vector<16xi32>
        %add3A_109 = arith.constant 128 : i32
        %add3A_110 = arith.addi %mul3A_76, %add3A_109 : i32
        %add3A_111 = vector.broadcast %add3A_110 : i32 to vector<16xi32>
        %add3A_112 = arith.addi %add3A_111, %iota3A : vector<16xi32>
        %add3A_113 = arith.constant 144 : i32
        %add3A_114 = arith.addi %mul3A_76, %add3A_113 : i32
        %add3A_115 = vector.broadcast %add3A_114 : i32 to vector<16xi32>
        %add3A_116 = arith.addi %add3A_115, %iota3A : vector<16xi32>
        %add3A_117 = arith.constant 160 : i32
        %add3A_118 = arith.addi %mul3A_76, %add3A_117 : i32
        %add3A_119 = vector.broadcast %add3A_118 : i32 to vector<16xi32>
        %add3A_120 = arith.addi %add3A_119, %iota3A : vector<16xi32>
        %add3A_121 = arith.constant 176 : i32
        %add3A_122 = arith.addi %mul3A_76, %add3A_121 : i32
        %add3A_123 = vector.broadcast %add3A_122 : i32 to vector<16xi32>
        %add3A_124 = arith.addi %add3A_123, %iota3A : vector<16xi32>
        %add3A_125 = arith.constant 192 : i32
        %add3A_126 = arith.addi %mul3A_76, %add3A_125 : i32
        %add3A_127 = vector.broadcast %add3A_126 : i32 to vector<16xi32>
        %add3A_128 = arith.addi %add3A_127, %iota3A : vector<16xi32>
        %add3A_129 = arith.constant 208 : i32
        %add3A_130 = arith.addi %mul3A_76, %add3A_129 : i32
        %add3A_131 = vector.broadcast %add3A_130 : i32 to vector<16xi32>
        %add3A_132 = arith.addi %add3A_131, %iota3A : vector<16xi32>
        %add3A_133 = arith.constant 224 : i32
        %add3A_134 = arith.addi %mul3A_76, %add3A_133 : i32
        %add3A_135 = vector.broadcast %add3A_134 : i32 to vector<16xi32>
        %add3A_136 = arith.addi %add3A_135, %iota3A : vector<16xi32>
        %add3A_137 = arith.constant 240 : i32
        %add3A_138 = arith.addi %mul3A_76, %add3A_137 : i32
        %add3A_139 = vector.broadcast %add3A_138 : i32 to vector<16xi32>
        %add3A_140 = arith.addi %add3A_139, %iota3A : vector<16xi32>
        %add3A_141 = arith.constant 256 : i32
        %add3A_142 = arith.addi %mul3A_76, %add3A_141 : i32
        %add3A_143 = vector.broadcast %add3A_142 : i32 to vector<16xi32>
        %add3A_144 = arith.addi %add3A_143, %iota3A : vector<16xi32>
        %add3A_145 = arith.constant 272 : i32
        %add3A_146 = arith.addi %mul3A_76, %add3A_145 : i32
        %add3A_147 = vector.broadcast %add3A_146 : i32 to vector<16xi32>
        %add3A_148 = arith.addi %add3A_147, %iota3A : vector<16xi32>
        %add3A_149 = arith.constant 288 : i32
        %add3A_150 = arith.addi %mul3A_76, %add3A_149 : i32
        %add3A_151 = vector.broadcast %add3A_150 : i32 to vector<16xi32>
        %add3A_152 = arith.addi %add3A_151, %iota3A : vector<16xi32>
        %add3A_153 = arith.constant 304 : i32
        %add3A_154 = arith.addi %mul3A_76, %add3A_153 : i32
        %add3A_155 = vector.broadcast %add3A_154 : i32 to vector<16xi32>
        %add3A_156 = arith.addi %add3A_155, %iota3A : vector<16xi32>
        %add3A_157 = arith.constant 320 : i32
        %add3A_158 = arith.addi %mul3A_76, %add3A_157 : i32
        %add3A_159 = vector.broadcast %add3A_158 : i32 to vector<16xi32>
        %add3A_160 = arith.addi %add3A_159, %iota3A : vector<16xi32>
        %add3A_161 = arith.constant 336 : i32
        %add3A_162 = arith.addi %mul3A_76, %add3A_161 : i32
        %add3A_163 = vector.broadcast %add3A_162 : i32 to vector<16xi32>
        %add3A_164 = arith.addi %add3A_163, %iota3A : vector<16xi32>
        %add3A_165 = arith.constant 352 : i32
        %add3A_166 = arith.addi %mul3A_76, %add3A_165 : i32
        %add3A_167 = vector.broadcast %add3A_166 : i32 to vector<16xi32>
        %add3A_168 = arith.addi %add3A_167, %iota3A : vector<16xi32>
        %add3A_169 = arith.constant 368 : i32
        %add3A_170 = arith.addi %mul3A_76, %add3A_169 : i32
        %add3A_171 = vector.broadcast %add3A_170 : i32 to vector<16xi32>
        %add3A_172 = arith.addi %add3A_171, %iota3A : vector<16xi32>
        %add3A_173 = arith.constant 384 : i32
        %add3A_174 = arith.addi %mul3A_76, %add3A_173 : i32
        %add3A_175 = vector.broadcast %add3A_174 : i32 to vector<16xi32>
        %add3A_176 = arith.addi %add3A_175, %iota3A : vector<16xi32>
        %mul3A_177 = arith.constant 10486 : i32
        %mul3A_178 = vector.broadcast %mul3A_177 : i32 to vector<16xi32>
        %mul3A_179 = arith.muli %add3A_80, %mul3A_178 : vector<16xi32>
        %shift_right_arithmetic3A = arith.constant 21 : i32
        %shift_right_arithmetic3A_180 = vector.broadcast %shift_right_arithmetic3A : i32 to vector<16xi32>
        %shift_right_arithmetic3A_181 = arith.shrsi %mul3A_179, %shift_right_arithmetic3A_180 : vector<16xi32>
        %mul3A_182 = arith.constant 10486 : i32
        %mul3A_183 = vector.broadcast %mul3A_182 : i32 to vector<16xi32>
        %mul3A_184 = arith.muli %add3A_84, %mul3A_183 : vector<16xi32>
        %shift_right_arithmetic3A_185 = arith.constant 21 : i32
        %shift_right_arithmetic3A_186 = vector.broadcast %shift_right_arithmetic3A_185 : i32 to vector<16xi32>
        %shift_right_arithmetic3A_187 = arith.shrsi %mul3A_184, %shift_right_arithmetic3A_186 : vector<16xi32>
        %mul3A_188 = arith.constant 10486 : i32
        %mul3A_189 = vector.broadcast %mul3A_188 : i32 to vector<16xi32>
        %mul3A_190 = arith.muli %add3A_88, %mul3A_189 : vector<16xi32>
        %shift_right_arithmetic3A_191 = arith.constant 21 : i32
        %shift_right_arithmetic3A_192 = vector.broadcast %shift_right_arithmetic3A_191 : i32 to vector<16xi32>
        %shift_right_arithmetic3A_193 = arith.shrsi %mul3A_190, %shift_right_arithmetic3A_192 : vector<16xi32>
        %mul3A_194 = arith.constant 10486 : i32
        %mul3A_195 = vector.broadcast %mul3A_194 : i32 to vector<16xi32>
        %mul3A_196 = arith.muli %add3A_92, %mul3A_195 : vector<16xi32>
        %shift_right_arithmetic3A_197 = arith.constant 21 : i32
        %shift_right_arithmetic3A_198 = vector.broadcast %shift_right_arithmetic3A_197 : i32 to vector<16xi32>
        %shift_right_arithmetic3A_199 = arith.shrsi %mul3A_196, %shift_right_arithmetic3A_198 : vector<16xi32>
        %mul3A_200 = arith.constant 10486 : i32
        %mul3A_201 = vector.broadcast %mul3A_200 : i32 to vector<16xi32>
        %mul3A_202 = arith.muli %add3A_96, %mul3A_201 : vector<16xi32>
        %shift_right_arithmetic3A_203 = arith.constant 21 : i32
        %shift_right_arithmetic3A_204 = vector.broadcast %shift_right_arithmetic3A_203 : i32 to vector<16xi32>
        %shift_right_arithmetic3A_205 = arith.shrsi %mul3A_202, %shift_right_arithmetic3A_204 : vector<16xi32>
        %mul3A_206 = arith.constant 10486 : i32
        %mul3A_207 = vector.broadcast %mul3A_206 : i32 to vector<16xi32>
        %mul3A_208 = arith.muli %add3A_100, %mul3A_207 : vector<16xi32>
        %shift_right_arithmetic3A_209 = arith.constant 21 : i32
        %shift_right_arithmetic3A_210 = vector.broadcast %shift_right_arithmetic3A_209 : i32 to vector<16xi32>
        %shift_right_arithmetic3A_211 = arith.shrsi %mul3A_208, %shift_right_arithmetic3A_210 : vector<16xi32>
        %mul3A_212 = arith.constant 10486 : i32
        %mul3A_213 = vector.broadcast %mul3A_212 : i32 to vector<16xi32>
        %mul3A_214 = arith.muli %add3A_104, %mul3A_213 : vector<16xi32>
        %shift_right_arithmetic3A_215 = arith.constant 21 : i32
        %shift_right_arithmetic3A_216 = vector.broadcast %shift_right_arithmetic3A_215 : i32 to vector<16xi32>
        %shift_right_arithmetic3A_217 = arith.shrsi %mul3A_214, %shift_right_arithmetic3A_216 : vector<16xi32>
        %mul3A_218 = arith.constant 10486 : i32
        %mul3A_219 = vector.broadcast %mul3A_218 : i32 to vector<16xi32>
        %mul3A_220 = arith.muli %add3A_108, %mul3A_219 : vector<16xi32>
        %shift_right_arithmetic3A_221 = arith.constant 21 : i32
        %shift_right_arithmetic3A_222 = vector.broadcast %shift_right_arithmetic3A_221 : i32 to vector<16xi32>
        %shift_right_arithmetic3A_223 = arith.shrsi %mul3A_220, %shift_right_arithmetic3A_222 : vector<16xi32>
        %mul3A_224 = arith.constant 10486 : i32
        %mul3A_225 = vector.broadcast %mul3A_224 : i32 to vector<16xi32>
        %mul3A_226 = arith.muli %add3A_112, %mul3A_225 : vector<16xi32>
        %shift_right_arithmetic3A_227 = arith.constant 21 : i32
        %shift_right_arithmetic3A_228 = vector.broadcast %shift_right_arithmetic3A_227 : i32 to vector<16xi32>
        %shift_right_arithmetic3A_229 = arith.shrsi %mul3A_226, %shift_right_arithmetic3A_228 : vector<16xi32>
        %mul3A_230 = arith.constant 10486 : i32
        %mul3A_231 = vector.broadcast %mul3A_230 : i32 to vector<16xi32>
        %mul3A_232 = arith.muli %add3A_116, %mul3A_231 : vector<16xi32>
        %shift_right_arithmetic3A_233 = arith.constant 21 : i32
        %shift_right_arithmetic3A_234 = vector.broadcast %shift_right_arithmetic3A_233 : i32 to vector<16xi32>
        %shift_right_arithmetic3A_235 = arith.shrsi %mul3A_232, %shift_right_arithmetic3A_234 : vector<16xi32>
        %mul3A_236 = arith.constant 10486 : i32
        %mul3A_237 = vector.broadcast %mul3A_236 : i32 to vector<16xi32>
        %mul3A_238 = arith.muli %add3A_120, %mul3A_237 : vector<16xi32>
        %shift_right_arithmetic3A_239 = arith.constant 21 : i32
        %shift_right_arithmetic3A_240 = vector.broadcast %shift_right_arithmetic3A_239 : i32 to vector<16xi32>
        %shift_right_arithmetic3A_241 = arith.shrsi %mul3A_238, %shift_right_arithmetic3A_240 : vector<16xi32>
        %mul3A_242 = arith.constant 10486 : i32
        %mul3A_243 = vector.broadcast %mul3A_242 : i32 to vector<16xi32>
        %mul3A_244 = arith.muli %add3A_124, %mul3A_243 : vector<16xi32>
        %shift_right_arithmetic3A_245 = arith.constant 21 : i32
        %shift_right_arithmetic3A_246 = vector.broadcast %shift_right_arithmetic3A_245 : i32 to vector<16xi32>
        %shift_right_arithmetic3A_247 = arith.shrsi %mul3A_244, %shift_right_arithmetic3A_246 : vector<16xi32>
        %mul3A_248 = arith.constant 10486 : i32
        %mul3A_249 = vector.broadcast %mul3A_248 : i32 to vector<16xi32>
        %mul3A_250 = arith.muli %add3A_128, %mul3A_249 : vector<16xi32>
        %shift_right_arithmetic3A_251 = arith.constant 21 : i32
        %shift_right_arithmetic3A_252 = vector.broadcast %shift_right_arithmetic3A_251 : i32 to vector<16xi32>
        %shift_right_arithmetic3A_253 = arith.shrsi %mul3A_250, %shift_right_arithmetic3A_252 : vector<16xi32>
        %mul3A_254 = arith.constant 10486 : i32
        %mul3A_255 = vector.broadcast %mul3A_254 : i32 to vector<16xi32>
        %mul3A_256 = arith.muli %add3A_132, %mul3A_255 : vector<16xi32>
        %shift_right_arithmetic3A_257 = arith.constant 21 : i32
        %shift_right_arithmetic3A_258 = vector.broadcast %shift_right_arithmetic3A_257 : i32 to vector<16xi32>
        %shift_right_arithmetic3A_259 = arith.shrsi %mul3A_256, %shift_right_arithmetic3A_258 : vector<16xi32>
        %mul3A_260 = arith.constant 10486 : i32
        %mul3A_261 = vector.broadcast %mul3A_260 : i32 to vector<16xi32>
        %mul3A_262 = arith.muli %add3A_136, %mul3A_261 : vector<16xi32>
        %shift_right_arithmetic3A_263 = arith.constant 21 : i32
        %shift_right_arithmetic3A_264 = vector.broadcast %shift_right_arithmetic3A_263 : i32 to vector<16xi32>
        %shift_right_arithmetic3A_265 = arith.shrsi %mul3A_262, %shift_right_arithmetic3A_264 : vector<16xi32>
        %mul3A_266 = arith.constant 10486 : i32
        %mul3A_267 = vector.broadcast %mul3A_266 : i32 to vector<16xi32>
        %mul3A_268 = arith.muli %add3A_140, %mul3A_267 : vector<16xi32>
        %shift_right_arithmetic3A_269 = arith.constant 21 : i32
        %shift_right_arithmetic3A_270 = vector.broadcast %shift_right_arithmetic3A_269 : i32 to vector<16xi32>
        %shift_right_arithmetic3A_271 = arith.shrsi %mul3A_268, %shift_right_arithmetic3A_270 : vector<16xi32>
        %mul3A_272 = arith.constant 10486 : i32
        %mul3A_273 = vector.broadcast %mul3A_272 : i32 to vector<16xi32>
        %mul3A_274 = arith.muli %add3A_144, %mul3A_273 : vector<16xi32>
        %shift_right_arithmetic3A_275 = arith.constant 21 : i32
        %shift_right_arithmetic3A_276 = vector.broadcast %shift_right_arithmetic3A_275 : i32 to vector<16xi32>
        %shift_right_arithmetic3A_277 = arith.shrsi %mul3A_274, %shift_right_arithmetic3A_276 : vector<16xi32>
        %mul3A_278 = arith.constant 10486 : i32
        %mul3A_279 = vector.broadcast %mul3A_278 : i32 to vector<16xi32>
        %mul3A_280 = arith.muli %add3A_148, %mul3A_279 : vector<16xi32>
        %shift_right_arithmetic3A_281 = arith.constant 21 : i32
        %shift_right_arithmetic3A_282 = vector.broadcast %shift_right_arithmetic3A_281 : i32 to vector<16xi32>
        %shift_right_arithmetic3A_283 = arith.shrsi %mul3A_280, %shift_right_arithmetic3A_282 : vector<16xi32>
        %mul3A_284 = arith.constant 10486 : i32
        %mul3A_285 = vector.broadcast %mul3A_284 : i32 to vector<16xi32>
        %mul3A_286 = arith.muli %add3A_152, %mul3A_285 : vector<16xi32>
        %shift_right_arithmetic3A_287 = arith.constant 21 : i32
        %shift_right_arithmetic3A_288 = vector.broadcast %shift_right_arithmetic3A_287 : i32 to vector<16xi32>
        %shift_right_arithmetic3A_289 = arith.shrsi %mul3A_286, %shift_right_arithmetic3A_288 : vector<16xi32>
        %mul3A_290 = arith.constant 10486 : i32
        %mul3A_291 = vector.broadcast %mul3A_290 : i32 to vector<16xi32>
        %mul3A_292 = arith.muli %add3A_156, %mul3A_291 : vector<16xi32>
        %shift_right_arithmetic3A_293 = arith.constant 21 : i32
        %shift_right_arithmetic3A_294 = vector.broadcast %shift_right_arithmetic3A_293 : i32 to vector<16xi32>
        %shift_right_arithmetic3A_295 = arith.shrsi %mul3A_292, %shift_right_arithmetic3A_294 : vector<16xi32>
        %mul3A_296 = arith.constant 10486 : i32
        %mul3A_297 = vector.broadcast %mul3A_296 : i32 to vector<16xi32>
        %mul3A_298 = arith.muli %add3A_160, %mul3A_297 : vector<16xi32>
        %shift_right_arithmetic3A_299 = arith.constant 21 : i32
        %shift_right_arithmetic3A_300 = vector.broadcast %shift_right_arithmetic3A_299 : i32 to vector<16xi32>
        %shift_right_arithmetic3A_301 = arith.shrsi %mul3A_298, %shift_right_arithmetic3A_300 : vector<16xi32>
        %mul3A_302 = arith.constant 10486 : i32
        %mul3A_303 = vector.broadcast %mul3A_302 : i32 to vector<16xi32>
        %mul3A_304 = arith.muli %add3A_164, %mul3A_303 : vector<16xi32>
        %shift_right_arithmetic3A_305 = arith.constant 21 : i32
        %shift_right_arithmetic3A_306 = vector.broadcast %shift_right_arithmetic3A_305 : i32 to vector<16xi32>
        %shift_right_arithmetic3A_307 = arith.shrsi %mul3A_304, %shift_right_arithmetic3A_306 : vector<16xi32>
        %mul3A_308 = arith.constant 10486 : i32
        %mul3A_309 = vector.broadcast %mul3A_308 : i32 to vector<16xi32>
        %mul3A_310 = arith.muli %add3A_168, %mul3A_309 : vector<16xi32>
        %shift_right_arithmetic3A_311 = arith.constant 21 : i32
        %shift_right_arithmetic3A_312 = vector.broadcast %shift_right_arithmetic3A_311 : i32 to vector<16xi32>
        %shift_right_arithmetic3A_313 = arith.shrsi %mul3A_310, %shift_right_arithmetic3A_312 : vector<16xi32>
        %mul3A_314 = arith.constant 10486 : i32
        %mul3A_315 = vector.broadcast %mul3A_314 : i32 to vector<16xi32>
        %mul3A_316 = arith.muli %add3A_172, %mul3A_315 : vector<16xi32>
        %shift_right_arithmetic3A_317 = arith.constant 21 : i32
        %shift_right_arithmetic3A_318 = vector.broadcast %shift_right_arithmetic3A_317 : i32 to vector<16xi32>
        %shift_right_arithmetic3A_319 = arith.shrsi %mul3A_316, %shift_right_arithmetic3A_318 : vector<16xi32>
        %mul3A_320 = arith.constant 10486 : i32
        %mul3A_321 = vector.broadcast %mul3A_320 : i32 to vector<16xi32>
        %mul3A_322 = arith.muli %add3A_176, %mul3A_321 : vector<16xi32>
        %shift_right_arithmetic3A_323 = arith.constant 21 : i32
        %shift_right_arithmetic3A_324 = vector.broadcast %shift_right_arithmetic3A_323 : i32 to vector<16xi32>
        %shift_right_arithmetic3A_325 = arith.shrsi %mul3A_322, %shift_right_arithmetic3A_324 : vector<16xi32>
        %mul3A_326 = arith.constant 200 : i32
        %mul3A_327 = vector.broadcast %mul3A_326 : i32 to vector<16xi32>
        %mul3A_328 = arith.muli %shift_right_arithmetic3A_181, %mul3A_327 : vector<16xi32>
        %sub3A_329 = arith.subi %add3A_80, %mul3A_328 : vector<16xi32>
        %mul3A_330 = arith.constant 200 : i32
        %mul3A_331 = vector.broadcast %mul3A_330 : i32 to vector<16xi32>
        %mul3A_332 = arith.muli %shift_right_arithmetic3A_187, %mul3A_331 : vector<16xi32>
        %sub3A_333 = arith.subi %add3A_84, %mul3A_332 : vector<16xi32>
        %mul3A_334 = arith.constant 200 : i32
        %mul3A_335 = vector.broadcast %mul3A_334 : i32 to vector<16xi32>
        %mul3A_336 = arith.muli %shift_right_arithmetic3A_193, %mul3A_335 : vector<16xi32>
        %sub3A_337 = arith.subi %add3A_88, %mul3A_336 : vector<16xi32>
        %mul3A_338 = arith.constant 200 : i32
        %mul3A_339 = vector.broadcast %mul3A_338 : i32 to vector<16xi32>
        %mul3A_340 = arith.muli %shift_right_arithmetic3A_199, %mul3A_339 : vector<16xi32>
        %sub3A_341 = arith.subi %add3A_92, %mul3A_340 : vector<16xi32>
        %mul3A_342 = arith.constant 200 : i32
        %mul3A_343 = vector.broadcast %mul3A_342 : i32 to vector<16xi32>
        %mul3A_344 = arith.muli %shift_right_arithmetic3A_205, %mul3A_343 : vector<16xi32>
        %sub3A_345 = arith.subi %add3A_96, %mul3A_344 : vector<16xi32>
        %mul3A_346 = arith.constant 200 : i32
        %mul3A_347 = vector.broadcast %mul3A_346 : i32 to vector<16xi32>
        %mul3A_348 = arith.muli %shift_right_arithmetic3A_211, %mul3A_347 : vector<16xi32>
        %sub3A_349 = arith.subi %add3A_100, %mul3A_348 : vector<16xi32>
        %mul3A_350 = arith.constant 200 : i32
        %mul3A_351 = vector.broadcast %mul3A_350 : i32 to vector<16xi32>
        %mul3A_352 = arith.muli %shift_right_arithmetic3A_217, %mul3A_351 : vector<16xi32>
        %sub3A_353 = arith.subi %add3A_104, %mul3A_352 : vector<16xi32>
        %mul3A_354 = arith.constant 200 : i32
        %mul3A_355 = vector.broadcast %mul3A_354 : i32 to vector<16xi32>
        %mul3A_356 = arith.muli %shift_right_arithmetic3A_223, %mul3A_355 : vector<16xi32>
        %sub3A_357 = arith.subi %add3A_108, %mul3A_356 : vector<16xi32>
        %mul3A_358 = arith.constant 200 : i32
        %mul3A_359 = vector.broadcast %mul3A_358 : i32 to vector<16xi32>
        %mul3A_360 = arith.muli %shift_right_arithmetic3A_229, %mul3A_359 : vector<16xi32>
        %sub3A_361 = arith.subi %add3A_112, %mul3A_360 : vector<16xi32>
        %mul3A_362 = arith.constant 200 : i32
        %mul3A_363 = vector.broadcast %mul3A_362 : i32 to vector<16xi32>
        %mul3A_364 = arith.muli %shift_right_arithmetic3A_235, %mul3A_363 : vector<16xi32>
        %sub3A_365 = arith.subi %add3A_116, %mul3A_364 : vector<16xi32>
        %mul3A_366 = arith.constant 200 : i32
        %mul3A_367 = vector.broadcast %mul3A_366 : i32 to vector<16xi32>
        %mul3A_368 = arith.muli %shift_right_arithmetic3A_241, %mul3A_367 : vector<16xi32>
        %sub3A_369 = arith.subi %add3A_120, %mul3A_368 : vector<16xi32>
        %mul3A_370 = arith.constant 200 : i32
        %mul3A_371 = vector.broadcast %mul3A_370 : i32 to vector<16xi32>
        %mul3A_372 = arith.muli %shift_right_arithmetic3A_247, %mul3A_371 : vector<16xi32>
        %sub3A_373 = arith.subi %add3A_124, %mul3A_372 : vector<16xi32>
        %mul3A_374 = arith.constant 200 : i32
        %mul3A_375 = vector.broadcast %mul3A_374 : i32 to vector<16xi32>
        %mul3A_376 = arith.muli %shift_right_arithmetic3A_253, %mul3A_375 : vector<16xi32>
        %sub3A_377 = arith.subi %add3A_128, %mul3A_376 : vector<16xi32>
        %mul3A_378 = arith.constant 200 : i32
        %mul3A_379 = vector.broadcast %mul3A_378 : i32 to vector<16xi32>
        %mul3A_380 = arith.muli %shift_right_arithmetic3A_259, %mul3A_379 : vector<16xi32>
        %sub3A_381 = arith.subi %add3A_132, %mul3A_380 : vector<16xi32>
        %mul3A_382 = arith.constant 200 : i32
        %mul3A_383 = vector.broadcast %mul3A_382 : i32 to vector<16xi32>
        %mul3A_384 = arith.muli %shift_right_arithmetic3A_265, %mul3A_383 : vector<16xi32>
        %sub3A_385 = arith.subi %add3A_136, %mul3A_384 : vector<16xi32>
        %mul3A_386 = arith.constant 200 : i32
        %mul3A_387 = vector.broadcast %mul3A_386 : i32 to vector<16xi32>
        %mul3A_388 = arith.muli %shift_right_arithmetic3A_271, %mul3A_387 : vector<16xi32>
        %sub3A_389 = arith.subi %add3A_140, %mul3A_388 : vector<16xi32>
        %mul3A_390 = arith.constant 200 : i32
        %mul3A_391 = vector.broadcast %mul3A_390 : i32 to vector<16xi32>
        %mul3A_392 = arith.muli %shift_right_arithmetic3A_277, %mul3A_391 : vector<16xi32>
        %sub3A_393 = arith.subi %add3A_144, %mul3A_392 : vector<16xi32>
        %mul3A_394 = arith.constant 200 : i32
        %mul3A_395 = vector.broadcast %mul3A_394 : i32 to vector<16xi32>
        %mul3A_396 = arith.muli %shift_right_arithmetic3A_283, %mul3A_395 : vector<16xi32>
        %sub3A_397 = arith.subi %add3A_148, %mul3A_396 : vector<16xi32>
        %mul3A_398 = arith.constant 200 : i32
        %mul3A_399 = vector.broadcast %mul3A_398 : i32 to vector<16xi32>
        %mul3A_400 = arith.muli %shift_right_arithmetic3A_289, %mul3A_399 : vector<16xi32>
        %sub3A_401 = arith.subi %add3A_152, %mul3A_400 : vector<16xi32>
        %mul3A_402 = arith.constant 200 : i32
        %mul3A_403 = vector.broadcast %mul3A_402 : i32 to vector<16xi32>
        %mul3A_404 = arith.muli %shift_right_arithmetic3A_295, %mul3A_403 : vector<16xi32>
        %sub3A_405 = arith.subi %add3A_156, %mul3A_404 : vector<16xi32>
        %mul3A_406 = arith.constant 200 : i32
        %mul3A_407 = vector.broadcast %mul3A_406 : i32 to vector<16xi32>
        %mul3A_408 = arith.muli %shift_right_arithmetic3A_301, %mul3A_407 : vector<16xi32>
        %sub3A_409 = arith.subi %add3A_160, %mul3A_408 : vector<16xi32>
        %mul3A_410 = arith.constant 200 : i32
        %mul3A_411 = vector.broadcast %mul3A_410 : i32 to vector<16xi32>
        %mul3A_412 = arith.muli %shift_right_arithmetic3A_307, %mul3A_411 : vector<16xi32>
        %sub3A_413 = arith.subi %add3A_164, %mul3A_412 : vector<16xi32>
        %mul3A_414 = arith.constant 200 : i32
        %mul3A_415 = vector.broadcast %mul3A_414 : i32 to vector<16xi32>
        %mul3A_416 = arith.muli %shift_right_arithmetic3A_313, %mul3A_415 : vector<16xi32>
        %sub3A_417 = arith.subi %add3A_168, %mul3A_416 : vector<16xi32>
        %mul3A_418 = arith.constant 200 : i32
        %mul3A_419 = vector.broadcast %mul3A_418 : i32 to vector<16xi32>
        %mul3A_420 = arith.muli %shift_right_arithmetic3A_319, %mul3A_419 : vector<16xi32>
        %sub3A_421 = arith.subi %add3A_172, %mul3A_420 : vector<16xi32>
        %mul3A_422 = arith.constant 200 : i32
        %mul3A_423 = vector.broadcast %mul3A_422 : i32 to vector<16xi32>
        %mul3A_424 = arith.muli %shift_right_arithmetic3A_325, %mul3A_423 : vector<16xi32>
        %sub3A_425 = arith.subi %add3A_176, %mul3A_424 : vector<16xi32>
        %add3A_426 = arith.addi %broadcast_in_dim3A_58, %shift_right_arithmetic3A_181 : vector<16xi32>
        %gather3A = tpu.vector_load_idx %arg7[%add3A_426] : memref<6400xi32, #tpu.memory_space<vmem>>[vector<16xi32>], vector<16xi32>,
        %add3A_427 = arith.addi %broadcast_in_dim3A_58, %shift_right_arithmetic3A_187 : vector<16xi32>
        %gather3A_428 = tpu.vector_load_idx %arg7[%add3A_427] : memref<6400xi32, #tpu.memory_space<vmem>>[vector<16xi32>], vector<16xi32>,
        %add3A_429 = arith.addi %broadcast_in_dim3A_58, %shift_right_arithmetic3A_193 : vector<16xi32>
        %gather3A_430 = tpu.vector_load_idx %arg7[%add3A_429] : memref<6400xi32, #tpu.memory_space<vmem>>[vector<16xi32>], vector<16xi32>,
        %add3A_431 = arith.addi %broadcast_in_dim3A_58, %shift_right_arithmetic3A_199 : vector<16xi32>
        %gather3A_432 = tpu.vector_load_idx %arg7[%add3A_431] : memref<6400xi32, #tpu.memory_space<vmem>>[vector<16xi32>], vector<16xi32>,
        %add3A_433 = arith.addi %broadcast_in_dim3A_58, %shift_right_arithmetic3A_205 : vector<16xi32>
        %gather3A_434 = tpu.vector_load_idx %arg7[%add3A_433] : memref<6400xi32, #tpu.memory_space<vmem>>[vector<16xi32>], vector<16xi32>,
        %add3A_435 = arith.addi %broadcast_in_dim3A_58, %shift_right_arithmetic3A_211 : vector<16xi32>
        %gather3A_436 = tpu.vector_load_idx %arg7[%add3A_435] : memref<6400xi32, #tpu.memory_space<vmem>>[vector<16xi32>], vector<16xi32>,
        %add3A_437 = arith.addi %broadcast_in_dim3A_58, %shift_right_arithmetic3A_217 : vector<16xi32>
        %gather3A_438 = tpu.vector_load_idx %arg7[%add3A_437] : memref<6400xi32, #tpu.memory_space<vmem>>[vector<16xi32>], vector<16xi32>,
        %add3A_439 = arith.addi %broadcast_in_dim3A_58, %shift_right_arithmetic3A_223 : vector<16xi32>
        %gather3A_440 = tpu.vector_load_idx %arg7[%add3A_439] : memref<6400xi32, #tpu.memory_space<vmem>>[vector<16xi32>], vector<16xi32>,
        %add3A_441 = arith.addi %broadcast_in_dim3A_58, %shift_right_arithmetic3A_229 : vector<16xi32>
        %gather3A_442 = tpu.vector_load_idx %arg7[%add3A_441] : memref<6400xi32, #tpu.memory_space<vmem>>[vector<16xi32>], vector<16xi32>,
        %add3A_443 = arith.addi %broadcast_in_dim3A_58, %shift_right_arithmetic3A_235 : vector<16xi32>
        %gather3A_444 = tpu.vector_load_idx %arg7[%add3A_443] : memref<6400xi32, #tpu.memory_space<vmem>>[vector<16xi32>], vector<16xi32>,
        %add3A_445 = arith.addi %broadcast_in_dim3A_58, %shift_right_arithmetic3A_241 : vector<16xi32>
        %gather3A_446 = tpu.vector_load_idx %arg7[%add3A_445] : memref<6400xi32, #tpu.memory_space<vmem>>[vector<16xi32>], vector<16xi32>,
        %add3A_447 = arith.addi %broadcast_in_dim3A_58, %shift_right_arithmetic3A_247 : vector<16xi32>
        %gather3A_448 = tpu.vector_load_idx %arg7[%add3A_447] : memref<6400xi32, #tpu.memory_space<vmem>>[vector<16xi32>], vector<16xi32>,
        %add3A_449 = arith.addi %broadcast_in_dim3A_58, %shift_right_arithmetic3A_253 : vector<16xi32>
        %gather3A_450 = tpu.vector_load_idx %arg7[%add3A_449] : memref<6400xi32, #tpu.memory_space<vmem>>[vector<16xi32>], vector<16xi32>,
        %add3A_451 = arith.addi %broadcast_in_dim3A_58, %shift_right_arithmetic3A_259 : vector<16xi32>
        %gather3A_452 = tpu.vector_load_idx %arg7[%add3A_451] : memref<6400xi32, #tpu.memory_space<vmem>>[vector<16xi32>], vector<16xi32>,
        %add3A_453 = arith.addi %broadcast_in_dim3A_58, %shift_right_arithmetic3A_265 : vector<16xi32>
        %gather3A_454 = tpu.vector_load_idx %arg7[%add3A_453] : memref<6400xi32, #tpu.memory_space<vmem>>[vector<16xi32>], vector<16xi32>,
        %add3A_455 = arith.addi %broadcast_in_dim3A_58, %shift_right_arithmetic3A_271 : vector<16xi32>
        %gather3A_456 = tpu.vector_load_idx %arg7[%add3A_455] : memref<6400xi32, #tpu.memory_space<vmem>>[vector<16xi32>], vector<16xi32>,
        %add3A_457 = arith.addi %broadcast_in_dim3A_58, %shift_right_arithmetic3A_277 : vector<16xi32>
        %gather3A_458 = tpu.vector_load_idx %arg7[%add3A_457] : memref<6400xi32, #tpu.memory_space<vmem>>[vector<16xi32>], vector<16xi32>,
        %add3A_459 = arith.addi %broadcast_in_dim3A_58, %shift_right_arithmetic3A_283 : vector<16xi32>
        %gather3A_460 = tpu.vector_load_idx %arg7[%add3A_459] : memref<6400xi32, #tpu.memory_space<vmem>>[vector<16xi32>], vector<16xi32>,
        %add3A_461 = arith.addi %broadcast_in_dim3A_58, %shift_right_arithmetic3A_289 : vector<16xi32>
        %gather3A_462 = tpu.vector_load_idx %arg7[%add3A_461] : memref<6400xi32, #tpu.memory_space<vmem>>[vector<16xi32>], vector<16xi32>,
        %add3A_463 = arith.addi %broadcast_in_dim3A_58, %shift_right_arithmetic3A_295 : vector<16xi32>
        %gather3A_464 = tpu.vector_load_idx %arg7[%add3A_463] : memref<6400xi32, #tpu.memory_space<vmem>>[vector<16xi32>], vector<16xi32>,
        %add3A_465 = arith.addi %broadcast_in_dim3A_58, %shift_right_arithmetic3A_301 : vector<16xi32>
        %gather3A_466 = tpu.vector_load_idx %arg7[%add3A_465] : memref<6400xi32, #tpu.memory_space<vmem>>[vector<16xi32>], vector<16xi32>,
        %add3A_467 = arith.addi %broadcast_in_dim3A_58, %shift_right_arithmetic3A_307 : vector<16xi32>
        %gather3A_468 = tpu.vector_load_idx %arg7[%add3A_467] : memref<6400xi32, #tpu.memory_space<vmem>>[vector<16xi32>], vector<16xi32>,
        %add3A_469 = arith.addi %broadcast_in_dim3A_58, %shift_right_arithmetic3A_313 : vector<16xi32>
        %gather3A_470 = tpu.vector_load_idx %arg7[%add3A_469] : memref<6400xi32, #tpu.memory_space<vmem>>[vector<16xi32>], vector<16xi32>,
        %add3A_471 = arith.addi %broadcast_in_dim3A_58, %shift_right_arithmetic3A_319 : vector<16xi32>
        %gather3A_472 = tpu.vector_load_idx %arg7[%add3A_471] : memref<6400xi32, #tpu.memory_space<vmem>>[vector<16xi32>], vector<16xi32>,
        %add3A_473 = arith.addi %broadcast_in_dim3A_58, %shift_right_arithmetic3A_325 : vector<16xi32>
        %gather3A_474 = tpu.vector_load_idx %arg7[%add3A_473] : memref<6400xi32, #tpu.memory_space<vmem>>[vector<16xi32>], vector<16xi32>,
        %add3A_475 = arith.addi %broadcast_in_dim3A_58, %sub3A_329 : vector<16xi32>
        %gather3A_476 = tpu.vector_load_idx %arg8[%add3A_475] : memref<6400xi32, #tpu.memory_space<vmem>>[vector<16xi32>], vector<16xi32>,
        %add3A_477 = arith.addi %broadcast_in_dim3A_58, %sub3A_333 : vector<16xi32>
        %gather3A_478 = tpu.vector_load_idx %arg8[%add3A_477] : memref<6400xi32, #tpu.memory_space<vmem>>[vector<16xi32>], vector<16xi32>,
        %add3A_479 = arith.addi %broadcast_in_dim3A_58, %sub3A_337 : vector<16xi32>
        %gather3A_480 = tpu.vector_load_idx %arg8[%add3A_479] : memref<6400xi32, #tpu.memory_space<vmem>>[vector<16xi32>], vector<16xi32>,
        %add3A_481 = arith.addi %broadcast_in_dim3A_58, %sub3A_341 : vector<16xi32>
        %gather3A_482 = tpu.vector_load_idx %arg8[%add3A_481] : memref<6400xi32, #tpu.memory_space<vmem>>[vector<16xi32>], vector<16xi32>,
        %add3A_483 = arith.addi %broadcast_in_dim3A_58, %sub3A_345 : vector<16xi32>
        %gather3A_484 = tpu.vector_load_idx %arg8[%add3A_483] : memref<6400xi32, #tpu.memory_space<vmem>>[vector<16xi32>], vector<16xi32>,
        %add3A_485 = arith.addi %broadcast_in_dim3A_58, %sub3A_349 : vector<16xi32>
        %gather3A_486 = tpu.vector_load_idx %arg8[%add3A_485] : memref<6400xi32, #tpu.memory_space<vmem>>[vector<16xi32>], vector<16xi32>,
        %add3A_487 = arith.addi %broadcast_in_dim3A_58, %sub3A_353 : vector<16xi32>
        %gather3A_488 = tpu.vector_load_idx %arg8[%add3A_487] : memref<6400xi32, #tpu.memory_space<vmem>>[vector<16xi32>], vector<16xi32>,
        %add3A_489 = arith.addi %broadcast_in_dim3A_58, %sub3A_357 : vector<16xi32>
        %gather3A_490 = tpu.vector_load_idx %arg8[%add3A_489] : memref<6400xi32, #tpu.memory_space<vmem>>[vector<16xi32>], vector<16xi32>,
        %add3A_491 = arith.addi %broadcast_in_dim3A_58, %sub3A_361 : vector<16xi32>
        %gather3A_492 = tpu.vector_load_idx %arg8[%add3A_491] : memref<6400xi32, #tpu.memory_space<vmem>>[vector<16xi32>], vector<16xi32>,
        %add3A_493 = arith.addi %broadcast_in_dim3A_58, %sub3A_365 : vector<16xi32>
        %gather3A_494 = tpu.vector_load_idx %arg8[%add3A_493] : memref<6400xi32, #tpu.memory_space<vmem>>[vector<16xi32>], vector<16xi32>,
        %add3A_495 = arith.addi %broadcast_in_dim3A_58, %sub3A_369 : vector<16xi32>
        %gather3A_496 = tpu.vector_load_idx %arg8[%add3A_495] : memref<6400xi32, #tpu.memory_space<vmem>>[vector<16xi32>], vector<16xi32>,
        %add3A_497 = arith.addi %broadcast_in_dim3A_58, %sub3A_373 : vector<16xi32>
        %gather3A_498 = tpu.vector_load_idx %arg8[%add3A_497] : memref<6400xi32, #tpu.memory_space<vmem>>[vector<16xi32>], vector<16xi32>,
        %add3A_499 = arith.addi %broadcast_in_dim3A_58, %sub3A_377 : vector<16xi32>
        %gather3A_500 = tpu.vector_load_idx %arg8[%add3A_499] : memref<6400xi32, #tpu.memory_space<vmem>>[vector<16xi32>], vector<16xi32>,
        %add3A_501 = arith.addi %broadcast_in_dim3A_58, %sub3A_381 : vector<16xi32>
        %gather3A_502 = tpu.vector_load_idx %arg8[%add3A_501] : memref<6400xi32, #tpu.memory_space<vmem>>[vector<16xi32>], vector<16xi32>,
        %add3A_503 = arith.addi %broadcast_in_dim3A_58, %sub3A_385 : vector<16xi32>
        %gather3A_504 = tpu.vector_load_idx %arg8[%add3A_503] : memref<6400xi32, #tpu.memory_space<vmem>>[vector<16xi32>], vector<16xi32>,
        %add3A_505 = arith.addi %broadcast_in_dim3A_58, %sub3A_389 : vector<16xi32>
        %gather3A_506 = tpu.vector_load_idx %arg8[%add3A_505] : memref<6400xi32, #tpu.memory_space<vmem>>[vector<16xi32>], vector<16xi32>,
        %add3A_507 = arith.addi %broadcast_in_dim3A_58, %sub3A_393 : vector<16xi32>
        %gather3A_508 = tpu.vector_load_idx %arg8[%add3A_507] : memref<6400xi32, #tpu.memory_space<vmem>>[vector<16xi32>], vector<16xi32>,
        %add3A_509 = arith.addi %broadcast_in_dim3A_58, %sub3A_397 : vector<16xi32>
        %gather3A_510 = tpu.vector_load_idx %arg8[%add3A_509] : memref<6400xi32, #tpu.memory_space<vmem>>[vector<16xi32>], vector<16xi32>,
        %add3A_511 = arith.addi %broadcast_in_dim3A_58, %sub3A_401 : vector<16xi32>
        %gather3A_512 = tpu.vector_load_idx %arg8[%add3A_511] : memref<6400xi32, #tpu.memory_space<vmem>>[vector<16xi32>], vector<16xi32>,
        %add3A_513 = arith.addi %broadcast_in_dim3A_58, %sub3A_405 : vector<16xi32>
        %gather3A_514 = tpu.vector_load_idx %arg8[%add3A_513] : memref<6400xi32, #tpu.memory_space<vmem>>[vector<16xi32>], vector<16xi32>,
        %add3A_515 = arith.addi %broadcast_in_dim3A_58, %sub3A_409 : vector<16xi32>
        %gather3A_516 = tpu.vector_load_idx %arg8[%add3A_515] : memref<6400xi32, #tpu.memory_space<vmem>>[vector<16xi32>], vector<16xi32>,
        %add3A_517 = arith.addi %broadcast_in_dim3A_58, %sub3A_413 : vector<16xi32>
        %gather3A_518 = tpu.vector_load_idx %arg8[%add3A_517] : memref<6400xi32, #tpu.memory_space<vmem>>[vector<16xi32>], vector<16xi32>,
        %add3A_519 = arith.addi %broadcast_in_dim3A_58, %sub3A_417 : vector<16xi32>
        %gather3A_520 = tpu.vector_load_idx %arg8[%add3A_519] : memref<6400xi32, #tpu.memory_space<vmem>>[vector<16xi32>], vector<16xi32>,
        %add3A_521 = arith.addi %broadcast_in_dim3A_58, %sub3A_421 : vector<16xi32>
        %gather3A_522 = tpu.vector_load_idx %arg8[%add3A_521] : memref<6400xi32, #tpu.memory_space<vmem>>[vector<16xi32>], vector<16xi32>,
        %add3A_523 = arith.addi %broadcast_in_dim3A_58, %sub3A_425 : vector<16xi32>
        %gather3A_524 = tpu.vector_load_idx %arg8[%add3A_523] : memref<6400xi32, #tpu.memory_space<vmem>>[vector<16xi32>], vector<16xi32>,
        %sub3A_525 = arith.subi %gather3A, %gather3A_476 : vector<16xi32>
        %abs3A = math.absi %sub3A_525 : vector<16xi32>
        %max3A = arith.constant 1 : i32
        %max3A_526 = vector.broadcast %max3A : i32 to vector<16xi32>
        %max3A_527 = arith.maxsi %abs3A, %max3A_526 : vector<16xi32>
        %sub3A_528 = arith.subi %gather3A_428, %gather3A_478 : vector<16xi32>
        %abs3A_529 = math.absi %sub3A_528 : vector<16xi32>
        %max3A_530 = arith.constant 1 : i32
        %max3A_531 = vector.broadcast %max3A_530 : i32 to vector<16xi32>
        %max3A_532 = arith.maxsi %abs3A_529, %max3A_531 : vector<16xi32>
        %sub3A_533 = arith.subi %gather3A_430, %gather3A_480 : vector<16xi32>
        %abs3A_534 = math.absi %sub3A_533 : vector<16xi32>
        %max3A_535 = arith.constant 1 : i32
        %max3A_536 = vector.broadcast %max3A_535 : i32 to vector<16xi32>
        %max3A_537 = arith.maxsi %abs3A_534, %max3A_536 : vector<16xi32>
        %sub3A_538 = arith.subi %gather3A_432, %gather3A_482 : vector<16xi32>
        %abs3A_539 = math.absi %sub3A_538 : vector<16xi32>
        %max3A_540 = arith.constant 1 : i32
        %max3A_541 = vector.broadcast %max3A_540 : i32 to vector<16xi32>
        %max3A_542 = arith.maxsi %abs3A_539, %max3A_541 : vector<16xi32>
        %sub3A_543 = arith.subi %gather3A_434, %gather3A_484 : vector<16xi32>
        %abs3A_544 = math.absi %sub3A_543 : vector<16xi32>
        %max3A_545 = arith.constant 1 : i32
        %max3A_546 = vector.broadcast %max3A_545 : i32 to vector<16xi32>
        %max3A_547 = arith.maxsi %abs3A_544, %max3A_546 : vector<16xi32>
        %sub3A_548 = arith.subi %gather3A_436, %gather3A_486 : vector<16xi32>
        %abs3A_549 = math.absi %sub3A_548 : vector<16xi32>
        %max3A_550 = arith.constant 1 : i32
        %max3A_551 = vector.broadcast %max3A_550 : i32 to vector<16xi32>
        %max3A_552 = arith.maxsi %abs3A_549, %max3A_551 : vector<16xi32>
        %sub3A_553 = arith.subi %gather3A_438, %gather3A_488 : vector<16xi32>
        %abs3A_554 = math.absi %sub3A_553 : vector<16xi32>
        %max3A_555 = arith.constant 1 : i32
        %max3A_556 = vector.broadcast %max3A_555 : i32 to vector<16xi32>
        %max3A_557 = arith.maxsi %abs3A_554, %max3A_556 : vector<16xi32>
        %sub3A_558 = arith.subi %gather3A_440, %gather3A_490 : vector<16xi32>
        %abs3A_559 = math.absi %sub3A_558 : vector<16xi32>
        %max3A_560 = arith.constant 1 : i32
        %max3A_561 = vector.broadcast %max3A_560 : i32 to vector<16xi32>
        %max3A_562 = arith.maxsi %abs3A_559, %max3A_561 : vector<16xi32>
        %sub3A_563 = arith.subi %gather3A_442, %gather3A_492 : vector<16xi32>
        %abs3A_564 = math.absi %sub3A_563 : vector<16xi32>
        %max3A_565 = arith.constant 1 : i32
        %max3A_566 = vector.broadcast %max3A_565 : i32 to vector<16xi32>
        %max3A_567 = arith.maxsi %abs3A_564, %max3A_566 : vector<16xi32>
        %sub3A_568 = arith.subi %gather3A_444, %gather3A_494 : vector<16xi32>
        %abs3A_569 = math.absi %sub3A_568 : vector<16xi32>
        %max3A_570 = arith.constant 1 : i32
        %max3A_571 = vector.broadcast %max3A_570 : i32 to vector<16xi32>
        %max3A_572 = arith.maxsi %abs3A_569, %max3A_571 : vector<16xi32>
        %sub3A_573 = arith.subi %gather3A_446, %gather3A_496 : vector<16xi32>
        %abs3A_574 = math.absi %sub3A_573 : vector<16xi32>
        %max3A_575 = arith.constant 1 : i32
        %max3A_576 = vector.broadcast %max3A_575 : i32 to vector<16xi32>
        %max3A_577 = arith.maxsi %abs3A_574, %max3A_576 : vector<16xi32>
        %sub3A_578 = arith.subi %gather3A_448, %gather3A_498 : vector<16xi32>
        %abs3A_579 = math.absi %sub3A_578 : vector<16xi32>
        %max3A_580 = arith.constant 1 : i32
        %max3A_581 = vector.broadcast %max3A_580 : i32 to vector<16xi32>
        %max3A_582 = arith.maxsi %abs3A_579, %max3A_581 : vector<16xi32>
        %sub3A_583 = arith.subi %gather3A_450, %gather3A_500 : vector<16xi32>
        %abs3A_584 = math.absi %sub3A_583 : vector<16xi32>
        %max3A_585 = arith.constant 1 : i32
        %max3A_586 = vector.broadcast %max3A_585 : i32 to vector<16xi32>
        %max3A_587 = arith.maxsi %abs3A_584, %max3A_586 : vector<16xi32>
        %sub3A_588 = arith.subi %gather3A_452, %gather3A_502 : vector<16xi32>
        %abs3A_589 = math.absi %sub3A_588 : vector<16xi32>
        %max3A_590 = arith.constant 1 : i32
        %max3A_591 = vector.broadcast %max3A_590 : i32 to vector<16xi32>
        %max3A_592 = arith.maxsi %abs3A_589, %max3A_591 : vector<16xi32>
        %sub3A_593 = arith.subi %gather3A_454, %gather3A_504 : vector<16xi32>
        %abs3A_594 = math.absi %sub3A_593 : vector<16xi32>
        %max3A_595 = arith.constant 1 : i32
        %max3A_596 = vector.broadcast %max3A_595 : i32 to vector<16xi32>
        %max3A_597 = arith.maxsi %abs3A_594, %max3A_596 : vector<16xi32>
        %sub3A_598 = arith.subi %gather3A_456, %gather3A_506 : vector<16xi32>
        %abs3A_599 = math.absi %sub3A_598 : vector<16xi32>
        %max3A_600 = arith.constant 1 : i32
        %max3A_601 = vector.broadcast %max3A_600 : i32 to vector<16xi32>
        %max3A_602 = arith.maxsi %abs3A_599, %max3A_601 : vector<16xi32>
        %sub3A_603 = arith.subi %gather3A_458, %gather3A_508 : vector<16xi32>
        %abs3A_604 = math.absi %sub3A_603 : vector<16xi32>
        %max3A_605 = arith.constant 1 : i32
        %max3A_606 = vector.broadcast %max3A_605 : i32 to vector<16xi32>
        %max3A_607 = arith.maxsi %abs3A_604, %max3A_606 : vector<16xi32>
        %sub3A_608 = arith.subi %gather3A_460, %gather3A_510 : vector<16xi32>
        %abs3A_609 = math.absi %sub3A_608 : vector<16xi32>
        %max3A_610 = arith.constant 1 : i32
        %max3A_611 = vector.broadcast %max3A_610 : i32 to vector<16xi32>
        %max3A_612 = arith.maxsi %abs3A_609, %max3A_611 : vector<16xi32>
        %sub3A_613 = arith.subi %gather3A_462, %gather3A_512 : vector<16xi32>
        %abs3A_614 = math.absi %sub3A_613 : vector<16xi32>
        %max3A_615 = arith.constant 1 : i32
        %max3A_616 = vector.broadcast %max3A_615 : i32 to vector<16xi32>
        %max3A_617 = arith.maxsi %abs3A_614, %max3A_616 : vector<16xi32>
        %sub3A_618 = arith.subi %gather3A_464, %gather3A_514 : vector<16xi32>
        %abs3A_619 = math.absi %sub3A_618 : vector<16xi32>
        %max3A_620 = arith.constant 1 : i32
        %max3A_621 = vector.broadcast %max3A_620 : i32 to vector<16xi32>
        %max3A_622 = arith.maxsi %abs3A_619, %max3A_621 : vector<16xi32>
        %sub3A_623 = arith.subi %gather3A_466, %gather3A_516 : vector<16xi32>
        %abs3A_624 = math.absi %sub3A_623 : vector<16xi32>
        %max3A_625 = arith.constant 1 : i32
        %max3A_626 = vector.broadcast %max3A_625 : i32 to vector<16xi32>
        %max3A_627 = arith.maxsi %abs3A_624, %max3A_626 : vector<16xi32>
        %sub3A_628 = arith.subi %gather3A_468, %gather3A_518 : vector<16xi32>
        %abs3A_629 = math.absi %sub3A_628 : vector<16xi32>
        %max3A_630 = arith.constant 1 : i32
        %max3A_631 = vector.broadcast %max3A_630 : i32 to vector<16xi32>
        %max3A_632 = arith.maxsi %abs3A_629, %max3A_631 : vector<16xi32>
        %sub3A_633 = arith.subi %gather3A_470, %gather3A_520 : vector<16xi32>
        %abs3A_634 = math.absi %sub3A_633 : vector<16xi32>
        %max3A_635 = arith.constant 1 : i32
        %max3A_636 = vector.broadcast %max3A_635 : i32 to vector<16xi32>
        %max3A_637 = arith.maxsi %abs3A_634, %max3A_636 : vector<16xi32>
        %sub3A_638 = arith.subi %gather3A_472, %gather3A_522 : vector<16xi32>
        %abs3A_639 = math.absi %sub3A_638 : vector<16xi32>
        %max3A_640 = arith.constant 1 : i32
        %max3A_641 = vector.broadcast %max3A_640 : i32 to vector<16xi32>
        %max3A_642 = arith.maxsi %abs3A_639, %max3A_641 : vector<16xi32>
        %sub3A_643 = arith.subi %gather3A_474, %gather3A_524 : vector<16xi32>
        %abs3A_644 = math.absi %sub3A_643 : vector<16xi32>
        %max3A_645 = arith.constant 1 : i32
        %max3A_646 = vector.broadcast %max3A_645 : i32 to vector<16xi32>
        %max3A_647 = arith.maxsi %abs3A_644, %max3A_646 : vector<16xi32>
        %convert_element_type3A_648 = arith.sitofp %max3A_527 : vector<16xi32> to vector<16xf32>
        %bitcast_convert_type3A = tpu.bitcast %convert_element_type3A_648 : vector<16xf32> -> vector<16xi32>
        %shift_right_arithmetic3A_649 = arith.constant 20 : i32
        %shift_right_arithmetic3A_650 = vector.broadcast %shift_right_arithmetic3A_649 : i32 to vector<16xi32>
        %shift_right_arithmetic3A_651 = arith.shrsi %bitcast_convert_type3A, %shift_right_arithmetic3A_650 : vector<16xi32>
        %sub3A_652 = arith.constant 1016 : i32
        %sub3A_653 = vector.broadcast %sub3A_652 : i32 to vector<16xi32>
        %sub3A_654 = arith.subi %shift_right_arithmetic3A_651, %sub3A_653 : vector<16xi32>
        %convert_element_type3A_655 = arith.sitofp %max3A_532 : vector<16xi32> to vector<16xf32>
        %bitcast_convert_type3A_656 = tpu.bitcast %convert_element_type3A_655 : vector<16xf32> -> vector<16xi32>
        %shift_right_arithmetic3A_657 = arith.constant 20 : i32
        %shift_right_arithmetic3A_658 = vector.broadcast %shift_right_arithmetic3A_657 : i32 to vector<16xi32>
        %shift_right_arithmetic3A_659 = arith.shrsi %bitcast_convert_type3A_656, %shift_right_arithmetic3A_658 : vector<16xi32>
        %sub3A_660 = arith.constant 1016 : i32
        %sub3A_661 = vector.broadcast %sub3A_660 : i32 to vector<16xi32>
        %sub3A_662 = arith.subi %shift_right_arithmetic3A_659, %sub3A_661 : vector<16xi32>
        %convert_element_type3A_663 = arith.sitofp %max3A_537 : vector<16xi32> to vector<16xf32>
        %bitcast_convert_type3A_664 = tpu.bitcast %convert_element_type3A_663 : vector<16xf32> -> vector<16xi32>
        %shift_right_arithmetic3A_665 = arith.constant 20 : i32
        %shift_right_arithmetic3A_666 = vector.broadcast %shift_right_arithmetic3A_665 : i32 to vector<16xi32>
        %shift_right_arithmetic3A_667 = arith.shrsi %bitcast_convert_type3A_664, %shift_right_arithmetic3A_666 : vector<16xi32>
        %sub3A_668 = arith.constant 1016 : i32
        %sub3A_669 = vector.broadcast %sub3A_668 : i32 to vector<16xi32>
        %sub3A_670 = arith.subi %shift_right_arithmetic3A_667, %sub3A_669 : vector<16xi32>
        %convert_element_type3A_671 = arith.sitofp %max3A_542 : vector<16xi32> to vector<16xf32>
        %bitcast_convert_type3A_672 = tpu.bitcast %convert_element_type3A_671 : vector<16xf32> -> vector<16xi32>
        %shift_right_arithmetic3A_673 = arith.constant 20 : i32
        %shift_right_arithmetic3A_674 = vector.broadcast %shift_right_arithmetic3A_673 : i32 to vector<16xi32>
        %shift_right_arithmetic3A_675 = arith.shrsi %bitcast_convert_type3A_672, %shift_right_arithmetic3A_674 : vector<16xi32>
        %sub3A_676 = arith.constant 1016 : i32
        %sub3A_677 = vector.broadcast %sub3A_676 : i32 to vector<16xi32>
        %sub3A_678 = arith.subi %shift_right_arithmetic3A_675, %sub3A_677 : vector<16xi32>
        %convert_element_type3A_679 = arith.sitofp %max3A_547 : vector<16xi32> to vector<16xf32>
        %bitcast_convert_type3A_680 = tpu.bitcast %convert_element_type3A_679 : vector<16xf32> -> vector<16xi32>
        %shift_right_arithmetic3A_681 = arith.constant 20 : i32
        %shift_right_arithmetic3A_682 = vector.broadcast %shift_right_arithmetic3A_681 : i32 to vector<16xi32>
        %shift_right_arithmetic3A_683 = arith.shrsi %bitcast_convert_type3A_680, %shift_right_arithmetic3A_682 : vector<16xi32>
        %sub3A_684 = arith.constant 1016 : i32
        %sub3A_685 = vector.broadcast %sub3A_684 : i32 to vector<16xi32>
        %sub3A_686 = arith.subi %shift_right_arithmetic3A_683, %sub3A_685 : vector<16xi32>
        %convert_element_type3A_687 = arith.sitofp %max3A_552 : vector<16xi32> to vector<16xf32>
        %bitcast_convert_type3A_688 = tpu.bitcast %convert_element_type3A_687 : vector<16xf32> -> vector<16xi32>
        %shift_right_arithmetic3A_689 = arith.constant 20 : i32
        %shift_right_arithmetic3A_690 = vector.broadcast %shift_right_arithmetic3A_689 : i32 to vector<16xi32>
        %shift_right_arithmetic3A_691 = arith.shrsi %bitcast_convert_type3A_688, %shift_right_arithmetic3A_690 : vector<16xi32>
        %sub3A_692 = arith.constant 1016 : i32
        %sub3A_693 = vector.broadcast %sub3A_692 : i32 to vector<16xi32>
        %sub3A_694 = arith.subi %shift_right_arithmetic3A_691, %sub3A_693 : vector<16xi32>
        %convert_element_type3A_695 = arith.sitofp %max3A_557 : vector<16xi32> to vector<16xf32>
        %bitcast_convert_type3A_696 = tpu.bitcast %convert_element_type3A_695 : vector<16xf32> -> vector<16xi32>
        %shift_right_arithmetic3A_697 = arith.constant 20 : i32
        %shift_right_arithmetic3A_698 = vector.broadcast %shift_right_arithmetic3A_697 : i32 to vector<16xi32>
        %shift_right_arithmetic3A_699 = arith.shrsi %bitcast_convert_type3A_696, %shift_right_arithmetic3A_698 : vector<16xi32>
        %sub3A_700 = arith.constant 1016 : i32
        %sub3A_701 = vector.broadcast %sub3A_700 : i32 to vector<16xi32>
        %sub3A_702 = arith.subi %shift_right_arithmetic3A_699, %sub3A_701 : vector<16xi32>
        %convert_element_type3A_703 = arith.sitofp %max3A_562 : vector<16xi32> to vector<16xf32>
        %bitcast_convert_type3A_704 = tpu.bitcast %convert_element_type3A_703 : vector<16xf32> -> vector<16xi32>
        %shift_right_arithmetic3A_705 = arith.constant 20 : i32
        %shift_right_arithmetic3A_706 = vector.broadcast %shift_right_arithmetic3A_705 : i32 to vector<16xi32>
        %shift_right_arithmetic3A_707 = arith.shrsi %bitcast_convert_type3A_704, %shift_right_arithmetic3A_706 : vector<16xi32>
        %sub3A_708 = arith.constant 1016 : i32
        %sub3A_709 = vector.broadcast %sub3A_708 : i32 to vector<16xi32>
        %sub3A_710 = arith.subi %shift_right_arithmetic3A_707, %sub3A_709 : vector<16xi32>
        %convert_element_type3A_711 = arith.sitofp %max3A_567 : vector<16xi32> to vector<16xf32>
        %bitcast_convert_type3A_712 = tpu.bitcast %convert_element_type3A_711 : vector<16xf32> -> vector<16xi32>
        %shift_right_arithmetic3A_713 = arith.constant 20 : i32
        %shift_right_arithmetic3A_714 = vector.broadcast %shift_right_arithmetic3A_713 : i32 to vector<16xi32>
        %shift_right_arithmetic3A_715 = arith.shrsi %bitcast_convert_type3A_712, %shift_right_arithmetic3A_714 : vector<16xi32>
        %sub3A_716 = arith.constant 1016 : i32
        %sub3A_717 = vector.broadcast %sub3A_716 : i32 to vector<16xi32>
        %sub3A_718 = arith.subi %shift_right_arithmetic3A_715, %sub3A_717 : vector<16xi32>
        %convert_element_type3A_719 = arith.sitofp %max3A_572 : vector<16xi32> to vector<16xf32>
        %bitcast_convert_type3A_720 = tpu.bitcast %convert_element_type3A_719 : vector<16xf32> -> vector<16xi32>
        %shift_right_arithmetic3A_721 = arith.constant 20 : i32
        %shift_right_arithmetic3A_722 = vector.broadcast %shift_right_arithmetic3A_721 : i32 to vector<16xi32>
        %shift_right_arithmetic3A_723 = arith.shrsi %bitcast_convert_type3A_720, %shift_right_arithmetic3A_722 : vector<16xi32>
        %sub3A_724 = arith.constant 1016 : i32
        %sub3A_725 = vector.broadcast %sub3A_724 : i32 to vector<16xi32>
        %sub3A_726 = arith.subi %shift_right_arithmetic3A_723, %sub3A_725 : vector<16xi32>
        %convert_element_type3A_727 = arith.sitofp %max3A_577 : vector<16xi32> to vector<16xf32>
        %bitcast_convert_type3A_728 = tpu.bitcast %convert_element_type3A_727 : vector<16xf32> -> vector<16xi32>
        %shift_right_arithmetic3A_729 = arith.constant 20 : i32
        %shift_right_arithmetic3A_730 = vector.broadcast %shift_right_arithmetic3A_729 : i32 to vector<16xi32>
        %shift_right_arithmetic3A_731 = arith.shrsi %bitcast_convert_type3A_728, %shift_right_arithmetic3A_730 : vector<16xi32>
        %sub3A_732 = arith.constant 1016 : i32
        %sub3A_733 = vector.broadcast %sub3A_732 : i32 to vector<16xi32>
        %sub3A_734 = arith.subi %shift_right_arithmetic3A_731, %sub3A_733 : vector<16xi32>
        %convert_element_type3A_735 = arith.sitofp %max3A_582 : vector<16xi32> to vector<16xf32>
        %bitcast_convert_type3A_736 = tpu.bitcast %convert_element_type3A_735 : vector<16xf32> -> vector<16xi32>
        %shift_right_arithmetic3A_737 = arith.constant 20 : i32
        %shift_right_arithmetic3A_738 = vector.broadcast %shift_right_arithmetic3A_737 : i32 to vector<16xi32>
        %shift_right_arithmetic3A_739 = arith.shrsi %bitcast_convert_type3A_736, %shift_right_arithmetic3A_738 : vector<16xi32>
        %sub3A_740 = arith.constant 1016 : i32
        %sub3A_741 = vector.broadcast %sub3A_740 : i32 to vector<16xi32>
        %sub3A_742 = arith.subi %shift_right_arithmetic3A_739, %sub3A_741 : vector<16xi32>
        %convert_element_type3A_743 = arith.sitofp %max3A_587 : vector<16xi32> to vector<16xf32>
        %bitcast_convert_type3A_744 = tpu.bitcast %convert_element_type3A_743 : vector<16xf32> -> vector<16xi32>
        %shift_right_arithmetic3A_745 = arith.constant 20 : i32
        %shift_right_arithmetic3A_746 = vector.broadcast %shift_right_arithmetic3A_745 : i32 to vector<16xi32>
        %shift_right_arithmetic3A_747 = arith.shrsi %bitcast_convert_type3A_744, %shift_right_arithmetic3A_746 : vector<16xi32>
        %sub3A_748 = arith.constant 1016 : i32
        %sub3A_749 = vector.broadcast %sub3A_748 : i32 to vector<16xi32>
        %sub3A_750 = arith.subi %shift_right_arithmetic3A_747, %sub3A_749 : vector<16xi32>
        %convert_element_type3A_751 = arith.sitofp %max3A_592 : vector<16xi32> to vector<16xf32>
        %bitcast_convert_type3A_752 = tpu.bitcast %convert_element_type3A_751 : vector<16xf32> -> vector<16xi32>
        %shift_right_arithmetic3A_753 = arith.constant 20 : i32
        %shift_right_arithmetic3A_754 = vector.broadcast %shift_right_arithmetic3A_753 : i32 to vector<16xi32>
        %shift_right_arithmetic3A_755 = arith.shrsi %bitcast_convert_type3A_752, %shift_right_arithmetic3A_754 : vector<16xi32>
        %sub3A_756 = arith.constant 1016 : i32
        %sub3A_757 = vector.broadcast %sub3A_756 : i32 to vector<16xi32>
        %sub3A_758 = arith.subi %shift_right_arithmetic3A_755, %sub3A_757 : vector<16xi32>
        %convert_element_type3A_759 = arith.sitofp %max3A_597 : vector<16xi32> to vector<16xf32>
        %bitcast_convert_type3A_760 = tpu.bitcast %convert_element_type3A_759 : vector<16xf32> -> vector<16xi32>
        %shift_right_arithmetic3A_761 = arith.constant 20 : i32
        %shift_right_arithmetic3A_762 = vector.broadcast %shift_right_arithmetic3A_761 : i32 to vector<16xi32>
        %shift_right_arithmetic3A_763 = arith.shrsi %bitcast_convert_type3A_760, %shift_right_arithmetic3A_762 : vector<16xi32>
        %sub3A_764 = arith.constant 1016 : i32
        %sub3A_765 = vector.broadcast %sub3A_764 : i32 to vector<16xi32>
        %sub3A_766 = arith.subi %shift_right_arithmetic3A_763, %sub3A_765 : vector<16xi32>
        %convert_element_type3A_767 = arith.sitofp %max3A_602 : vector<16xi32> to vector<16xf32>
        %bitcast_convert_type3A_768 = tpu.bitcast %convert_element_type3A_767 : vector<16xf32> -> vector<16xi32>
        %shift_right_arithmetic3A_769 = arith.constant 20 : i32
        %shift_right_arithmetic3A_770 = vector.broadcast %shift_right_arithmetic3A_769 : i32 to vector<16xi32>
        %shift_right_arithmetic3A_771 = arith.shrsi %bitcast_convert_type3A_768, %shift_right_arithmetic3A_770 : vector<16xi32>
        %sub3A_772 = arith.constant 1016 : i32
        %sub3A_773 = vector.broadcast %sub3A_772 : i32 to vector<16xi32>
        %sub3A_774 = arith.subi %shift_right_arithmetic3A_771, %sub3A_773 : vector<16xi32>
        %convert_element_type3A_775 = arith.sitofp %max3A_607 : vector<16xi32> to vector<16xf32>
        %bitcast_convert_type3A_776 = tpu.bitcast %convert_element_type3A_775 : vector<16xf32> -> vector<16xi32>
        %shift_right_arithmetic3A_777 = arith.constant 20 : i32
        %shift_right_arithmetic3A_778 = vector.broadcast %shift_right_arithmetic3A_777 : i32 to vector<16xi32>
        %shift_right_arithmetic3A_779 = arith.shrsi %bitcast_convert_type3A_776, %shift_right_arithmetic3A_778 : vector<16xi32>
        %sub3A_780 = arith.constant 1016 : i32
        %sub3A_781 = vector.broadcast %sub3A_780 : i32 to vector<16xi32>
        %sub3A_782 = arith.subi %shift_right_arithmetic3A_779, %sub3A_781 : vector<16xi32>
        %convert_element_type3A_783 = arith.sitofp %max3A_612 : vector<16xi32> to vector<16xf32>
        %bitcast_convert_type3A_784 = tpu.bitcast %convert_element_type3A_783 : vector<16xf32> -> vector<16xi32>
        %shift_right_arithmetic3A_785 = arith.constant 20 : i32
        %shift_right_arithmetic3A_786 = vector.broadcast %shift_right_arithmetic3A_785 : i32 to vector<16xi32>
        %shift_right_arithmetic3A_787 = arith.shrsi %bitcast_convert_type3A_784, %shift_right_arithmetic3A_786 : vector<16xi32>
        %sub3A_788 = arith.constant 1016 : i32
        %sub3A_789 = vector.broadcast %sub3A_788 : i32 to vector<16xi32>
        %sub3A_790 = arith.subi %shift_right_arithmetic3A_787, %sub3A_789 : vector<16xi32>
        %convert_element_type3A_791 = arith.sitofp %max3A_617 : vector<16xi32> to vector<16xf32>
        %bitcast_convert_type3A_792 = tpu.bitcast %convert_element_type3A_791 : vector<16xf32> -> vector<16xi32>
        %shift_right_arithmetic3A_793 = arith.constant 20 : i32
        %shift_right_arithmetic3A_794 = vector.broadcast %shift_right_arithmetic3A_793 : i32 to vector<16xi32>
        %shift_right_arithmetic3A_795 = arith.shrsi %bitcast_convert_type3A_792, %shift_right_arithmetic3A_794 : vector<16xi32>
        %sub3A_796 = arith.constant 1016 : i32
        %sub3A_797 = vector.broadcast %sub3A_796 : i32 to vector<16xi32>
        %sub3A_798 = arith.subi %shift_right_arithmetic3A_795, %sub3A_797 : vector<16xi32>
        %convert_element_type3A_799 = arith.sitofp %max3A_622 : vector<16xi32> to vector<16xf32>
        %bitcast_convert_type3A_800 = tpu.bitcast %convert_element_type3A_799 : vector<16xf32> -> vector<16xi32>
        %shift_right_arithmetic3A_801 = arith.constant 20 : i32
        %shift_right_arithmetic3A_802 = vector.broadcast %shift_right_arithmetic3A_801 : i32 to vector<16xi32>
        %shift_right_arithmetic3A_803 = arith.shrsi %bitcast_convert_type3A_800, %shift_right_arithmetic3A_802 : vector<16xi32>
        %sub3A_804 = arith.constant 1016 : i32
        %sub3A_805 = vector.broadcast %sub3A_804 : i32 to vector<16xi32>
        %sub3A_806 = arith.subi %shift_right_arithmetic3A_803, %sub3A_805 : vector<16xi32>
        %convert_element_type3A_807 = arith.sitofp %max3A_627 : vector<16xi32> to vector<16xf32>
        %bitcast_convert_type3A_808 = tpu.bitcast %convert_element_type3A_807 : vector<16xf32> -> vector<16xi32>
        %shift_right_arithmetic3A_809 = arith.constant 20 : i32
        %shift_right_arithmetic3A_810 = vector.broadcast %shift_right_arithmetic3A_809 : i32 to vector<16xi32>
        %shift_right_arithmetic3A_811 = arith.shrsi %bitcast_convert_type3A_808, %shift_right_arithmetic3A_810 : vector<16xi32>
        %sub3A_812 = arith.constant 1016 : i32
        %sub3A_813 = vector.broadcast %sub3A_812 : i32 to vector<16xi32>
        %sub3A_814 = arith.subi %shift_right_arithmetic3A_811, %sub3A_813 : vector<16xi32>
        %convert_element_type3A_815 = arith.sitofp %max3A_632 : vector<16xi32> to vector<16xf32>
        %bitcast_convert_type3A_816 = tpu.bitcast %convert_element_type3A_815 : vector<16xf32> -> vector<16xi32>
        %shift_right_arithmetic3A_817 = arith.constant 20 : i32
        %shift_right_arithmetic3A_818 = vector.broadcast %shift_right_arithmetic3A_817 : i32 to vector<16xi32>
        %shift_right_arithmetic3A_819 = arith.shrsi %bitcast_convert_type3A_816, %shift_right_arithmetic3A_818 : vector<16xi32>
        %sub3A_820 = arith.constant 1016 : i32
        %sub3A_821 = vector.broadcast %sub3A_820 : i32 to vector<16xi32>
        %sub3A_822 = arith.subi %shift_right_arithmetic3A_819, %sub3A_821 : vector<16xi32>
        %convert_element_type3A_823 = arith.sitofp %max3A_637 : vector<16xi32> to vector<16xf32>
        %bitcast_convert_type3A_824 = tpu.bitcast %convert_element_type3A_823 : vector<16xf32> -> vector<16xi32>
        %shift_right_arithmetic3A_825 = arith.constant 20 : i32
        %shift_right_arithmetic3A_826 = vector.broadcast %shift_right_arithmetic3A_825 : i32 to vector<16xi32>
        %shift_right_arithmetic3A_827 = arith.shrsi %bitcast_convert_type3A_824, %shift_right_arithmetic3A_826 : vector<16xi32>
        %sub3A_828 = arith.constant 1016 : i32
        %sub3A_829 = vector.broadcast %sub3A_828 : i32 to vector<16xi32>
        %sub3A_830 = arith.subi %shift_right_arithmetic3A_827, %sub3A_829 : vector<16xi32>
        %convert_element_type3A_831 = arith.sitofp %max3A_642 : vector<16xi32> to vector<16xf32>
        %bitcast_convert_type3A_832 = tpu.bitcast %convert_element_type3A_831 : vector<16xf32> -> vector<16xi32>
        %shift_right_arithmetic3A_833 = arith.constant 20 : i32
        %shift_right_arithmetic3A_834 = vector.broadcast %shift_right_arithmetic3A_833 : i32 to vector<16xi32>
        %shift_right_arithmetic3A_835 = arith.shrsi %bitcast_convert_type3A_832, %shift_right_arithmetic3A_834 : vector<16xi32>
        %sub3A_836 = arith.constant 1016 : i32
        %sub3A_837 = vector.broadcast %sub3A_836 : i32 to vector<16xi32>
        %sub3A_838 = arith.subi %shift_right_arithmetic3A_835, %sub3A_837 : vector<16xi32>
        %convert_element_type3A_839 = arith.sitofp %max3A_647 : vector<16xi32> to vector<16xf32>
        %bitcast_convert_type3A_840 = tpu.bitcast %convert_element_type3A_839 : vector<16xf32> -> vector<16xi32>
        %shift_right_arithmetic3A_841 = arith.constant 20 : i32
        %shift_right_arithmetic3A_842 = vector.broadcast %shift_right_arithmetic3A_841 : i32 to vector<16xi32>
        %shift_right_arithmetic3A_843 = arith.shrsi %bitcast_convert_type3A_840, %shift_right_arithmetic3A_842 : vector<16xi32>
        %sub3A_844 = arith.constant 1016 : i32
        %sub3A_845 = vector.broadcast %sub3A_844 : i32 to vector<16xi32>
        %sub3A_846 = arith.subi %shift_right_arithmetic3A_843, %sub3A_845 : vector<16xi32>
        %gather3A_847 = tpu.vector_load_idx %arg9[%sub3A_654] : memref<192xi32, #tpu.memory_space<vmem>>[vector<16xi32>], vector<16xi32>,
        %gather3A_848 = tpu.vector_load_idx %arg9[%sub3A_662] : memref<192xi32, #tpu.memory_space<vmem>>[vector<16xi32>], vector<16xi32>,
        %gather3A_849 = tpu.vector_load_idx %arg9[%sub3A_670] : memref<192xi32, #tpu.memory_space<vmem>>[vector<16xi32>], vector<16xi32>,
        %gather3A_850 = tpu.vector_load_idx %arg9[%sub3A_678] : memref<192xi32, #tpu.memory_space<vmem>>[vector<16xi32>], vector<16xi32>,
        %gather3A_851 = tpu.vector_load_idx %arg9[%sub3A_686] : memref<192xi32, #tpu.memory_space<vmem>>[vector<16xi32>], vector<16xi32>,
        %gather3A_852 = tpu.vector_load_idx %arg9[%sub3A_694] : memref<192xi32, #tpu.memory_space<vmem>>[vector<16xi32>], vector<16xi32>,
        %gather3A_853 = tpu.vector_load_idx %arg9[%sub3A_702] : memref<192xi32, #tpu.memory_space<vmem>>[vector<16xi32>], vector<16xi32>,
        %gather3A_854 = tpu.vector_load_idx %arg9[%sub3A_710] : memref<192xi32, #tpu.memory_space<vmem>>[vector<16xi32>], vector<16xi32>,
        %gather3A_855 = tpu.vector_load_idx %arg9[%sub3A_718] : memref<192xi32, #tpu.memory_space<vmem>>[vector<16xi32>], vector<16xi32>,
        %gather3A_856 = tpu.vector_load_idx %arg9[%sub3A_726] : memref<192xi32, #tpu.memory_space<vmem>>[vector<16xi32>], vector<16xi32>,
        %gather3A_857 = tpu.vector_load_idx %arg9[%sub3A_734] : memref<192xi32, #tpu.memory_space<vmem>>[vector<16xi32>], vector<16xi32>,
        %gather3A_858 = tpu.vector_load_idx %arg9[%sub3A_742] : memref<192xi32, #tpu.memory_space<vmem>>[vector<16xi32>], vector<16xi32>,
        %gather3A_859 = tpu.vector_load_idx %arg9[%sub3A_750] : memref<192xi32, #tpu.memory_space<vmem>>[vector<16xi32>], vector<16xi32>,
        %gather3A_860 = tpu.vector_load_idx %arg9[%sub3A_758] : memref<192xi32, #tpu.memory_space<vmem>>[vector<16xi32>], vector<16xi32>,
        %gather3A_861 = tpu.vector_load_idx %arg9[%sub3A_766] : memref<192xi32, #tpu.memory_space<vmem>>[vector<16xi32>], vector<16xi32>,
        %gather3A_862 = tpu.vector_load_idx %arg9[%sub3A_774] : memref<192xi32, #tpu.memory_space<vmem>>[vector<16xi32>], vector<16xi32>,
        %gather3A_863 = tpu.vector_load_idx %arg9[%sub3A_782] : memref<192xi32, #tpu.memory_space<vmem>>[vector<16xi32>], vector<16xi32>,
        %gather3A_864 = tpu.vector_load_idx %arg9[%sub3A_790] : memref<192xi32, #tpu.memory_space<vmem>>[vector<16xi32>], vector<16xi32>,
        %gather3A_865 = tpu.vector_load_idx %arg9[%sub3A_798] : memref<192xi32, #tpu.memory_space<vmem>>[vector<16xi32>], vector<16xi32>,
        %gather3A_866 = tpu.vector_load_idx %arg9[%sub3A_806] : memref<192xi32, #tpu.memory_space<vmem>>[vector<16xi32>], vector<16xi32>,
        %gather3A_867 = tpu.vector_load_idx %arg9[%sub3A_814] : memref<192xi32, #tpu.memory_space<vmem>>[vector<16xi32>], vector<16xi32>,
        %gather3A_868 = tpu.vector_load_idx %arg9[%sub3A_822] : memref<192xi32, #tpu.memory_space<vmem>>[vector<16xi32>], vector<16xi32>,
        %gather3A_869 = tpu.vector_load_idx %arg9[%sub3A_830] : memref<192xi32, #tpu.memory_space<vmem>>[vector<16xi32>], vector<16xi32>,
        %gather3A_870 = tpu.vector_load_idx %arg9[%sub3A_838] : memref<192xi32, #tpu.memory_space<vmem>>[vector<16xi32>], vector<16xi32>,
        %gather3A_871 = tpu.vector_load_idx %arg9[%sub3A_846] : memref<192xi32, #tpu.memory_space<vmem>>[vector<16xi32>], vector<16xi32>,
        %shift_right_arithmetic3A_872 = arith.constant 6 : i32
        %shift_right_arithmetic3A_873 = vector.broadcast %shift_right_arithmetic3A_872 : i32 to vector<16xi32>
        %shift_right_arithmetic3A_874 = arith.shrsi %gather3A_847, %shift_right_arithmetic3A_873 : vector<16xi32>
        %gt3A = arith.cmpi sgt, %max3A_527, %shift_right_arithmetic3A_874 : vector<16xi32>
        %and3A = arith.constant 63 : i32
        %and3A_875 = vector.broadcast %and3A : i32 to vector<16xi32>
        %and3A_876 = arith.andi %gather3A_847, %and3A_875 : vector<16xi32>
        %add3A_877 = arith.constant 1 : i32
        %add3A_878 = vector.broadcast %add3A_877 : i32 to vector<16xi32>
        %add3A_879 = arith.addi %and3A_876, %add3A_878 : vector<16xi32>
        %and3A_880 = arith.constant 63 : i32
        %and3A_881 = vector.broadcast %and3A_880 : i32 to vector<16xi32>
        %and3A_882 = arith.andi %gather3A_847, %and3A_881 : vector<16xi32>
        %select_n3A = arith.select %gt3A, %add3A_879, %and3A_882 : vector<16xi1>, vector<16xi32>
        %shift_right_arithmetic3A_883 = arith.constant 6 : i32
        %shift_right_arithmetic3A_884 = vector.broadcast %shift_right_arithmetic3A_883 : i32 to vector<16xi32>
        %shift_right_arithmetic3A_885 = arith.shrsi %gather3A_848, %shift_right_arithmetic3A_884 : vector<16xi32>
        %gt3A_886 = arith.cmpi sgt, %max3A_532, %shift_right_arithmetic3A_885 : vector<16xi32>
        %and3A_887 = arith.constant 63 : i32
        %and3A_888 = vector.broadcast %and3A_887 : i32 to vector<16xi32>
        %and3A_889 = arith.andi %gather3A_848, %and3A_888 : vector<16xi32>
        %add3A_890 = arith.constant 1 : i32
        %add3A_891 = vector.broadcast %add3A_890 : i32 to vector<16xi32>
        %add3A_892 = arith.addi %and3A_889, %add3A_891 : vector<16xi32>
        %and3A_893 = arith.constant 63 : i32
        %and3A_894 = vector.broadcast %and3A_893 : i32 to vector<16xi32>
        %and3A_895 = arith.andi %gather3A_848, %and3A_894 : vector<16xi32>
        %select_n3A_896 = arith.select %gt3A_886, %add3A_892, %and3A_895 : vector<16xi1>, vector<16xi32>
        %shift_right_arithmetic3A_897 = arith.constant 6 : i32
        %shift_right_arithmetic3A_898 = vector.broadcast %shift_right_arithmetic3A_897 : i32 to vector<16xi32>
        %shift_right_arithmetic3A_899 = arith.shrsi %gather3A_849, %shift_right_arithmetic3A_898 : vector<16xi32>
        %gt3A_900 = arith.cmpi sgt, %max3A_537, %shift_right_arithmetic3A_899 : vector<16xi32>
        %and3A_901 = arith.constant 63 : i32
        %and3A_902 = vector.broadcast %and3A_901 : i32 to vector<16xi32>
        %and3A_903 = arith.andi %gather3A_849, %and3A_902 : vector<16xi32>
        %add3A_904 = arith.constant 1 : i32
        %add3A_905 = vector.broadcast %add3A_904 : i32 to vector<16xi32>
        %add3A_906 = arith.addi %and3A_903, %add3A_905 : vector<16xi32>
        %and3A_907 = arith.constant 63 : i32
        %and3A_908 = vector.broadcast %and3A_907 : i32 to vector<16xi32>
        %and3A_909 = arith.andi %gather3A_849, %and3A_908 : vector<16xi32>
        %select_n3A_910 = arith.select %gt3A_900, %add3A_906, %and3A_909 : vector<16xi1>, vector<16xi32>
        %shift_right_arithmetic3A_911 = arith.constant 6 : i32
        %shift_right_arithmetic3A_912 = vector.broadcast %shift_right_arithmetic3A_911 : i32 to vector<16xi32>
        %shift_right_arithmetic3A_913 = arith.shrsi %gather3A_850, %shift_right_arithmetic3A_912 : vector<16xi32>
        %gt3A_914 = arith.cmpi sgt, %max3A_542, %shift_right_arithmetic3A_913 : vector<16xi32>
        %and3A_915 = arith.constant 63 : i32
        %and3A_916 = vector.broadcast %and3A_915 : i32 to vector<16xi32>
        %and3A_917 = arith.andi %gather3A_850, %and3A_916 : vector<16xi32>
        %add3A_918 = arith.constant 1 : i32
        %add3A_919 = vector.broadcast %add3A_918 : i32 to vector<16xi32>
        %add3A_920 = arith.addi %and3A_917, %add3A_919 : vector<16xi32>
        %and3A_921 = arith.constant 63 : i32
        %and3A_922 = vector.broadcast %and3A_921 : i32 to vector<16xi32>
        %and3A_923 = arith.andi %gather3A_850, %and3A_922 : vector<16xi32>
        %select_n3A_924 = arith.select %gt3A_914, %add3A_920, %and3A_923 : vector<16xi1>, vector<16xi32>
        %shift_right_arithmetic3A_925 = arith.constant 6 : i32
        %shift_right_arithmetic3A_926 = vector.broadcast %shift_right_arithmetic3A_925 : i32 to vector<16xi32>
        %shift_right_arithmetic3A_927 = arith.shrsi %gather3A_851, %shift_right_arithmetic3A_926 : vector<16xi32>
        %gt3A_928 = arith.cmpi sgt, %max3A_547, %shift_right_arithmetic3A_927 : vector<16xi32>
        %and3A_929 = arith.constant 63 : i32
        %and3A_930 = vector.broadcast %and3A_929 : i32 to vector<16xi32>
        %and3A_931 = arith.andi %gather3A_851, %and3A_930 : vector<16xi32>
        %add3A_932 = arith.constant 1 : i32
        %add3A_933 = vector.broadcast %add3A_932 : i32 to vector<16xi32>
        %add3A_934 = arith.addi %and3A_931, %add3A_933 : vector<16xi32>
        %and3A_935 = arith.constant 63 : i32
        %and3A_936 = vector.broadcast %and3A_935 : i32 to vector<16xi32>
        %and3A_937 = arith.andi %gather3A_851, %and3A_936 : vector<16xi32>
        %select_n3A_938 = arith.select %gt3A_928, %add3A_934, %and3A_937 : vector<16xi1>, vector<16xi32>
        %shift_right_arithmetic3A_939 = arith.constant 6 : i32
        %shift_right_arithmetic3A_940 = vector.broadcast %shift_right_arithmetic3A_939 : i32 to vector<16xi32>
        %shift_right_arithmetic3A_941 = arith.shrsi %gather3A_852, %shift_right_arithmetic3A_940 : vector<16xi32>
        %gt3A_942 = arith.cmpi sgt, %max3A_552, %shift_right_arithmetic3A_941 : vector<16xi32>
        %and3A_943 = arith.constant 63 : i32
        %and3A_944 = vector.broadcast %and3A_943 : i32 to vector<16xi32>
        %and3A_945 = arith.andi %gather3A_852, %and3A_944 : vector<16xi32>
        %add3A_946 = arith.constant 1 : i32
        %add3A_947 = vector.broadcast %add3A_946 : i32 to vector<16xi32>
        %add3A_948 = arith.addi %and3A_945, %add3A_947 : vector<16xi32>
        %and3A_949 = arith.constant 63 : i32
        %and3A_950 = vector.broadcast %and3A_949 : i32 to vector<16xi32>
        %and3A_951 = arith.andi %gather3A_852, %and3A_950 : vector<16xi32>
        %select_n3A_952 = arith.select %gt3A_942, %add3A_948, %and3A_951 : vector<16xi1>, vector<16xi32>
        %shift_right_arithmetic3A_953 = arith.constant 6 : i32
        %shift_right_arithmetic3A_954 = vector.broadcast %shift_right_arithmetic3A_953 : i32 to vector<16xi32>
        %shift_right_arithmetic3A_955 = arith.shrsi %gather3A_853, %shift_right_arithmetic3A_954 : vector<16xi32>
        %gt3A_956 = arith.cmpi sgt, %max3A_557, %shift_right_arithmetic3A_955 : vector<16xi32>
        %and3A_957 = arith.constant 63 : i32
        %and3A_958 = vector.broadcast %and3A_957 : i32 to vector<16xi32>
        %and3A_959 = arith.andi %gather3A_853, %and3A_958 : vector<16xi32>
        %add3A_960 = arith.constant 1 : i32
        %add3A_961 = vector.broadcast %add3A_960 : i32 to vector<16xi32>
        %add3A_962 = arith.addi %and3A_959, %add3A_961 : vector<16xi32>
        %and3A_963 = arith.constant 63 : i32
        %and3A_964 = vector.broadcast %and3A_963 : i32 to vector<16xi32>
        %and3A_965 = arith.andi %gather3A_853, %and3A_964 : vector<16xi32>
        %select_n3A_966 = arith.select %gt3A_956, %add3A_962, %and3A_965 : vector<16xi1>, vector<16xi32>
        %shift_right_arithmetic3A_967 = arith.constant 6 : i32
        %shift_right_arithmetic3A_968 = vector.broadcast %shift_right_arithmetic3A_967 : i32 to vector<16xi32>
        %shift_right_arithmetic3A_969 = arith.shrsi %gather3A_854, %shift_right_arithmetic3A_968 : vector<16xi32>
        %gt3A_970 = arith.cmpi sgt, %max3A_562, %shift_right_arithmetic3A_969 : vector<16xi32>
        %and3A_971 = arith.constant 63 : i32
        %and3A_972 = vector.broadcast %and3A_971 : i32 to vector<16xi32>
        %and3A_973 = arith.andi %gather3A_854, %and3A_972 : vector<16xi32>
        %add3A_974 = arith.constant 1 : i32
        %add3A_975 = vector.broadcast %add3A_974 : i32 to vector<16xi32>
        %add3A_976 = arith.addi %and3A_973, %add3A_975 : vector<16xi32>
        %and3A_977 = arith.constant 63 : i32
        %and3A_978 = vector.broadcast %and3A_977 : i32 to vector<16xi32>
        %and3A_979 = arith.andi %gather3A_854, %and3A_978 : vector<16xi32>
        %select_n3A_980 = arith.select %gt3A_970, %add3A_976, %and3A_979 : vector<16xi1>, vector<16xi32>
        %shift_right_arithmetic3A_981 = arith.constant 6 : i32
        %shift_right_arithmetic3A_982 = vector.broadcast %shift_right_arithmetic3A_981 : i32 to vector<16xi32>
        %shift_right_arithmetic3A_983 = arith.shrsi %gather3A_855, %shift_right_arithmetic3A_982 : vector<16xi32>
        %gt3A_984 = arith.cmpi sgt, %max3A_567, %shift_right_arithmetic3A_983 : vector<16xi32>
        %and3A_985 = arith.constant 63 : i32
        %and3A_986 = vector.broadcast %and3A_985 : i32 to vector<16xi32>
        %and3A_987 = arith.andi %gather3A_855, %and3A_986 : vector<16xi32>
        %add3A_988 = arith.constant 1 : i32
        %add3A_989 = vector.broadcast %add3A_988 : i32 to vector<16xi32>
        %add3A_990 = arith.addi %and3A_987, %add3A_989 : vector<16xi32>
        %and3A_991 = arith.constant 63 : i32
        %and3A_992 = vector.broadcast %and3A_991 : i32 to vector<16xi32>
        %and3A_993 = arith.andi %gather3A_855, %and3A_992 : vector<16xi32>
        %select_n3A_994 = arith.select %gt3A_984, %add3A_990, %and3A_993 : vector<16xi1>, vector<16xi32>
        %shift_right_arithmetic3A_995 = arith.constant 6 : i32
        %shift_right_arithmetic3A_996 = vector.broadcast %shift_right_arithmetic3A_995 : i32 to vector<16xi32>
        %shift_right_arithmetic3A_997 = arith.shrsi %gather3A_856, %shift_right_arithmetic3A_996 : vector<16xi32>
        %gt3A_998 = arith.cmpi sgt, %max3A_572, %shift_right_arithmetic3A_997 : vector<16xi32>
        %and3A_999 = arith.constant 63 : i32
        %and3A_1000 = vector.broadcast %and3A_999 : i32 to vector<16xi32>
        %and3A_1001 = arith.andi %gather3A_856, %and3A_1000 : vector<16xi32>
        %add3A_1002 = arith.constant 1 : i32
        %add3A_1003 = vector.broadcast %add3A_1002 : i32 to vector<16xi32>
        %add3A_1004 = arith.addi %and3A_1001, %add3A_1003 : vector<16xi32>
        %and3A_1005 = arith.constant 63 : i32
        %and3A_1006 = vector.broadcast %and3A_1005 : i32 to vector<16xi32>
        %and3A_1007 = arith.andi %gather3A_856, %and3A_1006 : vector<16xi32>
        %select_n3A_1008 = arith.select %gt3A_998, %add3A_1004, %and3A_1007 : vector<16xi1>, vector<16xi32>
        %shift_right_arithmetic3A_1009 = arith.constant 6 : i32
        %shift_right_arithmetic3A_1010 = vector.broadcast %shift_right_arithmetic3A_1009 : i32 to vector<16xi32>
        %shift_right_arithmetic3A_1011 = arith.shrsi %gather3A_857, %shift_right_arithmetic3A_1010 : vector<16xi32>
        %gt3A_1012 = arith.cmpi sgt, %max3A_577, %shift_right_arithmetic3A_1011 : vector<16xi32>
        %and3A_1013 = arith.constant 63 : i32
        %and3A_1014 = vector.broadcast %and3A_1013 : i32 to vector<16xi32>
        %and3A_1015 = arith.andi %gather3A_857, %and3A_1014 : vector<16xi32>
        %add3A_1016 = arith.constant 1 : i32
        %add3A_1017 = vector.broadcast %add3A_1016 : i32 to vector<16xi32>
        %add3A_1018 = arith.addi %and3A_1015, %add3A_1017 : vector<16xi32>
        %and3A_1019 = arith.constant 63 : i32
        %and3A_1020 = vector.broadcast %and3A_1019 : i32 to vector<16xi32>
        %and3A_1021 = arith.andi %gather3A_857, %and3A_1020 : vector<16xi32>
        %select_n3A_1022 = arith.select %gt3A_1012, %add3A_1018, %and3A_1021 : vector<16xi1>, vector<16xi32>
        %shift_right_arithmetic3A_1023 = arith.constant 6 : i32
        %shift_right_arithmetic3A_1024 = vector.broadcast %shift_right_arithmetic3A_1023 : i32 to vector<16xi32>
        %shift_right_arithmetic3A_1025 = arith.shrsi %gather3A_858, %shift_right_arithmetic3A_1024 : vector<16xi32>
        %gt3A_1026 = arith.cmpi sgt, %max3A_582, %shift_right_arithmetic3A_1025 : vector<16xi32>
        %and3A_1027 = arith.constant 63 : i32
        %and3A_1028 = vector.broadcast %and3A_1027 : i32 to vector<16xi32>
        %and3A_1029 = arith.andi %gather3A_858, %and3A_1028 : vector<16xi32>
        %add3A_1030 = arith.constant 1 : i32
        %add3A_1031 = vector.broadcast %add3A_1030 : i32 to vector<16xi32>
        %add3A_1032 = arith.addi %and3A_1029, %add3A_1031 : vector<16xi32>
        %and3A_1033 = arith.constant 63 : i32
        %and3A_1034 = vector.broadcast %and3A_1033 : i32 to vector<16xi32>
        %and3A_1035 = arith.andi %gather3A_858, %and3A_1034 : vector<16xi32>
        %select_n3A_1036 = arith.select %gt3A_1026, %add3A_1032, %and3A_1035 : vector<16xi1>, vector<16xi32>
        %shift_right_arithmetic3A_1037 = arith.constant 6 : i32
        %shift_right_arithmetic3A_1038 = vector.broadcast %shift_right_arithmetic3A_1037 : i32 to vector<16xi32>
        %shift_right_arithmetic3A_1039 = arith.shrsi %gather3A_859, %shift_right_arithmetic3A_1038 : vector<16xi32>
        %gt3A_1040 = arith.cmpi sgt, %max3A_587, %shift_right_arithmetic3A_1039 : vector<16xi32>
        %and3A_1041 = arith.constant 63 : i32
        %and3A_1042 = vector.broadcast %and3A_1041 : i32 to vector<16xi32>
        %and3A_1043 = arith.andi %gather3A_859, %and3A_1042 : vector<16xi32>
        %add3A_1044 = arith.constant 1 : i32
        %add3A_1045 = vector.broadcast %add3A_1044 : i32 to vector<16xi32>
        %add3A_1046 = arith.addi %and3A_1043, %add3A_1045 : vector<16xi32>
        %and3A_1047 = arith.constant 63 : i32
        %and3A_1048 = vector.broadcast %and3A_1047 : i32 to vector<16xi32>
        %and3A_1049 = arith.andi %gather3A_859, %and3A_1048 : vector<16xi32>
        %select_n3A_1050 = arith.select %gt3A_1040, %add3A_1046, %and3A_1049 : vector<16xi1>, vector<16xi32>
        %shift_right_arithmetic3A_1051 = arith.constant 6 : i32
        %shift_right_arithmetic3A_1052 = vector.broadcast %shift_right_arithmetic3A_1051 : i32 to vector<16xi32>
        %shift_right_arithmetic3A_1053 = arith.shrsi %gather3A_860, %shift_right_arithmetic3A_1052 : vector<16xi32>
        %gt3A_1054 = arith.cmpi sgt, %max3A_592, %shift_right_arithmetic3A_1053 : vector<16xi32>
        %and3A_1055 = arith.constant 63 : i32
        %and3A_1056 = vector.broadcast %and3A_1055 : i32 to vector<16xi32>
        %and3A_1057 = arith.andi %gather3A_860, %and3A_1056 : vector<16xi32>
        %add3A_1058 = arith.constant 1 : i32
        %add3A_1059 = vector.broadcast %add3A_1058 : i32 to vector<16xi32>
        %add3A_1060 = arith.addi %and3A_1057, %add3A_1059 : vector<16xi32>
        %and3A_1061 = arith.constant 63 : i32
        %and3A_1062 = vector.broadcast %and3A_1061 : i32 to vector<16xi32>
        %and3A_1063 = arith.andi %gather3A_860, %and3A_1062 : vector<16xi32>
        %select_n3A_1064 = arith.select %gt3A_1054, %add3A_1060, %and3A_1063 : vector<16xi1>, vector<16xi32>
        %shift_right_arithmetic3A_1065 = arith.constant 6 : i32
        %shift_right_arithmetic3A_1066 = vector.broadcast %shift_right_arithmetic3A_1065 : i32 to vector<16xi32>
        %shift_right_arithmetic3A_1067 = arith.shrsi %gather3A_861, %shift_right_arithmetic3A_1066 : vector<16xi32>
        %gt3A_1068 = arith.cmpi sgt, %max3A_597, %shift_right_arithmetic3A_1067 : vector<16xi32>
        %and3A_1069 = arith.constant 63 : i32
        %and3A_1070 = vector.broadcast %and3A_1069 : i32 to vector<16xi32>
        %and3A_1071 = arith.andi %gather3A_861, %and3A_1070 : vector<16xi32>
        %add3A_1072 = arith.constant 1 : i32
        %add3A_1073 = vector.broadcast %add3A_1072 : i32 to vector<16xi32>
        %add3A_1074 = arith.addi %and3A_1071, %add3A_1073 : vector<16xi32>
        %and3A_1075 = arith.constant 63 : i32
        %and3A_1076 = vector.broadcast %and3A_1075 : i32 to vector<16xi32>
        %and3A_1077 = arith.andi %gather3A_861, %and3A_1076 : vector<16xi32>
        %select_n3A_1078 = arith.select %gt3A_1068, %add3A_1074, %and3A_1077 : vector<16xi1>, vector<16xi32>
        %shift_right_arithmetic3A_1079 = arith.constant 6 : i32
        %shift_right_arithmetic3A_1080 = vector.broadcast %shift_right_arithmetic3A_1079 : i32 to vector<16xi32>
        %shift_right_arithmetic3A_1081 = arith.shrsi %gather3A_862, %shift_right_arithmetic3A_1080 : vector<16xi32>
        %gt3A_1082 = arith.cmpi sgt, %max3A_602, %shift_right_arithmetic3A_1081 : vector<16xi32>
        %and3A_1083 = arith.constant 63 : i32
        %and3A_1084 = vector.broadcast %and3A_1083 : i32 to vector<16xi32>
        %and3A_1085 = arith.andi %gather3A_862, %and3A_1084 : vector<16xi32>
        %add3A_1086 = arith.constant 1 : i32
        %add3A_1087 = vector.broadcast %add3A_1086 : i32 to vector<16xi32>
        %add3A_1088 = arith.addi %and3A_1085, %add3A_1087 : vector<16xi32>
        %and3A_1089 = arith.constant 63 : i32
        %and3A_1090 = vector.broadcast %and3A_1089 : i32 to vector<16xi32>
        %and3A_1091 = arith.andi %gather3A_862, %and3A_1090 : vector<16xi32>
        %select_n3A_1092 = arith.select %gt3A_1082, %add3A_1088, %and3A_1091 : vector<16xi1>, vector<16xi32>
        %shift_right_arithmetic3A_1093 = arith.constant 6 : i32
        %shift_right_arithmetic3A_1094 = vector.broadcast %shift_right_arithmetic3A_1093 : i32 to vector<16xi32>
        %shift_right_arithmetic3A_1095 = arith.shrsi %gather3A_863, %shift_right_arithmetic3A_1094 : vector<16xi32>
        %gt3A_1096 = arith.cmpi sgt, %max3A_607, %shift_right_arithmetic3A_1095 : vector<16xi32>
        %and3A_1097 = arith.constant 63 : i32
        %and3A_1098 = vector.broadcast %and3A_1097 : i32 to vector<16xi32>
        %and3A_1099 = arith.andi %gather3A_863, %and3A_1098 : vector<16xi32>
        %add3A_1100 = arith.constant 1 : i32
        %add3A_1101 = vector.broadcast %add3A_1100 : i32 to vector<16xi32>
        %add3A_1102 = arith.addi %and3A_1099, %add3A_1101 : vector<16xi32>
        %and3A_1103 = arith.constant 63 : i32
        %and3A_1104 = vector.broadcast %and3A_1103 : i32 to vector<16xi32>
        %and3A_1105 = arith.andi %gather3A_863, %and3A_1104 : vector<16xi32>
        %select_n3A_1106 = arith.select %gt3A_1096, %add3A_1102, %and3A_1105 : vector<16xi1>, vector<16xi32>
        %shift_right_arithmetic3A_1107 = arith.constant 6 : i32
        %shift_right_arithmetic3A_1108 = vector.broadcast %shift_right_arithmetic3A_1107 : i32 to vector<16xi32>
        %shift_right_arithmetic3A_1109 = arith.shrsi %gather3A_864, %shift_right_arithmetic3A_1108 : vector<16xi32>
        %gt3A_1110 = arith.cmpi sgt, %max3A_612, %shift_right_arithmetic3A_1109 : vector<16xi32>
        %and3A_1111 = arith.constant 63 : i32
        %and3A_1112 = vector.broadcast %and3A_1111 : i32 to vector<16xi32>
        %and3A_1113 = arith.andi %gather3A_864, %and3A_1112 : vector<16xi32>
        %add3A_1114 = arith.constant 1 : i32
        %add3A_1115 = vector.broadcast %add3A_1114 : i32 to vector<16xi32>
        %add3A_1116 = arith.addi %and3A_1113, %add3A_1115 : vector<16xi32>
        %and3A_1117 = arith.constant 63 : i32
        %and3A_1118 = vector.broadcast %and3A_1117 : i32 to vector<16xi32>
        %and3A_1119 = arith.andi %gather3A_864, %and3A_1118 : vector<16xi32>
        %select_n3A_1120 = arith.select %gt3A_1110, %add3A_1116, %and3A_1119 : vector<16xi1>, vector<16xi32>
        %shift_right_arithmetic3A_1121 = arith.constant 6 : i32
        %shift_right_arithmetic3A_1122 = vector.broadcast %shift_right_arithmetic3A_1121 : i32 to vector<16xi32>
        %shift_right_arithmetic3A_1123 = arith.shrsi %gather3A_865, %shift_right_arithmetic3A_1122 : vector<16xi32>
        %gt3A_1124 = arith.cmpi sgt, %max3A_617, %shift_right_arithmetic3A_1123 : vector<16xi32>
        %and3A_1125 = arith.constant 63 : i32
        %and3A_1126 = vector.broadcast %and3A_1125 : i32 to vector<16xi32>
        %and3A_1127 = arith.andi %gather3A_865, %and3A_1126 : vector<16xi32>
        %add3A_1128 = arith.constant 1 : i32
        %add3A_1129 = vector.broadcast %add3A_1128 : i32 to vector<16xi32>
        %add3A_1130 = arith.addi %and3A_1127, %add3A_1129 : vector<16xi32>
        %and3A_1131 = arith.constant 63 : i32
        %and3A_1132 = vector.broadcast %and3A_1131 : i32 to vector<16xi32>
        %and3A_1133 = arith.andi %gather3A_865, %and3A_1132 : vector<16xi32>
        %select_n3A_1134 = arith.select %gt3A_1124, %add3A_1130, %and3A_1133 : vector<16xi1>, vector<16xi32>
        %shift_right_arithmetic3A_1135 = arith.constant 6 : i32
        %shift_right_arithmetic3A_1136 = vector.broadcast %shift_right_arithmetic3A_1135 : i32 to vector<16xi32>
        %shift_right_arithmetic3A_1137 = arith.shrsi %gather3A_866, %shift_right_arithmetic3A_1136 : vector<16xi32>
        %gt3A_1138 = arith.cmpi sgt, %max3A_622, %shift_right_arithmetic3A_1137 : vector<16xi32>
        %and3A_1139 = arith.constant 63 : i32
        %and3A_1140 = vector.broadcast %and3A_1139 : i32 to vector<16xi32>
        %and3A_1141 = arith.andi %gather3A_866, %and3A_1140 : vector<16xi32>
        %add3A_1142 = arith.constant 1 : i32
        %add3A_1143 = vector.broadcast %add3A_1142 : i32 to vector<16xi32>
        %add3A_1144 = arith.addi %and3A_1141, %add3A_1143 : vector<16xi32>
        %and3A_1145 = arith.constant 63 : i32
        %and3A_1146 = vector.broadcast %and3A_1145 : i32 to vector<16xi32>
        %and3A_1147 = arith.andi %gather3A_866, %and3A_1146 : vector<16xi32>
        %select_n3A_1148 = arith.select %gt3A_1138, %add3A_1144, %and3A_1147 : vector<16xi1>, vector<16xi32>
        %shift_right_arithmetic3A_1149 = arith.constant 6 : i32
        %shift_right_arithmetic3A_1150 = vector.broadcast %shift_right_arithmetic3A_1149 : i32 to vector<16xi32>
        %shift_right_arithmetic3A_1151 = arith.shrsi %gather3A_867, %shift_right_arithmetic3A_1150 : vector<16xi32>
        %gt3A_1152 = arith.cmpi sgt, %max3A_627, %shift_right_arithmetic3A_1151 : vector<16xi32>
        %and3A_1153 = arith.constant 63 : i32
        %and3A_1154 = vector.broadcast %and3A_1153 : i32 to vector<16xi32>
        %and3A_1155 = arith.andi %gather3A_867, %and3A_1154 : vector<16xi32>
        %add3A_1156 = arith.constant 1 : i32
        %add3A_1157 = vector.broadcast %add3A_1156 : i32 to vector<16xi32>
        %add3A_1158 = arith.addi %and3A_1155, %add3A_1157 : vector<16xi32>
        %and3A_1159 = arith.constant 63 : i32
        %and3A_1160 = vector.broadcast %and3A_1159 : i32 to vector<16xi32>
        %and3A_1161 = arith.andi %gather3A_867, %and3A_1160 : vector<16xi32>
        %select_n3A_1162 = arith.select %gt3A_1152, %add3A_1158, %and3A_1161 : vector<16xi1>, vector<16xi32>
        %shift_right_arithmetic3A_1163 = arith.constant 6 : i32
        %shift_right_arithmetic3A_1164 = vector.broadcast %shift_right_arithmetic3A_1163 : i32 to vector<16xi32>
        %shift_right_arithmetic3A_1165 = arith.shrsi %gather3A_868, %shift_right_arithmetic3A_1164 : vector<16xi32>
        %gt3A_1166 = arith.cmpi sgt, %max3A_632, %shift_right_arithmetic3A_1165 : vector<16xi32>
        %and3A_1167 = arith.constant 63 : i32
        %and3A_1168 = vector.broadcast %and3A_1167 : i32 to vector<16xi32>
        %and3A_1169 = arith.andi %gather3A_868, %and3A_1168 : vector<16xi32>
        %add3A_1170 = arith.constant 1 : i32
        %add3A_1171 = vector.broadcast %add3A_1170 : i32 to vector<16xi32>
        %add3A_1172 = arith.addi %and3A_1169, %add3A_1171 : vector<16xi32>
        %and3A_1173 = arith.constant 63 : i32
        %and3A_1174 = vector.broadcast %and3A_1173 : i32 to vector<16xi32>
        %and3A_1175 = arith.andi %gather3A_868, %and3A_1174 : vector<16xi32>
        %select_n3A_1176 = arith.select %gt3A_1166, %add3A_1172, %and3A_1175 : vector<16xi1>, vector<16xi32>
        %shift_right_arithmetic3A_1177 = arith.constant 6 : i32
        %shift_right_arithmetic3A_1178 = vector.broadcast %shift_right_arithmetic3A_1177 : i32 to vector<16xi32>
        %shift_right_arithmetic3A_1179 = arith.shrsi %gather3A_869, %shift_right_arithmetic3A_1178 : vector<16xi32>
        %gt3A_1180 = arith.cmpi sgt, %max3A_637, %shift_right_arithmetic3A_1179 : vector<16xi32>
        %and3A_1181 = arith.constant 63 : i32
        %and3A_1182 = vector.broadcast %and3A_1181 : i32 to vector<16xi32>
        %and3A_1183 = arith.andi %gather3A_869, %and3A_1182 : vector<16xi32>
        %add3A_1184 = arith.constant 1 : i32
        %add3A_1185 = vector.broadcast %add3A_1184 : i32 to vector<16xi32>
        %add3A_1186 = arith.addi %and3A_1183, %add3A_1185 : vector<16xi32>
        %and3A_1187 = arith.constant 63 : i32
        %and3A_1188 = vector.broadcast %and3A_1187 : i32 to vector<16xi32>
        %and3A_1189 = arith.andi %gather3A_869, %and3A_1188 : vector<16xi32>
        %select_n3A_1190 = arith.select %gt3A_1180, %add3A_1186, %and3A_1189 : vector<16xi1>, vector<16xi32>
        %shift_right_arithmetic3A_1191 = arith.constant 6 : i32
        %shift_right_arithmetic3A_1192 = vector.broadcast %shift_right_arithmetic3A_1191 : i32 to vector<16xi32>
        %shift_right_arithmetic3A_1193 = arith.shrsi %gather3A_870, %shift_right_arithmetic3A_1192 : vector<16xi32>
        %gt3A_1194 = arith.cmpi sgt, %max3A_642, %shift_right_arithmetic3A_1193 : vector<16xi32>
        %and3A_1195 = arith.constant 63 : i32
        %and3A_1196 = vector.broadcast %and3A_1195 : i32 to vector<16xi32>
        %and3A_1197 = arith.andi %gather3A_870, %and3A_1196 : vector<16xi32>
        %add3A_1198 = arith.constant 1 : i32
        %add3A_1199 = vector.broadcast %add3A_1198 : i32 to vector<16xi32>
        %add3A_1200 = arith.addi %and3A_1197, %add3A_1199 : vector<16xi32>
        %and3A_1201 = arith.constant 63 : i32
        %and3A_1202 = vector.broadcast %and3A_1201 : i32 to vector<16xi32>
        %and3A_1203 = arith.andi %gather3A_870, %and3A_1202 : vector<16xi32>
        %select_n3A_1204 = arith.select %gt3A_1194, %add3A_1200, %and3A_1203 : vector<16xi1>, vector<16xi32>
        %shift_right_arithmetic3A_1205 = arith.constant 6 : i32
        %shift_right_arithmetic3A_1206 = vector.broadcast %shift_right_arithmetic3A_1205 : i32 to vector<16xi32>
        %shift_right_arithmetic3A_1207 = arith.shrsi %gather3A_871, %shift_right_arithmetic3A_1206 : vector<16xi32>
        %gt3A_1208 = arith.cmpi sgt, %max3A_647, %shift_right_arithmetic3A_1207 : vector<16xi32>
        %and3A_1209 = arith.constant 63 : i32
        %and3A_1210 = vector.broadcast %and3A_1209 : i32 to vector<16xi32>
        %and3A_1211 = arith.andi %gather3A_871, %and3A_1210 : vector<16xi32>
        %add3A_1212 = arith.constant 1 : i32
        %add3A_1213 = vector.broadcast %add3A_1212 : i32 to vector<16xi32>
        %add3A_1214 = arith.addi %and3A_1211, %add3A_1213 : vector<16xi32>
        %and3A_1215 = arith.constant 63 : i32
        %and3A_1216 = vector.broadcast %and3A_1215 : i32 to vector<16xi32>
        %and3A_1217 = arith.andi %gather3A_871, %and3A_1216 : vector<16xi32>
        %select_n3A_1218 = arith.select %gt3A_1208, %add3A_1214, %and3A_1217 : vector<16xi1>, vector<16xi32>
        %gather3A_1219 = tpu.vector_load_idx %arg10[%select_n3A] : memref<64xf32, #tpu.memory_space<vmem>>[vector<16xi32>], vector<16xf32>,
        %gather3A_1220 = tpu.vector_load_idx %arg10[%select_n3A_896] : memref<64xf32, #tpu.memory_space<vmem>>[vector<16xi32>], vector<16xf32>,
        %gather3A_1221 = tpu.vector_load_idx %arg10[%select_n3A_910] : memref<64xf32, #tpu.memory_space<vmem>>[vector<16xi32>], vector<16xf32>,
        %gather3A_1222 = tpu.vector_load_idx %arg10[%select_n3A_924] : memref<64xf32, #tpu.memory_space<vmem>>[vector<16xi32>], vector<16xf32>,
        %gather3A_1223 = tpu.vector_load_idx %arg10[%select_n3A_938] : memref<64xf32, #tpu.memory_space<vmem>>[vector<16xi32>], vector<16xf32>,
        %gather3A_1224 = tpu.vector_load_idx %arg10[%select_n3A_952] : memref<64xf32, #tpu.memory_space<vmem>>[vector<16xi32>], vector<16xf32>,
        %gather3A_1225 = tpu.vector_load_idx %arg10[%select_n3A_966] : memref<64xf32, #tpu.memory_space<vmem>>[vector<16xi32>], vector<16xf32>,
        %gather3A_1226 = tpu.vector_load_idx %arg10[%select_n3A_980] : memref<64xf32, #tpu.memory_space<vmem>>[vector<16xi32>], vector<16xf32>,
        %gather3A_1227 = tpu.vector_load_idx %arg10[%select_n3A_994] : memref<64xf32, #tpu.memory_space<vmem>>[vector<16xi32>], vector<16xf32>,
        %gather3A_1228 = tpu.vector_load_idx %arg10[%select_n3A_1008] : memref<64xf32, #tpu.memory_space<vmem>>[vector<16xi32>], vector<16xf32>,
        %gather3A_1229 = tpu.vector_load_idx %arg10[%select_n3A_1022] : memref<64xf32, #tpu.memory_space<vmem>>[vector<16xi32>], vector<16xf32>,
        %gather3A_1230 = tpu.vector_load_idx %arg10[%select_n3A_1036] : memref<64xf32, #tpu.memory_space<vmem>>[vector<16xi32>], vector<16xf32>,
        %gather3A_1231 = tpu.vector_load_idx %arg10[%select_n3A_1050] : memref<64xf32, #tpu.memory_space<vmem>>[vector<16xi32>], vector<16xf32>,
        %gather3A_1232 = tpu.vector_load_idx %arg10[%select_n3A_1064] : memref<64xf32, #tpu.memory_space<vmem>>[vector<16xi32>], vector<16xf32>,
        %gather3A_1233 = tpu.vector_load_idx %arg10[%select_n3A_1078] : memref<64xf32, #tpu.memory_space<vmem>>[vector<16xi32>], vector<16xf32>,
        %gather3A_1234 = tpu.vector_load_idx %arg10[%select_n3A_1092] : memref<64xf32, #tpu.memory_space<vmem>>[vector<16xi32>], vector<16xf32>,
        %gather3A_1235 = tpu.vector_load_idx %arg10[%select_n3A_1106] : memref<64xf32, #tpu.memory_space<vmem>>[vector<16xi32>], vector<16xf32>,
        %gather3A_1236 = tpu.vector_load_idx %arg10[%select_n3A_1120] : memref<64xf32, #tpu.memory_space<vmem>>[vector<16xi32>], vector<16xf32>,
        %gather3A_1237 = tpu.vector_load_idx %arg10[%select_n3A_1134] : memref<64xf32, #tpu.memory_space<vmem>>[vector<16xi32>], vector<16xf32>,
        %gather3A_1238 = tpu.vector_load_idx %arg10[%select_n3A_1148] : memref<64xf32, #tpu.memory_space<vmem>>[vector<16xi32>], vector<16xf32>,
        %gather3A_1239 = tpu.vector_load_idx %arg10[%select_n3A_1162] : memref<64xf32, #tpu.memory_space<vmem>>[vector<16xi32>], vector<16xf32>,
        %gather3A_1240 = tpu.vector_load_idx %arg10[%select_n3A_1176] : memref<64xf32, #tpu.memory_space<vmem>>[vector<16xi32>], vector<16xf32>,
        %gather3A_1241 = tpu.vector_load_idx %arg10[%select_n3A_1190] : memref<64xf32, #tpu.memory_space<vmem>>[vector<16xi32>], vector<16xf32>,
        %gather3A_1242 = tpu.vector_load_idx %arg10[%select_n3A_1204] : memref<64xf32, #tpu.memory_space<vmem>>[vector<16xi32>], vector<16xf32>,
        %gather3A_1243 = tpu.vector_load_idx %arg10[%select_n3A_1218] : memref<64xf32, #tpu.memory_space<vmem>>[vector<16xi32>], vector<16xf32>,
        %add3A_1244 = arith.constant 0 : i32
        %add3A_1245 = arith.addi %mul3A_76, %add3A_1244 : i32
        %swap3A = arith.index_cast %add3A_1245 : i32 to index
        %swap3A_1246 = tpu.vector_load %arg12[%swap3A] {strides = array<i32>} : memref<40000xf32, #tpu.memory_space<vmem>>, vector<16xf32>,
        tpu.vector_store %arg12[%swap3A], %gather3A_1219 {strides = array<i32>} : memref<40000xf32, #tpu.memory_space<vmem>>, vector<16xf32>,
        %add3A_1247 = arith.constant 16 : i32
        %add3A_1248 = arith.addi %mul3A_76, %add3A_1247 : i32
        %swap3A_1249 = arith.index_cast %add3A_1248 : i32 to index
        %swap3A_1250 = tpu.vector_load %arg12[%swap3A_1249] {strides = array<i32>} : memref<40000xf32, #tpu.memory_space<vmem>>, vector<16xf32>,
        tpu.vector_store %arg12[%swap3A_1249], %gather3A_1220 {strides = array<i32>} : memref<40000xf32, #tpu.memory_space<vmem>>, vector<16xf32>,
        %add3A_1251 = arith.constant 32 : i32
        %add3A_1252 = arith.addi %mul3A_76, %add3A_1251 : i32
        %swap3A_1253 = arith.index_cast %add3A_1252 : i32 to index
        %swap3A_1254 = tpu.vector_load %arg12[%swap3A_1253] {strides = array<i32>} : memref<40000xf32, #tpu.memory_space<vmem>>, vector<16xf32>,
        tpu.vector_store %arg12[%swap3A_1253], %gather3A_1221 {strides = array<i32>} : memref<40000xf32, #tpu.memory_space<vmem>>, vector<16xf32>,
        %add3A_1255 = arith.constant 48 : i32
        %add3A_1256 = arith.addi %mul3A_76, %add3A_1255 : i32
        %swap3A_1257 = arith.index_cast %add3A_1256 : i32 to index
        %swap3A_1258 = tpu.vector_load %arg12[%swap3A_1257] {strides = array<i32>} : memref<40000xf32, #tpu.memory_space<vmem>>, vector<16xf32>,
        tpu.vector_store %arg12[%swap3A_1257], %gather3A_1222 {strides = array<i32>} : memref<40000xf32, #tpu.memory_space<vmem>>, vector<16xf32>,
        %add3A_1259 = arith.constant 64 : i32
        %add3A_1260 = arith.addi %mul3A_76, %add3A_1259 : i32
        %swap3A_1261 = arith.index_cast %add3A_1260 : i32 to index
        %swap3A_1262 = tpu.vector_load %arg12[%swap3A_1261] {strides = array<i32>} : memref<40000xf32, #tpu.memory_space<vmem>>, vector<16xf32>,
        tpu.vector_store %arg12[%swap3A_1261], %gather3A_1223 {strides = array<i32>} : memref<40000xf32, #tpu.memory_space<vmem>>, vector<16xf32>,
        %add3A_1263 = arith.constant 80 : i32
        %add3A_1264 = arith.addi %mul3A_76, %add3A_1263 : i32
        %swap3A_1265 = arith.index_cast %add3A_1264 : i32 to index
        %swap3A_1266 = tpu.vector_load %arg12[%swap3A_1265] {strides = array<i32>} : memref<40000xf32, #tpu.memory_space<vmem>>, vector<16xf32>,
        tpu.vector_store %arg12[%swap3A_1265], %gather3A_1224 {strides = array<i32>} : memref<40000xf32, #tpu.memory_space<vmem>>, vector<16xf32>,
        %add3A_1267 = arith.constant 96 : i32
        %add3A_1268 = arith.addi %mul3A_76, %add3A_1267 : i32
        %swap3A_1269 = arith.index_cast %add3A_1268 : i32 to index
        %swap3A_1270 = tpu.vector_load %arg12[%swap3A_1269] {strides = array<i32>} : memref<40000xf32, #tpu.memory_space<vmem>>, vector<16xf32>,
        tpu.vector_store %arg12[%swap3A_1269], %gather3A_1225 {strides = array<i32>} : memref<40000xf32, #tpu.memory_space<vmem>>, vector<16xf32>,
        %add3A_1271 = arith.constant 112 : i32
        %add3A_1272 = arith.addi %mul3A_76, %add3A_1271 : i32
        %swap3A_1273 = arith.index_cast %add3A_1272 : i32 to index
        %swap3A_1274 = tpu.vector_load %arg12[%swap3A_1273] {strides = array<i32>} : memref<40000xf32, #tpu.memory_space<vmem>>, vector<16xf32>,
        tpu.vector_store %arg12[%swap3A_1273], %gather3A_1226 {strides = array<i32>} : memref<40000xf32, #tpu.memory_space<vmem>>, vector<16xf32>,
        %add3A_1275 = arith.constant 128 : i32
        %add3A_1276 = arith.addi %mul3A_76, %add3A_1275 : i32
        %swap3A_1277 = arith.index_cast %add3A_1276 : i32 to index
        %swap3A_1278 = tpu.vector_load %arg12[%swap3A_1277] {strides = array<i32>} : memref<40000xf32, #tpu.memory_space<vmem>>, vector<16xf32>,
        tpu.vector_store %arg12[%swap3A_1277], %gather3A_1227 {strides = array<i32>} : memref<40000xf32, #tpu.memory_space<vmem>>, vector<16xf32>,
        %add3A_1279 = arith.constant 144 : i32
        %add3A_1280 = arith.addi %mul3A_76, %add3A_1279 : i32
        %swap3A_1281 = arith.index_cast %add3A_1280 : i32 to index
        %swap3A_1282 = tpu.vector_load %arg12[%swap3A_1281] {strides = array<i32>} : memref<40000xf32, #tpu.memory_space<vmem>>, vector<16xf32>,
        tpu.vector_store %arg12[%swap3A_1281], %gather3A_1228 {strides = array<i32>} : memref<40000xf32, #tpu.memory_space<vmem>>, vector<16xf32>,
        %add3A_1283 = arith.constant 160 : i32
        %add3A_1284 = arith.addi %mul3A_76, %add3A_1283 : i32
        %swap3A_1285 = arith.index_cast %add3A_1284 : i32 to index
        %swap3A_1286 = tpu.vector_load %arg12[%swap3A_1285] {strides = array<i32>} : memref<40000xf32, #tpu.memory_space<vmem>>, vector<16xf32>,
        tpu.vector_store %arg12[%swap3A_1285], %gather3A_1229 {strides = array<i32>} : memref<40000xf32, #tpu.memory_space<vmem>>, vector<16xf32>,
        %add3A_1287 = arith.constant 176 : i32
        %add3A_1288 = arith.addi %mul3A_76, %add3A_1287 : i32
        %swap3A_1289 = arith.index_cast %add3A_1288 : i32 to index
        %swap3A_1290 = tpu.vector_load %arg12[%swap3A_1289] {strides = array<i32>} : memref<40000xf32, #tpu.memory_space<vmem>>, vector<16xf32>,
        tpu.vector_store %arg12[%swap3A_1289], %gather3A_1230 {strides = array<i32>} : memref<40000xf32, #tpu.memory_space<vmem>>, vector<16xf32>,
        %add3A_1291 = arith.constant 192 : i32
        %add3A_1292 = arith.addi %mul3A_76, %add3A_1291 : i32
        %swap3A_1293 = arith.index_cast %add3A_1292 : i32 to index
        %swap3A_1294 = tpu.vector_load %arg12[%swap3A_1293] {strides = array<i32>} : memref<40000xf32, #tpu.memory_space<vmem>>, vector<16xf32>,
        tpu.vector_store %arg12[%swap3A_1293], %gather3A_1231 {strides = array<i32>} : memref<40000xf32, #tpu.memory_space<vmem>>, vector<16xf32>,
        %add3A_1295 = arith.constant 208 : i32
        %add3A_1296 = arith.addi %mul3A_76, %add3A_1295 : i32
        %swap3A_1297 = arith.index_cast %add3A_1296 : i32 to index
        %swap3A_1298 = tpu.vector_load %arg12[%swap3A_1297] {strides = array<i32>} : memref<40000xf32, #tpu.memory_space<vmem>>, vector<16xf32>,
        tpu.vector_store %arg12[%swap3A_1297], %gather3A_1232 {strides = array<i32>} : memref<40000xf32, #tpu.memory_space<vmem>>, vector<16xf32>,
        %add3A_1299 = arith.constant 224 : i32
        %add3A_1300 = arith.addi %mul3A_76, %add3A_1299 : i32
        %swap3A_1301 = arith.index_cast %add3A_1300 : i32 to index
        %swap3A_1302 = tpu.vector_load %arg12[%swap3A_1301] {strides = array<i32>} : memref<40000xf32, #tpu.memory_space<vmem>>, vector<16xf32>,
        tpu.vector_store %arg12[%swap3A_1301], %gather3A_1233 {strides = array<i32>} : memref<40000xf32, #tpu.memory_space<vmem>>, vector<16xf32>,
        %add3A_1303 = arith.constant 240 : i32
        %add3A_1304 = arith.addi %mul3A_76, %add3A_1303 : i32
        %swap3A_1305 = arith.index_cast %add3A_1304 : i32 to index
        %swap3A_1306 = tpu.vector_load %arg12[%swap3A_1305] {strides = array<i32>} : memref<40000xf32, #tpu.memory_space<vmem>>, vector<16xf32>,
        tpu.vector_store %arg12[%swap3A_1305], %gather3A_1234 {strides = array<i32>} : memref<40000xf32, #tpu.memory_space<vmem>>, vector<16xf32>,
        %add3A_1307 = arith.constant 256 : i32
        %add3A_1308 = arith.addi %mul3A_76, %add3A_1307 : i32
        %swap3A_1309 = arith.index_cast %add3A_1308 : i32 to index
        %swap3A_1310 = tpu.vector_load %arg12[%swap3A_1309] {strides = array<i32>} : memref<40000xf32, #tpu.memory_space<vmem>>, vector<16xf32>,
        tpu.vector_store %arg12[%swap3A_1309], %gather3A_1235 {strides = array<i32>} : memref<40000xf32, #tpu.memory_space<vmem>>, vector<16xf32>,
        %add3A_1311 = arith.constant 272 : i32
        %add3A_1312 = arith.addi %mul3A_76, %add3A_1311 : i32
        %swap3A_1313 = arith.index_cast %add3A_1312 : i32 to index
        %swap3A_1314 = tpu.vector_load %arg12[%swap3A_1313] {strides = array<i32>} : memref<40000xf32, #tpu.memory_space<vmem>>, vector<16xf32>,
        tpu.vector_store %arg12[%swap3A_1313], %gather3A_1236 {strides = array<i32>} : memref<40000xf32, #tpu.memory_space<vmem>>, vector<16xf32>,
        %add3A_1315 = arith.constant 288 : i32
        %add3A_1316 = arith.addi %mul3A_76, %add3A_1315 : i32
        %swap3A_1317 = arith.index_cast %add3A_1316 : i32 to index
        %swap3A_1318 = tpu.vector_load %arg12[%swap3A_1317] {strides = array<i32>} : memref<40000xf32, #tpu.memory_space<vmem>>, vector<16xf32>,
        tpu.vector_store %arg12[%swap3A_1317], %gather3A_1237 {strides = array<i32>} : memref<40000xf32, #tpu.memory_space<vmem>>, vector<16xf32>,
        %add3A_1319 = arith.constant 304 : i32
        %add3A_1320 = arith.addi %mul3A_76, %add3A_1319 : i32
        %swap3A_1321 = arith.index_cast %add3A_1320 : i32 to index
        %swap3A_1322 = tpu.vector_load %arg12[%swap3A_1321] {strides = array<i32>} : memref<40000xf32, #tpu.memory_space<vmem>>, vector<16xf32>,
        tpu.vector_store %arg12[%swap3A_1321], %gather3A_1238 {strides = array<i32>} : memref<40000xf32, #tpu.memory_space<vmem>>, vector<16xf32>,
        %add3A_1323 = arith.constant 320 : i32
        %add3A_1324 = arith.addi %mul3A_76, %add3A_1323 : i32
        %swap3A_1325 = arith.index_cast %add3A_1324 : i32 to index
        %swap3A_1326 = tpu.vector_load %arg12[%swap3A_1325] {strides = array<i32>} : memref<40000xf32, #tpu.memory_space<vmem>>, vector<16xf32>,
        tpu.vector_store %arg12[%swap3A_1325], %gather3A_1239 {strides = array<i32>} : memref<40000xf32, #tpu.memory_space<vmem>>, vector<16xf32>,
        %add3A_1327 = arith.constant 336 : i32
        %add3A_1328 = arith.addi %mul3A_76, %add3A_1327 : i32
        %swap3A_1329 = arith.index_cast %add3A_1328 : i32 to index
        %swap3A_1330 = tpu.vector_load %arg12[%swap3A_1329] {strides = array<i32>} : memref<40000xf32, #tpu.memory_space<vmem>>, vector<16xf32>,
        tpu.vector_store %arg12[%swap3A_1329], %gather3A_1240 {strides = array<i32>} : memref<40000xf32, #tpu.memory_space<vmem>>, vector<16xf32>,
        %add3A_1331 = arith.constant 352 : i32
        %add3A_1332 = arith.addi %mul3A_76, %add3A_1331 : i32
        %swap3A_1333 = arith.index_cast %add3A_1332 : i32 to index
        %swap3A_1334 = tpu.vector_load %arg12[%swap3A_1333] {strides = array<i32>} : memref<40000xf32, #tpu.memory_space<vmem>>, vector<16xf32>,
        tpu.vector_store %arg12[%swap3A_1333], %gather3A_1241 {strides = array<i32>} : memref<40000xf32, #tpu.memory_space<vmem>>, vector<16xf32>,
        %add3A_1335 = arith.constant 368 : i32
        %add3A_1336 = arith.addi %mul3A_76, %add3A_1335 : i32
        %swap3A_1337 = arith.index_cast %add3A_1336 : i32 to index
        %swap3A_1338 = tpu.vector_load %arg12[%swap3A_1337] {strides = array<i32>} : memref<40000xf32, #tpu.memory_space<vmem>>, vector<16xf32>,
        tpu.vector_store %arg12[%swap3A_1337], %gather3A_1242 {strides = array<i32>} : memref<40000xf32, #tpu.memory_space<vmem>>, vector<16xf32>,
        %add3A_1339 = arith.constant 384 : i32
        %add3A_1340 = arith.addi %mul3A_76, %add3A_1339 : i32
        %swap3A_1341 = arith.index_cast %add3A_1340 : i32 to index
        %swap3A_1342 = tpu.vector_load %arg12[%swap3A_1341] {strides = array<i32>} : memref<40000xf32, #tpu.memory_space<vmem>>, vector<16xf32>,
        tpu.vector_store %arg12[%swap3A_1341], %gather3A_1243 {strides = array<i32>} : memref<40000xf32, #tpu.memory_space<vmem>>, vector<16xf32>,
      }
      %scan3A_64 = arith.constant 100 : i32
      %add3A_65 = arith.addi %mul3A_2, %mul3A_32 : i32
      %add3A_66 = arith.constant 1 : i32
      %add3A_67 = arith.addi %add3A_65, %add3A_66 : i32
      %dma_start3A_68 = arith.constant 0 : i32
      %dma_start3A_69 = tpu.memref_slice %arg6[%add3A_67, %dma_start3A_68] : memref<1024x40000xf32, #tpu.memory_space<hbm>> -> memref<1x40000xf32, #tpu.memory_space<hbm>>
      %dma_start3A_70 = tpu.memref_squeeze %dma_start3A_69 : memref<1x40000xf32, #tpu.memory_space<hbm>> -> memref<40000xf32, #tpu.memory_space<hbm>>
      %dma_start3A_71 = arith.constant 0 : i32
      %dma_start3A_72 = tpu.memref_slice %arg6[%add3A_67, %dma_start3A_71] : memref<1024x40000xf32, #tpu.memory_space<hbm>> -> memref<1x40000xf32, #tpu.memory_space<hbm>>
      %dma_start3A_73 = tpu.memref_squeeze %dma_start3A_72 : memref<1x40000xf32, #tpu.memory_space<hbm>> -> memref<40000xf32, #tpu.memory_space<hbm>>
      tpu.enqueue_dma source(%arg12 : memref<40000xf32, #tpu.memory_space<vmem>>) target(%dma_start3A_73 : memref<40000xf32, #tpu.memory_space<hbm>>) target_semaphore(%arg14 : memref<!tpu.dma_semaphore, #tpu.memory_space<semaphore_mem>>)
    }
    %scan3A_11 = arith.constant 16 : i32
    %add3A_12 = arith.constant 32 : i32
    %add3A_13 = arith.addi %mul3A_2, %add3A_12 : i32
    %sub3A = arith.constant 2 : i32
    %sub3A_14 = arith.subi %add3A_13, %sub3A : i32
    %dma_wait3A = arith.constant 0 : i32
    %dma_wait3A_15 = tpu.memref_slice %arg6[%sub3A_14, %dma_wait3A] : memref<1024x40000xf32, #tpu.memory_space<hbm>> -> memref<1x40000xf32, #tpu.memory_space<hbm>>
    %dma_wait3A_16 = tpu.memref_squeeze %dma_wait3A_15 : memref<1x40000xf32, #tpu.memory_space<hbm>> -> memref<40000xf32, #tpu.memory_space<hbm>>
    %dma_wait3A_17 = arith.constant 0 : i32
    %dma_wait3A_18 = tpu.memref_slice %arg6[%sub3A_14, %dma_wait3A_17] : memref<1024x40000xf32, #tpu.memory_space<hbm>> -> memref<1x40000xf32, #tpu.memory_space<hbm>>
    %dma_wait3A_19 = tpu.memref_squeeze %dma_wait3A_18 : memref<1x40000xf32, #tpu.memory_space<hbm>> -> memref<40000xf32, #tpu.memory_space<hbm>>
    tpu.wait_dma2 semaphore(%arg13 : memref<!tpu.dma_semaphore, #tpu.memory_space<semaphore_mem>>) src(%arg11 : memref<40000xf32, #tpu.memory_space<vmem>>) dst(%dma_wait3A_19 : memref<40000xf32, #tpu.memory_space<hbm>>)
    %add3A_20 = arith.constant 32 : i32
    %add3A_21 = arith.addi %mul3A_2, %add3A_20 : i32
    %sub3A_22 = arith.constant 1 : i32
    %sub3A_23 = arith.subi %add3A_21, %sub3A_22 : i32
    %dma_wait3A_24 = arith.constant 0 : i32
    %dma_wait3A_25 = tpu.memref_slice %arg6[%sub3A_23, %dma_wait3A_24] : memref<1024x40000xf32, #tpu.memory_space<hbm>> -> memref<1x40000xf32, #tpu.memory_space<hbm>>
    %dma_wait3A_26 = tpu.memref_squeeze %dma_wait3A_25 : memref<1x40000xf32, #tpu.memory_space<hbm>> -> memref<40000xf32, #tpu.memory_space<hbm>>
    %dma_wait3A_27 = arith.constant 0 : i32
    %dma_wait3A_28 = tpu.memref_slice %arg6[%sub3A_23, %dma_wait3A_27] : memref<1024x40000xf32, #tpu.memory_space<hbm>> -> memref<1x40000xf32, #tpu.memory_space<hbm>>
    %dma_wait3A_29 = tpu.memref_squeeze %dma_wait3A_28 : memref<1x40000xf32, #tpu.memory_space<hbm>> -> memref<40000xf32, #tpu.memory_space<hbm>>
    tpu.wait_dma2 semaphore(%arg14 : memref<!tpu.dma_semaphore, #tpu.memory_space<semaphore_mem>>) src(%arg12 : memref<40000xf32, #tpu.memory_space<vmem>>) dst(%dma_wait3A_29 : memref<40000xf32, #tpu.memory_space<hbm>>)
    return
  }
}

</mosaic_0001>

<sc_bundles>
// kernel: kernel.3.cloned.1.call-start
scs
__scs_entry_jumppad:
0x0: {  	(pc) =	sbr.rel $0x88, $3  }
0x1: {  	(tag) =	ssettag $0x0;
	lr =	simm.s32 $0x1  }
0x2: {  	[smem:$0x3F9D] =	sst lr;
	_ =	strace $0xD0000000  }
0x3: {  	_ = 	snop  }
0x4: {  	_ = 	snop  }
0x5: {  	_ = 	snop  }
0x6: {  	_ = 	snop  }
0x7: {  	_ = 	snop  }
__scs_overlays_trampoline_lowered:
0x8: {  	[smem:$0x3FAC] =	sst s0  }
0x9: {  	[smem:$0x3FAD] =	sst s1  }
0xa: {  	[smem:$0x3FAE] =	sst s2  }
0xb: {  	[smem:$0x3FAF] =	sst s3  }
0xc: {  	[smem:$0x3FB0] =	sst s4  }
0xd: {  	[smem:$0x3FB1] =	sst s5  }
0xe: {  	[smem:$0x3FB2] =	sst s6  }
0xf: {  	[smem:$0x3FB3] =	sst s7  }
0x10: {  	[smem:$0x3FB4] =	sst s8  }
0x11: {  	[smem:$0x3FB5] =	sst s9;
	s0 =	simm.s32 @!p0 $0x0  }
0x12: {  	s1 =	sld [smem:$0x3F9B];
	s0 =	simm.s32 @p0 $0x1  }
0x13: {  	[smem:$0x3FB6] =	sst s0;
	s0 =	simm.s32 @!p1 $0x0  }
0x14: {  	s2 =	sld [smem:$0x3F9A];
	s0 =	simm.s32 @p1 $0x1  }
0x15: {  	[smem:$0x3FB7] =	sst s0;
	s0 =	simm.s32 @!p2 $0x0  }
0x16: {  	s3 =	sld [smem:$0x3FDB];
	s0 =	simm.s32 @p2 $0x1  }
0x17: {  	s4 =	simm.s32 $0x1BF5;
	[smem:$0x3FB9] =	sst s0  }
0x18: {  	s0 =	sld [smem:$0x3F9C];
	_ =	swait.ge [sflag:s4], $0x0  }
0x19: {  	s7 =	sld [smem:$0x3F9D]  }
0x1a: {  	s8 =	sadd.s32 $0xFFFFE003, lr  }
0x1b: {  	s9 =	sadd.s32 $0xFFFFFEF7, lr;
	s5 =	simm.s32 $0xFFFFFFFF;
	p2 =	slt.u32 s8, $0xFFFFF086  }
0x1c: {  	p1 =	slt.u32 s9, $0xF7A;
	s5 =	simm.s32 @!p2 $0x0  }
0x1d: {  	s5 =	simm.s32 @p1 $0x1;
	p0 =	seq.s32 s7, s2  }
0x1e: {  	s7 =	smul.u32 @!p0 $0xF7A, s2;
	p2 =	seq.s32 @!p0 s5, $0x0  }
0x1f: {  	s9 =	smul.u32 $0xF7A, s1;
	s8 =	simm.s32 @!p0 $0x1BF5;
	p2 =	por !p2, p0  }
0x20: {  	[sflag:s8] =	ssyncset.s32 @!p0 $0xFFFFF086;
	s6 =	sadd.s32 @!p0 s3, s7;
	s7 =	simm.s32 @!p0 $0x108  }
0x21: {  	s3 =	sadd.s32 s3, s9;
	s6 =	sadd.s32 @!p0 $0x88, s6;
	s7 =	simm.s32 @p2 $0x1082  }
0x22: {  	[simem:s7], [sflag:s8] =	dma.local @!p0 [hbm:s6], $0xF7A  }
0x23: {  	s9 =	sor.u32 $0xD0000000, s2;
	s6 =	simm.s32 $0x108;
	_ =	swait.ge @!p0 [sflag:s8], $0x0  }
0x24: {  	s3 =	sadd.s32 $0x88, s3;
	s6 =	simm.s32 @!p1 $0x1082;
	[sflag:s4] =	ssyncset.s32 $0xFFFFF086  }
0x25: {  	[simem:s6], [sflag:s4] =	dma.local [hbm:s3], $0xF7A  }
0x26: {  	[smem:$0x3F9D] =	sst s1;
	(tag) =	ssettag s2;
	_ =	strace s9  }
0x27: {  	s1 =	sld [smem:$0x3FAD]  }
0x28: {  	s2 =	sld [smem:$0x3FAE]  }
0x29: {  	s4 =	sld [smem:$0x3FB0]  }
0x2a: {  	p0 =	seq.s32 s5, $0x0;
	s5 =	sld [smem:$0x3FB1]  }
0x2b: {  	s6 =	sld [smem:$0x3FB2]  }
0x2c: {  	s7 =	sld [smem:$0x3FB3]  }
0x2d: {  	s3 =	simm.s32 $0x108;
	s8 =	sld [smem:$0x3FB4]  }
0x2e: {  	s3 =	simm.s32 @!p0 $0x1082;
	s9 =	sld [smem:$0x3FB5]  }
0x2f: {  	lr =	sadd.s32 s0, s3;
	s0 =	sld [smem:$0x3FAC]  }
0x30: {  	s3 =	sld [smem:$0x3FAF]  }
0x31: {  	[smem:$0x3FB8] =	sst s10  }
0x32: {  	s10 =	sld [smem:$0x3FB6];
	_ =	sdelay $0x3  }
0x33: {  	p0 =	seq.s32 s10, $0x1;
	s10 =	sld [smem:$0x3FB8];
	_ =	sdelay $0x3  }
0x34: {  	[smem:$0x3FB8] =	sst s10  }
0x35: {  	s10 =	sld [smem:$0x3FB7];
	_ =	sdelay $0x3  }
0x36: {  	p1 =	seq.s32 s10, $0x1;
	s10 =	sld [smem:$0x3FB8];
	_ =	sdelay $0x3  }
0x37: {  	[smem:$0x3FB8] =	sst s10  }
0x38: {  	s10 =	sld [smem:$0x3FB9]  }
0x39: {  	_ = 	snop;
	(pc) =	sbr.ind lr, $3  }
0x3a: {  	_ = 	snop  }
0x3b: {  	_ = 	snop  }
0x3c: {  	p2 =	seq.s32 s10, $0x1;
	s10 =	sld [smem:$0x3FB8]  }
0x3d: {  	_ =	shalt  }
0x3e: {  	_ =	shalt  }
0x3f: {  	_ =	shalt  }
0x40: {  	_ =	shalt  }
0x41: {  	_ =	shalt  }
0x42: {  	_ =	shalt  }
0x43: {  	_ =	shalt  }
0x44: {  	_ =	shalt  }
0x45: {  	_ =	shalt  }
0x46: {  	_ =	shalt  }
0x47: {  	_ =	shalt  }
0x48: {  	_ =	shalt  }
0x49: {  	_ =	shalt  }
0x4a: {  	_ =	shalt  }
0x4b: {  	_ =	shalt  }
0x4c: {  	_ =	shalt  }
0x4d: {  	_ =	shalt  }
0x4e: {  	_ =	shalt  }
0x4f: {  	_ =	shalt  }
0x50: {  	_ =	shalt  }
0x51: {  	_ =	shalt  }
0x52: {  	_ =	shalt  }
0x53: {  	_ =	shalt  }
0x54: {  	_ =	shalt  }
0x55: {  	_ =	shalt  }
0x56: {  	_ =	shalt  }
0x57: {  	_ =	shalt  }
0x58: {  	_ =	shalt  }
0x59: {  	_ =	shalt  }
0x5a: {  	_ =	shalt  }
0x5b: {  	_ =	shalt  }
0x5c: {  	_ =	shalt  }
0x5d: {  	_ =	shalt  }
0x5e: {  	_ =	shalt  }
0x5f: {  	_ =	shalt  }
0x60: {  	_ =	shalt  }
0x61: {  	_ =	shalt  }
0x62: {  	_ =	shalt  }
0x63: {  	_ =	shalt  }
0x64: {  	_ =	shalt  }
0x65: {  	_ =	shalt  }
0x66: {  	_ =	shalt  }
0x67: {  	_ =	shalt  }
0x68: {  	_ =	shalt  }
0x69: {  	_ =	shalt  }
0x6a: {  	_ =	shalt  }
0x6b: {  	_ =	shalt  }
0x6c: {  	_ =	shalt  }
0x6d: {  	_ =	shalt  }
0x6e: {  	_ =	shalt  }
0x6f: {  	_ =	shalt  }
0x70: {  	_ =	shalt  }
0x71: {  	_ =	shalt  }
0x72: {  	_ =	shalt  }
0x73: {  	_ =	shalt  }
0x74: {  	_ =	shalt  }
0x75: {  	_ =	shalt  }
0x76: {  	_ =	shalt  }
0x77: {  	_ =	shalt  }
0x78: {  	_ =	shalt  }
0x79: {  	_ =	shalt  }
0x7a: {  	_ =	shalt  }
0x7b: {  	_ =	shalt  }
0x7c: {  	_ =	shalt  }
0x7d: {  	_ =	shalt  }
0x7e: {  	_ =	shalt  }
0x7f: {  	_ =	shalt  }
0x80: {  	_ =	shalt  }
0x81: {  	_ =	shalt  }
0x82: {  	_ =	shalt  }
0x83: {  	_ =	shalt  }
0x84: {  	_ =	shalt  }
0x85: {  	_ =	shalt  }
0x86: {  	_ =	shalt  }
0x87: {  	_ =	shalt  }
.Lfunc_end0:
.L_simem_size_0:
called_computation_lowered:
.L_overlay_start_0:
0x88: {  	s2 =	sld [smem:$0x3FD9]  }
0x89: {  	s3 =	sld [smem:$0x3FFE];
	_ =	sdelay $0x1  }
0x8a: {  	s1 =	srdreg.scid  }
0x8b: {  	s0 =	sand.u32 $0x1, s1  }
0x8c: {  	s17 =	sshll.u32 s0, $0xA;
	s2 =	sadd.s32 s3, s2  }
0x8d: {  	s2 =	sadd.s32 s2, s17  }
0x8e: {  	[smem:$0x3FC4] =	sst s2  }
0x8f: {  	_ = 	snop  }
0x90: {  	s2 =	sld [smem:$0x3FC7]  }
0x91: {  	s18 =	sld [smem:$0x3FD0];
	(tm) =	ssettm $0x1  }
0x92: {  	s4 =	sld [smem:$0x3FFB];
	_ =	sdelay $0x3  }
0x93: {  	_ =	strace s4  }
0x94: {  	s4 =	sld [smem:$0x3FFC];
	_ =	sdelay $0x3  }
0x95: {  	_ =	strace s4  }
0x96: {  	s4 =	sld [smem:$0x3FFD];
	_ =	sdelay $0x3  }
0x97: {  	_ =	strace s4  }
0x98: {  	_ =	strace $0x8FFFFFFF  }
0x99: {  	s19 =	sld [smem:$0x3FDB];
	_ =	sdelay $0x1  }
0x9a: {  	s5 =	simm.s32 $_scs_section_size  }
0x9b: {  	s6 =	simm.s32 $_size__tile_overlayer_lowered;
	s7 =	simm.s32 $_tile_overlayer_lowered  }
0x9c: {  	s22 =	simm.s32 $0x1BFF;
	s21 =	sshll.u32 s7, $0x1;
	s4 =	sadd.s32 s5, s19  }
0x9d: {  	s8 =	simm.s32 $0x0;
	s20 =	sshll.u32 s6, $0x1;
	s6 =	sadd.s32 s21, s4  }
0x9e: {  	[timem:s8], [sflag:s22] =	dma.local [hbm:s6], s20  }
0x9f: {  	_ =	swait.ge [sflag:s22], s20  }
0xa0: {  	s5 =	ssub.s32 $0x0, s20;
	[sflag:s22] =	ssyncset.done $0x0  }
0xa1: {  	[sflag:s22] =	ssyncadd.s32 s5;
	_ =	sdelay $0x1  }
0xa2: {  	s23 =	simm.s32 $0x1B8B  }
0xa3: {  	_ =	swait.ge [sflag:s23], $0x1  }
0xa4: {  	[sflag:s23] =	ssyncset.done $0x0  }
0xa5: {  	s25 =	simm.s32 $0x1B8E;
	s24 =	sld [smem:$0x3FFE];
	[sflag:s23] =	ssyncadd.s32 $0xFFFFFFFF  }
0xa6: {  	s26 =	simm.s32 $execute0_lowered;
	[smem:$0x3FD2] =	sst s25  }
0xa7: {  	s6 =	sshll.u32 s26, $0x1;
	_ =	strace $0x80000046;
	[dreg:$0x1] =	wrdreg $0xFFFFFFFF  }
0xa8: {  	s28 =	simm.s32 $_size_execute0_lowered;
	s4 =	sadd.s32 s4, s6;
	[dreg:$0x0] =	wrdreg $0x0  }
0xa9: {  	s6 =	sshll.u32 s28, $0x1;
	[dreg:$0x2] =	wrdreg s4  }
0xaa: {  	[dreg:$0x3] =	wrdreg s6  }
0xab: {  	[dreg:$0x4] =	wrdreg $0xC0  }
0xac: {  	_ =	task [dreg:s8], $0x5FFFF  }
0xad: {  	[dreg:$0x1] =	wrdreg $0xFFFFFFFF  }
0xae: {  	[dreg:$0x0] =	wrdreg $0x60  }
0xaf: {  	[dreg:$0x2] =	wrdreg s18  }
0xb0: {  	[dreg:$0x3] =	wrdreg s24  }
0xb1: {  	[dreg:$0x4] =	wrdreg s2  }
0xb2: {  	[dreg:$0x5] =	wrdreg $0x9  }
0xb3: {  	_ =	task.clear_ibuf [dreg:s8], $0x6FFFF;
	_ =	strace $0x90000046  }
0xb4: {  	s29 =	simm.s32 $0x9;
	_ =	strace $0x80000048  }
0xb5: {  	_ =	swait.ge [sflag:s29], $0x1  }
0xb6: {  	[sflag:s29] =	ssyncadd.s32 $0xFFFFFFFF  }
0xb7: {  	_ =	strace $0x90000048  }
0xb8: {  	_ =	sfence  }
0xb9: {  	s30 =	sld [smem:$0x0];
	_ =	sdelay $0x2  }
0xba: {  	s31 =	sshll.u32 s1, $0xD;
	s1 =	sshrl.u32 s1, $0x2  }
0xbb: {  	s3 =	sand.u32 $0x4000, s31;
	s1 =	sadd.s32 s1, s30  }
0xbc: {  	s0 =	sor.u32 s3, s0;
	s1 =	sshll.u32 s1, $0x11  }
0xbd: {  	s0 =	sor.u32 s1, s0  }
0xbe: {  	s0 =	sadd.s32 $0x8F2B, s0  }
0xbf: {  	[sflag:s0] =	ssyncadd.remote.s32 $0x1  }
0xc0: {  	_ =	sfence.sel $0xFFFF  }
0xc1: {  	[dreg:$0x0] =	wrdreg $0xFFFFFFFF;
	(pc) =	sbr.abs _section_cstart, $3  }
0xc2: {  	[dreg:$0x1] =	wrdreg $0xFFFFFFFF  }
0xc3: {  	_ =	task.clear_ibuf [dreg:s8], $0x2FFFF;
	_ =	strace $0x9FFFFFFF  }
0xc4: {  	(tm) =	ssettm $0x7FFFFFFF  }
0xc5: {  	_ =	shalt  }
tec
execute0_lowered:
.L_overlay_start_1:
0x0: {  	(tag) =	ssettag $0x1  }
0x1: {  	s7 =	rddreg [dreg:$0x0];
	s1 =	srdreg.scid  }
0x2: {  	s0 =	stileid.u32;
	s5 =	rddreg [dreg:$0x1]  }
0x3: {  	s2 =	rddreg [dreg:$0x2];
	s3 =	simm.s32 $0x0;
	s12 =	simm.s32 $0x3200  }
0x4: {  	s13 =	simm.s32 $0x3300;
	s14 =	simm.s32 $0x80;
	s15 =	simm.s32 $0x400  }
0x5: {  	s16 =	simm.s32 $0x3380;
	s17 =	simm.s32 $0xD000;
	s18 =	simm.s32 $0x1  }
0x6: {  	s19 =	simm.s32 $0x2;
	s4 =	sand.u32 $0x1, s1;
	s1 =	rddreg [dreg:$0x3]  }
0x7: {  	s20 =	simm.s32 $0x0;
	s31 =	sshll.u32 s0, $0x1;
	[smem:$0x7FF] =	sst s3  }
0x8: {  	s6 =	sor.u32 s4, s31;
	s9 =	ssub.s32 $0x2, s4;
	_ =	strace $0x80000047  }
0x9: {  	s4 =	sadd.s32 $0x800, s5;
	s8 =	smul.u32 $0x320, s6;
	s11 =	sshrl.u32 s9, $0x1  }
0xa: {  	s6 =	sshll.u32 s6, $0x5;
	s9 =	ssub.s32 s9, s11;
	s11 =	simm.s32 $0x1900  }
0xb: {  	s10 =	sadd.s32 s8, s5;
	s5 =	sadd.s32 $0x6E00, s5;
	s7 =	sadd.s32 s7, s8  }
0xc: {  	v0 =	vlaneseq.u32;
	v1 =	vimm.s32 $0x0;
	s9 =	smax.u32 s9, $0x1;
	s8 =	sadd.s32 $0xA00, s10;
	s10 =	simm.s32 $0x3  }
.LBB2_1:
0xd: {  	[tilespmem:s3], [sflag:$0x3] =	stream.linear.gather [hbm4b:s7+s3], $0x1900, $0x38;
	[tilespmem:$0x16C80] =	vst v63  }
0xe: {  	_ =	swait.ge [sflag:s10], $0x1900  }
0xf: {  	[sflag:s10] =	ssyncset.done $0x0  }
0x10: {  	[sflag:s10] =	ssyncadd.s32 $0xFFFFE700  }
0x11: {  	[tilespmem:s11], [sflag:$0x3] =	stream.linear.gather [hbm4b:s8+s3], $0x1900, $0x38;
	[tilespmem:$0x16C80] =	vst v63  }
0x12: {  	_ =	swait.ge [sflag:s10], $0x1900  }
0x13: {  	[sflag:s10] =	ssyncset.done $0x0  }
0x14: {  	[sflag:s10] =	ssyncadd.s32 $0xFFFFE700  }
0x15: {  	[tilespmem:s12], [sflag:$0x3] =	stream.linear.gather [hbm4b:s4+s3], $0x100, $0x38;
	[tilespmem:$0x16C80] =	vst v63  }
0x16: {  	_ =	swait.ge [sflag:s10], $0x100  }
0x17: {  	[sflag:s10] =	ssyncset.done $0x0  }
0x18: {  	[sflag:s10] =	ssyncadd.s32 $0xFFFFFF00  }
0x19: {  	[tilespmem:s13], [sflag:$0x3] =	stream.linear.gather [hbm4b:s2+s3], $0x80, $0x38;
	[tilespmem:$0x16C80] =	vst v63  }
0x1a: {  	_ =	swait.ge [sflag:s10], $0x80  }
0x1b: {  	[sflag:s10] =	ssyncset.done $0x0  }
0x1c: {  	s21 =	simm.s32 $0x0;
	[sflag:s10] =	ssyncadd.s32 $0xFFFFFF80  }
.LBB2_2:
0x1d: {  	p0 =	seq.s32 s21, $0x0  }
0x1e: {  	s24 =	simm.s32 @!p0 $0x1  }
0x1f: {  	s22 =	smul.u32 $0x190, s21;
	_ =	swait.ge @!p0 [sflag:s24], $0x9C80  }
0x20: {  	s23 =	sshll.u32 s21, $0x1;
	[sflag:s24] =	ssyncset.done @!p0 $0x0  }
0x21: {  	s25 =	simm.s32 $0x3440;
	v2 =	vmov s22;
	[sflag:s24] =	ssyncadd.s32 @!p0 $0xFFFF6380;
	s24 =	simm.s32 $0x0  }
.LBB2_3:
0x22: {  	s26 =	sadd.s32 $0x10, s24  }
0x23: {  	v27 =	vor.u32 s24, v0;
	s28 =	sadd.s32 $0x20, s24;
	s29 =	sadd.s32 $0x30, s24;
	s31 =	sadd.s32 $0x50, s24;
	v28 =	vor.u32 s26, v0  }
0x24: {  	s30 =	sadd.s32 $0x60, s24;
	v29 =	vor.u32 s28, v0;
	v30 =	vor.u32 s29, v0;
	v32 =	vor.u32 s31, v0  }
0x25: {  	s26 =	sadd.s32 $0x40, s24;
	v33 =	vor.u32 s30, v0;
	s31 =	sadd.s32 $0x70, s24;
	s30 =	sadd.s32 $0x90, s24;
	v3 =	vmul.u32 $0x28F6, v27;
	v27 =	vadd.s32 v2, v27  }
0x26: {  	s28 =	sadd.s32 $0xA0, s24;
	s29 =	sadd.s32 $0xE0, s24;
	v31 =	vor.u32 s26, v0;
	v34 =	vor.u32 s31, v0;
	v36 =	vor.u32 s30, v0  }
0x27: {  	v37 =	vor.u32 s28, v0;
	v26 =	vor.u32 s29, v0;
	v4 =	vmul.u32 $0x28F6, v29  }
0x28: {  	s26 =	sadd.s32 $0x80, s24;
	v5 =	vmul.u32 $0x28F6, v30;
	v7 =	vmul.u32 $0x28F6, v33;
	v29 =	vadd.s32 v2, v29  }
0x29: {  	s31 =	sadd.s32 $0xB0, s24;
	s30 =	sadd.s32 $0xC0, s24;
	s28 =	sadd.s32 $0xD0, s24;
	v30 =	vadd.s32 v2, v30;
	v33 =	vadd.s32 v2, v33;
	v35 =	vor.u32 s26, v0  }
0x2a: {  	s29 =	sadd.s32 $0x120, s24;
	v38 =	vor.u32 s31, v0;
	v39 =	vor.u32 s30, v0;
	v40 =	vor.u32 s28, v0  }
0x2b: {  	v23 =	vor.u32 s29, v0;
	v42 =	vshrl.u32 v3, $0x15;
	v3 =	vmul.u32 $0x28F6, v28  }
0x2c: {  	v6 =	vmul.u32 $0x28F6, v31;
	v55 =	vmul.u32 $0x28F6, v36;
	v56 =	vmul.u32 $0x28F6, v37  }
0x2d: {  	s31 =	sadd.s32 $0xF0, s24;
	v58 =	vmul.u32 $0x28F6, v26;
	v28 =	vadd.s32 v2, v28;
	v31 =	vadd.s32 v2, v31  }
0x2e: {  	s28 =	sadd.s32 $0x110, s24;
	s29 =	sadd.s32 $0x100, s24;
	v36 =	vadd.s32 v2, v36;
	v26 =	vadd.s32 v2, v26;
	v25 =	vor.u32 s31, v0  }
0x2f: {  	v24 =	vor.u32 s28, v0;
	v41 =	vor.u32 s29, v0;
	v44 =	vshrl.u32 v4, $0x15  }
0x30: {  	v45 =	vshrl.u32 v5, $0x15;
	v48 =	vshrl.u32 v7, $0x15;
	v54 =	vmul.u32 $0x28F6, v35  }
0x31: {  	s31 =	sadd.s32 $0x130, s24;
	s28 =	sadd.s32 $0x140, s24;
	v57 =	vmul.u32 $0x28F6, v39;
	v61 =	vmul.u32 $0x28F6, v23;
	v35 =	vadd.s32 v2, v35  }
0x32: {  	v23 =	vadd.s32 v2, v23;
	v21 =	vor.u32 s31, v0;
	v22 =	vor.u32 s28, v0  }
0x33: {  	v43 =	vshrl.u32 v3, $0x15;
	v3 =	vmul.u32 $0x28F6, v32;
	v46 =	vshrl.u32 v6, $0x15  }
0x34: {  	v51 =	vshrl.u32 v55, $0x15;
	v52 =	vshrl.u32 v56, $0x15;
	v59 =	vmul.u32 $0x28F6, v25  }
0x35: {  	v60 =	vmul.u32 $0x28F6, v41;
	v12 =	vshrl.u32 v58, $0x15;
	v58 =	vmul.u32 $0xFFFFFF38, v42  }
0x36: {  	s31 =	sadd.s32 $0x150, s24;
	v55 =	vmul.u32 $0xFFFFFF38, v44;
	v32 =	vadd.s32 v2, v32;
	v42 =	vadd.s32 v2, v42  }
0x37: {  	s28 =	sadd.s32 $0x160, s24;
	v44 =	vadd.s32 v2, v44;
	v25 =	vadd.s32 v2, v25;
	v20 =	vor.u32 s31, v0  }
0x38: {  	v18 =	vor.u32 s28, v0;
	v50 =	vshrl.u32 v54, $0x15;
	v11 =	vshrl.u32 v57, $0x15  }
0x39: {  	v4 =	vshrl.u32 v61, $0x15;
	v62 =	vmul.u32 $0x28F6, v21;
	v63 =	vmul.u32 $0x28F6, v22  }
0x3a: {  	s31 =	sadd.s32 $0x170, s24;
	v61 =	vmul.u32 $0xFFFFFF38, v46;
	v46 =	vadd.s32 v2, v46;
	v21 =	vadd.s32 v2, v21  }
0x3b: {  	v19 =	vor.u32 s31, v0;
	v47 =	vshrl.u32 v3, $0x15;
	v3 =	vmul.u32 $0x28F6, v34  }
0x3c: {  	v13 =	vshrl.u32 v59, $0x15;
	v14 =	vshrl.u32 v60, $0x15;
	v8 =	vmul.u32 $0x28F6, v20  }
0x3d: {  	v53 =	vmul.u32 $0x28F6, v18;
	v59 =	vmul.u32 $0xFFFFFF38, v43;
	v27 =	vadd.s32 v58, v27  }
0x3e: {  	v60 =	vmul.u32 $0xFFFFFF38, v45;
	v55 =	vadd.s32 v55, v29;
	v58 =	vmul.u32 $0xFFFFFF38, v50  }
0x3f: {  	v34 =	vadd.s32 v2, v34;
	v43 =	vadd.s32 v2, v43;
	v45 =	vadd.s32 v2, v45  }
0x40: {  	s31 =	sadd.s32 $0x180, s24;
	v50 =	vadd.s32 v2, v50;
	v20 =	vadd.s32 v2, v20;
	v18 =	vadd.s32 v2, v18  }
0x41: {  	v17 =	vor.u32 s31, v0;
	v6 =	vshrl.u32 v62, $0x15;
	v57 =	vmul.u32 $0x28F6, v19  }
0x42: {  	v9 =	vshrl.u32 v63, $0x15;
	v62 =	vmul.u32 $0xFFFFFF38, v47;
	v63 =	vmul.u32 $0xFFFFFF38, v48  }
0x43: {  	v31 =	vadd.s32 v61, v31;
	v47 =	vadd.s32 v2, v47;
	v48 =	vadd.s32 v2, v48  }
0x44: {  	v19 =	vadd.s32 v2, v19;
	v49 =	vshrl.u32 v3, $0x15;
	v3 =	vmul.u32 $0x28F6, v38  }
0x45: {  	v54 =	vmul.u32 $0x28F6, v17;
	v10 =	vshrl.u32 v8, $0x15;
	v7 =	vshrl.u32 v53, $0x15  }
0x46: {  	v28 =	vadd.s32 v59, v28;
	v53 =	vadd.s32 v60, v30;
	v59 =	vmul.u32 $0xFFFFFF38, v51  }
0x47: {  	v60 =	vmul.u32 $0xFFFFFF38, v52;
	v35 =	vadd.s32 v58, v35;
	v38 =	vadd.s32 v2, v38  }
0x48: {  	v58 =	vadd.s32 v2, v39;
	v52 =	vadd.s32 v2, v52;
	v17 =	vadd.s32 v2, v17  }
0x49: {  	v8 =	vshrl.u32 v57, $0x15;
	v57 =	vmul.u32 $0xFFFFFF38, v49;
	v32 =	vadd.s32 v62, v32  }
0x4a: {  	v33 =	vadd.s32 v63, v33;
	v62 =	vadd.s32 v2, v37;
	v63 =	vmul.u32 $0xFFFFFF38, v11  }
0x4b: {  	v49 =	vadd.s32 v2, v49;
	v11 =	vadd.s32 v2, v11;
	v15 =	vshrl.u32 v3, $0x15  }
0x4c: {  	v42 =	vld.idx.msk [tilespmem:v42+s3+$0x0], $0xffff;
	v3 =	vmul.u32 $0x28F6, v40;
	v5 =	vshrl.u32 v54, $0x15;
	v36 =	vadd.s32 v59, v36  }
0x4d: {  	v44 =	vld.idx.msk [tilespmem:v44+s3+$0x0], $0xffff;
	v54 =	vadd.s32 v60, v62;
	v59 =	vmul.u32 $0xFFFFFF38, v12;
	v60 =	vmul.u32 $0xFFFFFF38, v13  }
0x4e: {  	v40 =	vadd.s32 v2, v40;
	v46 =	vld.idx.msk [tilespmem:v46+s3+$0x0], $0xffff;
	v12 =	vadd.s32 v2, v12;
	v13 =	vadd.s32 v2, v13  }
0x4f: {  	v34 =	vadd.s32 v57, v34;
	v61 =	vmul.u32 $0xFFFFFF38, v15;
	v43 =	vld.idx.msk [tilespmem:v43+s3+$0x0], $0xffff;
	v37 =	vadd.s32 v63, v58  }
0x50: {  	v45 =	vld.idx.msk [tilespmem:v45+s3+$0x0], $0xffff;
	v63 =	vmul.u32 $0xFFFFFF38, v4;
	v58 =	vadd.s32 v2, v41;
	v15 =	vadd.s32 v2, v15  }
0x51: {  	v4 =	vadd.s32 v2, v4;
	v16 =	vshrl.u32 v3, $0x15;
	v3 =	vmul.u32 $0x28F6, v24;
	v47 =	vld.idx.msk [tilespmem:v47+s3+$0x0], $0xffff  }
0x52: {  	v39 =	vadd.s32 v59, v26;
	v56 =	vadd.s32 v60, v25;
	v24 =	vadd.s32 v2, v24;
	v26 =	vld.idx.msk [tilespmem:v50+s3+$0x0], $0xffff  }
0x53: {  	v59 =	vmul.u32 $0xFFFFFF38, v9;
	v60 =	vmul.u32 $0xFFFFFF38, v10;
	v31 =	vld.idx.msk [tilespmem:v31+s11+$0x0], $0xffff;
	v9 =	vadd.s32 v2, v9  }
0x54: {  	v57 =	vmul.u32 $0xFFFFFF38, v16;
	v38 =	vadd.s32 v61, v38;
	v61 =	vmul.u32 $0xFFFFFF38, v14;
	v53 =	vld.idx.msk [tilespmem:v53+s11+$0x0], $0xffff  }
0x55: {  	v30 =	vadd.s32 v63, v23;
	v63 =	vadd.s32 v2, v22;
	v35 =	vld.idx.msk [tilespmem:v35+s11+$0x0], $0xffff;
	v16 =	vadd.s32 v2, v16  }
0x56: {  	v14 =	vadd.s32 v2, v14;
	v3 =	vshrl.u32 v3, $0x15;
	v49 =	vld.idx.msk [tilespmem:v49+s3+$0x0], $0xffff;
	v23 =	vadd.s32 v60, v20  }
0x57: {  	v60 =	vmul.u32 $0xFFFFFF38, v5;
	v40 =	vadd.s32 v57, v40;
	v41 =	vadd.s32 v61, v58;
	v61 =	vld.idx.msk [tilespmem:v27+s11+$0x0], $0xffff  }
0x58: {  	v62 =	vmul.u32 $0xFFFFFF38, v3;
	v57 =	vmul.u32 $0xFFFFFF38, v6;
	v27 =	vadd.s32 v2, v51;
	v58 =	vld.idx.msk [tilespmem:v55+s11+$0x0], $0xffff  }
0x59: {  	v3 =	vadd.s32 v2, v3;
	v6 =	vadd.s32 v2, v6;
	v22 =	vadd.s32 v60, v17;
	v55 =	vld.idx.msk [tilespmem:v34+s11+$0x0], $0xffff  }
0x5a: {  	v29 =	vadd.s32 v62, v24;
	v62 =	vld.idx.msk [tilespmem:v28+s11+$0x0], $0xffff;
	v28 =	vadd.s32 v57, v21;
	v57 =	vmul.u32 $0xFFFFFF38, v7  }
0x5b: {  	v48 =	vld.idx.msk [tilespmem:v48+s3+$0x0], $0xffff;
	v24 =	vadd.s32 v59, v63;
	v59 =	vmul.u32 $0xFFFFFF38, v8;
	v31 =	vsub.s32 v46, v31  }
0x5c: {  	v36 =	vld.idx.msk [tilespmem:v36+s11+$0x0], $0xffff;
	v7 =	vadd.s32 v2, v7;
	v26 =	vsub.s32 v26, v35;
	v20 =	vadd.s32 v57, v18  }
0x5d: {  	v12 =	vld.idx.msk [tilespmem:v12+s3+$0x0], $0xffff;
	v21 =	vadd.s32 v59, v19;
	v61 =	vsub.s32 v42, v61;
	v50 =	vsub.s32 v44, v58  }
0x5e: {  	v18 =	vld.idx.msk [tilespmem:v32+s11+$0x0], $0xffff;
	v58 =	vsub.s32 v45, v53;
	v63 =	vsub.s32 $0x0, v61;
	v57 =	vsub.s32 $0x0, v50  }
0x5f: {  	v19 =	vld.idx.msk [tilespmem:v27+s3+$0x0], $0xffff;
	v60 =	vsub.s32 $0x0, v58;
	v32 =	vsub.s32 v49, v55;
	v55 =	vadd.s32 v2, v10  }
0x60: {  	v27 =	vld.idx.msk [tilespmem:v33+s11+$0x0], $0xffff;
	v62 =	vsub.s32 v43, v62;
	v17 =	vmin.u32 v61, v63;
	v33 =	vmin.u32 v50, v57  }
0x61: {  	v15 =	vld.idx.msk [tilespmem:v15+s3+$0x0], $0xffff;
	v61 =	vsub.s32 $0x0, v31;
	v34 =	vmin.u32 v58, v60;
	v49 =	vsub.s32 $0x0, v32  }
0x62: {  	v37 =	vld.idx.msk [tilespmem:v37+s11+$0x0], $0xffff;
	v50 =	vsub.s32 $0x0, v26;
	v57 =	vadd.s32 v2, v8;
	v51 =	vsub.s32 $0x0, v62  }
0x63: {  	v59 =	vld.idx.msk [tilespmem:v52+s3+$0x0], $0xffff;
	v31 =	vmin.u32 v31, v61;
	v32 =	vmin.u32 v32, v49;
	v52 =	vmin.u32 v26, v50  }
0x64: {  	v53 =	vld.idx.msk [tilespmem:v11+s3+$0x0], $0xffff;
	vm0 =	vgt.s32 v17, $0x1;
	vm6 =	vgt.s32 v33, $0x1;
	vm1 =	vgt.s32 v34, $0x1  }
0x65: {  	v16 =	vld.idx.msk [tilespmem:v16+s3+$0x0], $0xffff;
	v25 =	vmin.u32 v62, v51;
	v18 =	vsub.s32 v47, v18;
	v47 =	vadd.s32 v2, v5  }
0x66: {  	v42 =	vld.idx.msk [tilespmem:v6+s3+$0x0], $0xffff;
	v26 =	vnsel vm0, $0x1, v17;
	vm7 =	vgt.s32 v31, $0x1;
	vm10 =	vgt.s32 v32, $0x1  }
0x67: {  	v63 =	vld.idx.msk [tilespmem:v54+s11+$0x0], $0xffff;
	vm11 =	vgt.s32 v52, $0x1;
	v62 =	vsub.s32 $0x0, v18;
	v27 =	vsub.s32 v48, v27  }
0x68: {  	v58 =	vld.idx.msk [tilespmem:v38+s11+$0x0], $0xffff;
	v19 =	vsub.s32 v19, v36;
	vm5 =	vgt.s32 v25, $0x1;
	v17 =	vnsel vm7, $0x1, v31  }
0x69: {  	v60 =	vld.idx.msk [tilespmem:v40+s11+$0x0], $0xffff;
	v8 =	vnsel vm10, $0x1, v32;
	v11 =	vnsel vm11, $0x1, v52;
	v37 =	vsub.s32 v53, v37  }
0x6a: {  	v28 =	vld.idx.msk [tilespmem:v28+s11+$0x0], $0xffff;
	v45 =	vcvt.s32.f32 v26;
	v18 =	vmin.u32 v18, v62;
	v48 =	vsub.s32 $0x0, v27  }
0x6b: {  	v13 =	vld.idx.msk [tilespmem:v13+s3+$0x0], $0xffff;
	v36 =	vsub.s32 $0x0, v19;
	v25 =	vnsel vm5, $0x1, v25;
	v43 =	vsub.s32 $0x0, v37  }
0x6c: {  	v30 =	vld.idx.msk [tilespmem:v30+s11+$0x0], $0xffff;
	v44 =	vmin.u32 v27, v48;
	v51 =	vsub.s32 v59, v63;
	v36 =	vmin.u32 v19, v36  }
0x6d: {  	v61 =	vld.idx.msk [tilespmem:v4+s3+$0x0], $0xffff;
	v27 =	vnsel vm6, $0x1, v33;
	v19 =	vnsel vm1, $0x1, v34;
	vm8 =	vgt.s32 v18, $0x1  }
0x6e: {  	v24 =	vld.idx.msk [tilespmem:v24+s11+$0x0], $0xffff;
	v5 =	vsub.s32 v15, v58;
	v48 =	vmin.u32 v37, v43;
	v16 =	vsub.s32 v16, v60  }
0x6f: {  	v49 =	vld.idx.msk [tilespmem:v9+s3+$0x0], $0xffff;
	v28 =	vsub.s32 v42, v28;
	v46 =	vcvt.s32.f32 v25;
	v54 =	vsub.s32 $0x0, v51  }
0x70: {  	v23 =	vld.idx.msk [tilespmem:v23+s11+$0x0], $0xffff;
	vm9 =	vgt.s32 v44, $0x1;
	v18 =	vnsel vm8, $0x1, v18;
	vm12 =	vgt.s32 v36, $0x1  }
0x71: {  	v62 =	vld.idx.msk [tilespmem:v39+s11+$0x0], $0xffff;
	v40 =	vsub.s32 $0x0, v5;
	vm15 =	vgt.s32 v48, $0x1;
	v50 =	vsub.s32 $0x0, v16  }
0x72: {  	v52 =	vld.idx.msk [tilespmem:v55+s3+$0x0], $0xffff;
	v30 =	vsub.s32 v61, v30;
	v35 =	vmin.u32 v51, v54;
	v10 =	vnsel vm9, $0x1, v44  }
0x73: {  	v59 =	vld.idx.msk [tilespmem:v3+s3+$0x0], $0xffff;
	v3 =	vnsel vm12, $0x1, v36;
	v5 =	vmin.u32 v5, v40;
	v9 =	vmin.u32 v16, v50  }
0x74: {  	v61 =	vld.idx.msk [tilespmem:v47+s3+$0x0], $0xffff;
	v36 =	vsub.s32 v49, v24;
	v47 =	vshrl.u32 v45, $0x14;
	v49 =	vcvt.s32.f32 v19  }
0x75: {  	v29 =	vld.idx.msk [tilespmem:v29+s11+$0x0], $0xffff;
	v50 =	vcvt.s32.f32 v17;
	vm13 =	vgt.s32 v35, $0x1;
	vm14 =	vgt.s32 v5, $0x1  }
0x76: {  	v63 =	vld.idx.msk [tilespmem:v56+s11+$0x0], $0xffff;
	vm4 =	vgt.s32 v9, $0x1;
	v24 =	vsub.s32 $0x0, v36;
	v4 =	vnsel vm13, $0x1, v35  }
0x77: {  	v6 =	vnsel vm14, $0x1, v5;
	v5 =	vnsel vm15, $0x1, v48;
	v12 =	vsub.s32 v12, v62  }
0x78: {  	v14 =	vld.idx.msk [tilespmem:v14+s3+$0x0], $0xffff;
	v9 =	vnsel vm4, $0x1, v9;
	v62 =	vsub.s32 $0x0, v28;
	v15 =	vsub.s32 v52, v23  }
0x79: {  	v60 =	vld.idx.msk [tilespmem:v20+s11+$0x0], $0xffff;
	v38 =	vmin.u32 v36, v24;
	v48 =	vcvt.s32.f32 v27;
	v31 =	vshrl.u32 v49, $0x14  }
0x7a: {  	v44 =	vld.idx.msk [tilespmem:v41+s11+$0x0], $0xffff;
	v32 =	vshrl.u32 v50, $0x14;
	v52 =	vcvt.s32.f32 v10;
	v51 =	vsub.s32 $0x0, v12  }
0x7b: {  	v54 =	vld.idx.msk [tilespmem:v7+s3+$0x0], $0xffff;
	v13 =	vsub.s32 v13, v63;
	v56 =	vsub.s32 v59, v29;
	v59 =	vsub.s32 $0x0, v30  }
0x7c: {  	v39 =	vsub.s32 $0x0, v15;
	vm11 =	vgt.s32 v38, $0x1;
	v31 =	vadd.s32 $0xFFFFFC08, v31  }
0x7d: {  	v32 =	vadd.s32 $0xFFFFFC08, v32;
	v12 =	vmin.u32 v12, v51;
	v53 =	vsub.s32 $0x0, v13  }
0x7e: {  	v29 =	vsub.s32 $0x0, v56;
	v23 =	vnsel vm11, $0x1, v38;
	v51 =	vcvt.s32.f32 v18  }
0x7f: {  	v34 =	vshrl.u32 v52, $0x14;
	vm5 =	vgt.s32 v12, $0x1;
	v13 =	vmin.u32 v13, v53  }
0x80: {  	v14 =	vsub.s32 v14, v44;
	v58 =	vmin.u32 v56, v29;
	v40 =	vsub.s32 v54, v60  }
0x81: {  	v29 =	vshrl.u32 v48, $0x14;
	v53 =	vcvt.s32.f32 v8;
	v54 =	vcvt.s32.f32 v11  }
0x82: {  	v34 =	vadd.s32 $0xFFFFFC08, v34;
	v56 =	vcvt.s32.f32 v4;
	v16 =	vnsel vm5, $0x1, v12  }
0x83: {  	v57 =	vld.idx.msk [tilespmem:v57+s3+$0x0], $0xffff;
	vm6 =	vgt.s32 v13, $0x1;
	v55 =	vsub.s32 $0x0, v14;
	vm8 =	vgt.s32 v58, $0x1  }
0x84: {  	v63 =	vld.idx.msk [tilespmem:v21+s11+$0x0], $0xffff;
	v41 =	vsub.s32 $0x0, v40;
	v29 =	vadd.s32 $0xFFFFFC08, v29;
	v33 =	vshrl.u32 v51, $0x14  }
0x85: {  	v7 =	vnsel vm6, $0x1, v13;
	v12 =	vmin.u32 v14, v55;
	v13 =	vmin.u32 v30, v59  }
0x86: {  	v20 =	vnsel vm8, $0x1, v58;
	v30 =	vshrl.u32 v46, $0x14;
	v33 =	vadd.s32 $0xFFFFFC08, v33  }
0x87: {  	v35 =	vshrl.u32 v53, $0x14;
	v55 =	vcvt.s32.f32 v3;
	v36 =	vshrl.u32 v54, $0x14  }
0x88: {  	v37 =	vld.idx.msk [tilespmem:v22+s11+$0x0], $0xffff;
	v38 =	vshrl.u32 v56, $0x14;
	v58 =	vcvt.s32.f32 v5;
	vm7 =	vgt.s32 v12, $0x1  }
0x89: {  	vm9 =	vgt.s32 v13, $0x1;
	v42 =	vsub.s32 v57, v63;
	v30 =	vadd.s32 $0xFFFFFC08, v30  }
0x8a: {  	v35 =	vadd.s32 $0xFFFFFC08, v35;
	v36 =	vadd.s32 $0xFFFFFC08, v36;
	v57 =	vcvt.s32.f32 v6  }
0x8b: {  	v38 =	vadd.s32 $0xFFFFFC08, v38;
	v63 =	vcvt.s32.f32 v16;
	v51 =	vcvt.s32.f32 v20  }
0x8c: {  	v14 =	vnsel vm7, $0x1, v12;
	v21 =	vnsel vm9, $0x1, v13;
	v12 =	vmin.u32 v28, v62  }
0x8d: {  	v13 =	vmin.u32 v15, v39;
	v43 =	vsub.s32 $0x0, v42;
	v28 =	vsub.s32 v61, v37  }
0x8e: {  	v37 =	vshrl.u32 v55, $0x14;
	v61 =	vcvt.s32.f32 v9;
	vm10 =	vgt.s32 v12, $0x1  }
0x8f: {  	vm12 =	vgt.s32 v13, $0x1;
	v44 =	vsub.s32 $0x0, v28;
	v37 =	vadd.s32 $0xFFFFFC08, v37  }
0x90: {  	v39 =	vshrl.u32 v57, $0x14;
	v49 =	vcvt.s32.f32 v14;
	v53 =	vcvt.s32.f32 v21  }
0x91: {  	v31 =	vld.idx.msk [tilespmem:v31+s12+$0x0], $0xffff;
	v22 =	vnsel vm10, $0x1, v12;
	v24 =	vnsel vm12, $0x1, v13;
	v12 =	vmin.u32 v40, v41  }
0x92: {  	v32 =	vld.idx.msk [tilespmem:v32+s12+$0x0], $0xffff;
	v13 =	vmin.u32 v42, v43;
	v28 =	vmin.u32 v28, v44;
	v40 =	vshrl.u32 v58, $0x14  }
0x93: {  	v34 =	vld.idx.msk [tilespmem:v34+s12+$0x0], $0xffff;
	v44 =	vcvt.s32.f32 v7;
	v45 =	vadd.s32 $0xFFFFFC08, v39;
	v58 =	vcvt.s32.f32 v23  }
0x94: {  	v29 =	vld.idx.msk [tilespmem:v29+s12+$0x0], $0xffff;
	vm13 =	vgt.s32 v12, $0x1;
	vm14 =	vgt.s32 v13, $0x1;
	vm15 =	vgt.s32 v28, $0x1  }
0x95: {  	v46 =	vadd.s32 $0xFFFFFC08, v40;
	v56 =	vcvt.s32.f32 v22;
	v12 =	vnsel vm13, $0x1, v12;
	v30 =	vld.idx.msk [tilespmem:v30+s12+$0x0], $0xffff  }
0x96: {  	v15 =	vnsel vm14, $0x1, v13;
	v13 =	vnsel vm15, $0x1, v28;
	v28 =	vadd.s32 $0xFFFFFC08, v47;
	v35 =	vld.idx.msk [tilespmem:v35+s12+$0x0], $0xffff  }
0x97: {  	v47 =	vshrl.u32 v61, $0x14;
	v48 =	vshra.s32 v31, $0x6;
	v36 =	vld.idx.msk [tilespmem:v36+s12+$0x0], $0xffff;
	v50 =	vshra.s32 v32, $0x6  }
0x98: {  	v38 =	vld.idx.msk [tilespmem:v38+s12+$0x0], $0xffff;
	v40 =	vadd.s32 $0xFFFFFC08, v47;
	vm2 =	vgt.s32 v19, v48;
	v19 =	vshrl.u32 v49, $0x14  }
0x99: {  	vm1 =	vgt.s32 v17, v50;
	v17 =	vshrl.u32 v51, $0x14;
	v19 =	vadd.s32 $0xFFFFFC08, v19  }
0x9a: {  	v54 =	vshra.s32 v34, $0x6;
	v17 =	vadd.s32 $0xFFFFFC08, v17;
	v62 =	vshra.s32 v29, $0x6  }
0x9b: {  	vm5 =	vgt.s32 v10, v54;
	v10 =	vshrl.u32 v58, $0x14;
	vm12 =	vgt.s32 v27, v62;
	v27 =	vld.idx.msk [tilespmem:v33+s12+$0x0], $0xffff  }
0x9c: {  	v33 =	vld.idx.msk [tilespmem:v45+s12+$0x0], $0xffff;
	v10 =	vadd.s32 $0xFFFFFC08, v10;
	v45 =	vcvt.s32.f32 v13;
	v60 =	vshra.s32 v30, $0x6  }
0x9d: {  	v37 =	vld.idx.msk [tilespmem:v37+s12+$0x0], $0xffff;
	v55 =	vshra.s32 v35, $0x6;
	v57 =	vshra.s32 v36, $0x6;
	v62 =	vshra.s32 v38, $0x6  }
0x9e: {  	v54 =	vsel vm12, $0x1, v1;
	v43 =	vand.u32 $0x3F, v36;
	vm13 =	vgt.s32 v25, v60  }
0x9f: {  	v28 =	vld.idx.msk [tilespmem:v28+s12+$0x0], $0xffff;
	v25 =	vshrl.u32 v44, $0x14;
	vm4 =	vgt.s32 v8, v55;
	vm3 =	vgt.s32 v11, v57  }
0xa0: {  	v60 =	vshrl.u32 v56, $0x14;
	vm7 =	vgt.s32 v4, v62;
	v55 =	vsel vm2, $0x1, v1  }
0xa1: {  	v57 =	vsel vm1, $0x1, v1;
	v62 =	vand.u32 $0x3F, v30;
	v30 =	vand.u32 $0x3F, v34  }
0xa2: {  	v25 =	vadd.s32 $0xFFFFFC08, v25;
	v39 =	vadd.s32 $0xFFFFFC08, v60;
	v61 =	vshra.s32 v37, $0x6  }
0xa3: {  	v41 =	vsel vm3, $0x1, v1;
	vm10 =	vgt.s32 v3, v61;
	v3 =	vcvt.s32.f32 v12  }
0xa4: {  	v52 =	vshra.s32 v27, $0x6;
	v44 =	vshra.s32 v33, $0x6;
	v59 =	vshra.s32 v28, $0x6  }
0xa5: {  	v11 =	vld.idx.msk [tilespmem:v46+s12+$0x0], $0xffff;
	vm0 =	vgt.s32 v18, v52;
	v18 =	vshrl.u32 v53, $0x14;
	vm8 =	vgt.s32 v6, v44  }
0xa6: {  	v40 =	vld.idx.msk [tilespmem:v40+s12+$0x0], $0xffff;
	v3 =	vshrl.u32 v3, $0x14;
	v6 =	vshrl.u32 v45, $0x14;
	v52 =	vsel vm13, $0x1, v1  }
0xa7: {  	v61 =	vand.u32 $0x3F, v28;
	v28 =	vand.u32 $0x3F, v32;
	v32 =	vand.u32 $0x3F, v35  }
0xa8: {  	v19 =	vld.idx.msk [tilespmem:v19+s12+$0x0], $0xffff;
	v35 =	vsel vm4, $0x1, v1;
	v44 =	vsel vm10, $0x1, v1;
	v45 =	vand.u32 $0x3F, v37  }
0xa9: {  	v17 =	vld.idx.msk [tilespmem:v17+s12+$0x0], $0xffff;
	vm14 =	vgt.s32 v26, v59;
	v26 =	vshrl.u32 v63, $0x14;
	v59 =	vcvt.s32.f32 v24  }
0xaa: {  	v18 =	vadd.s32 $0xFFFFFC08, v18;
	v63 =	vcvt.s32.f32 v15;
	v46 =	vshra.s32 v11, $0x6  }
0xab: {  	v47 =	vshra.s32 v40, $0x6;
	v3 =	vadd.s32 $0xFFFFFC08, v3;
	v6 =	vadd.s32 $0xFFFFFC08, v6  }
0xac: {  	v11 =	vand.u32 $0x3F, v11;
	v26 =	vadd.s32 $0xFFFFFC08, v26;
	vm11 =	vgt.s32 v5, v46  }
0xad: {  	vm9 =	vgt.s32 v9, v47;
	v50 =	vsel vm14, $0x1, v1;
	v51 =	vshra.s32 v19, $0x6  }
0xae: {  	v10 =	vld.idx.msk [tilespmem:v10+s12+$0x0], $0xffff;
	v53 =	vshra.s32 v17, $0x6;
	v46 =	vsel vm7, $0x1, v1;
	v47 =	vand.u32 $0x3F, v38  }
0xaf: {  	v25 =	vld.idx.msk [tilespmem:v25+s12+$0x0], $0xffff;
	v17 =	vand.u32 $0x3F, v17;
	v8 =	vshrl.u32 v59, $0x14;
	v4 =	vshrl.u32 v63, $0x14  }
0xb0: {  	v9 =	vld.idx.msk [tilespmem:v39+s12+$0x0], $0xffff;
	vm14 =	vgt.s32 v14, v51;
	vm13 =	vgt.s32 v20, v53;
	v59 =	vsel vm0, $0x1, v1  }
0xb1: {  	v14 =	vadd.s32 v52, v62;
	v63 =	vand.u32 $0x3F, v29;
	v20 =	vadd.s32 v57, v28  }
0xb2: {  	v29 =	vand.u32 $0x3F, v27;
	v51 =	vsel vm9, $0x1, v1;
	v52 =	vand.u32 $0x3F, v40;
	v5 =	vld.idx.msk [tilespmem:v18+s12+$0x0], $0xffff  }
0xb3: {  	v8 =	vadd.s32 $0xFFFFFC08, v8;
	v4 =	vadd.s32 $0xFFFFFC08, v4;
	v58 =	vshra.s32 v10, $0x6;
	v3 =	vld.idx.msk [tilespmem:v3+s12+$0x0], $0xffff  }
0xb4: {  	v27 =	vadd.s32 v51, v52;
	v10 =	vand.u32 $0x3F, v10;
	vm1 =	vgt.s32 v23, v58;
	v6 =	vld.idx.msk [tilespmem:v6+s12+$0x0], $0xffff  }
0xb5: {  	v23 =	vadd.s32 v46, v47;
	v26 =	vld.idx.msk [tilespmem:v26+s12+$0x0], $0xffff;
	v49 =	vshra.s32 v25, $0x6;
	v56 =	vshra.s32 v9, $0x6  }
0xb6: {  	v25 =	vand.u32 $0x3F, v25;
	v9 =	vand.u32 $0x3F, v9;
	vm15 =	vgt.s32 v7, v49;
	v14 =	vld.idx.msk [tilespmem:v14+s13+$0x0], $0xffff  }
0xb7: {  	vm2 =	vgt.s32 v22, v56;
	v7 =	vadd.s32 v50, v61;
	v20 =	vld.idx.msk [tilespmem:v20+s13+$0x0], $0xffff;
	v50 =	vsel vm11, $0x1, v1  }
0xb8: {  	v56 =	vsel vm13, $0x1, v1;
	v8 =	vld.idx.msk [tilespmem:v8+s12+$0x0], $0xffff;
	v11 =	vadd.s32 v50, v11;
	v58 =	vsel vm2, $0x1, v1  }
0xb9: {  	v4 =	vld.idx.msk [tilespmem:v4+s12+$0x0], $0xffff;
	v17 =	vadd.s32 v56, v17;
	v9 =	vadd.s32 v58, v9;
	v18 =	vshra.s32 v5, $0x6  }
0xba: {  	v27 =	vld.idx.msk [tilespmem:v27+s13+$0x0], $0xffff;
	v34 =	vshra.s32 v3, $0x6;
	v42 =	vshra.s32 v6, $0x6;
	v5 =	vand.u32 $0x3F, v5  }
0xbb: {  	v23 =	vld.idx.msk [tilespmem:v23+s13+$0x0], $0xffff;
	v6 =	vand.u32 $0x3F, v6;
	vm12 =	vgt.s32 v21, v18;
	v21 =	vadd.s32 v59, v29  }
0xbc: {  	v48 =	vshra.s32 v26, $0x6;
	vm3 =	vgt.s32 v13, v42;
	v13 =	vadd.s32 v41, v43;
	v7 =	vld.idx.msk [tilespmem:v7+s13+$0x0], $0xffff  }
0xbd: {  	v59 =	vsel vm1, $0x1, v1;
	vm6 =	vgt.s32 v16, v48;
	v16 =	vadd.s32 v54, v63;
	v11 =	vld.idx.msk [tilespmem:v11+s13+$0x0], $0xffff  }
0xbe: {  	v26 =	vand.u32 $0x3F, v26;
	v54 =	vsel vm15, $0x1, v1;
	v10 =	vadd.s32 v59, v10;
	v17 =	vld.idx.msk [tilespmem:v17+s13+$0x0], $0xffff  }
0xbf: {  	v57 =	vsel vm12, $0x1, v1;
	v63 =	vsel vm3, $0x1, v1;
	v25 =	vadd.s32 v54, v25;
	v9 =	vld.idx.msk [tilespmem:v9+s13+$0x0], $0xffff  }
0xc0: {  	v60 =	vshra.s32 v8, $0x6;
	v39 =	vshra.s32 v4, $0x6;
	v5 =	vadd.s32 v57, v5;
	v21 =	vld.idx.msk [tilespmem:v21+s13+$0x0], $0xffff  }
0xc1: {  	v6 =	vadd.s32 v63, v6;
	vm0 =	vgt.s32 v24, v60;
	v24 =	vand.u32 $0x3F, v31;
	v13 =	vld.idx.msk [tilespmem:v13+s13+$0x0], $0xffff  }
0xc2: {  	v31 =	vsel vm5, $0x1, v1;
	vm5 =	vgt.s32 v12, v34;
	v12 =	vadd.s32 v35, v32;
	v16 =	vld.idx.msk [tilespmem:v16+s13+$0x0], $0xffff  }
0xc3: {  	v53 =	vsel vm6, $0x1, v1;
	vm4 =	vgt.s32 v15, v39;
	v15 =	vadd.s32 v44, v45;
	v10 =	vld.idx.msk [tilespmem:v10+s13+$0x0], $0xffff  }
0xc4: {  	v26 =	vadd.s32 v53, v26;
	v25 =	vld.idx.msk [tilespmem:v25+s13+$0x0], $0xffff  }
0xc5: {  	v18 =	vadd.s32 v55, v24;
	v5 =	vld.idx.msk [tilespmem:v5+s13+$0x0], $0xffff  }
0xc6: {  	v49 =	vand.u32 $0x3F, v33;
	v48 =	vsel vm8, $0x1, v1;
	v22 =	vadd.s32 v31, v30;
	v6 =	vld.idx.msk [tilespmem:v6+s13+$0x0], $0xffff  }
0xc7: {  	v19 =	vand.u32 $0x3F, v19;
	v24 =	vadd.s32 v48, v49;
	v55 =	vsel vm14, $0x1, v1;
	v12 =	vld.idx.msk [tilespmem:v12+s13+$0x0], $0xffff  }
0xc8: {  	v8 =	vand.u32 $0x3F, v8;
	v60 =	vsel vm0, $0x1, v1;
	v19 =	vadd.s32 v55, v19;
	v15 =	vld.idx.msk [tilespmem:v15+s13+$0x0], $0xffff  }
0xc9: {  	v3 =	vand.u32 $0x3F, v3;
	v61 =	vsel vm5, $0x1, v1;
	v8 =	vadd.s32 v60, v8;
	v26 =	vld.idx.msk [tilespmem:v26+s13+$0x0], $0xffff  }
0xca: {  	v4 =	vand.u32 $0x3F, v4;
	v62 =	vsel vm4, $0x1, v1;
	v3 =	vadd.s32 v61, v3;
	v18 =	vld.idx.msk [tilespmem:v18+s13+$0x0], $0xffff  }
0xcb: {  	v4 =	vadd.s32 v62, v4;
	v22 =	vld.idx.msk [tilespmem:v22+s13+$0x0], $0xffff  }
0xcc: {  	v24 =	vld.idx.msk [tilespmem:v24+s13+$0x0], $0xffff  }
0xcd: {  	v19 =	vld.idx.msk [tilespmem:v19+s13+$0x0], $0xffff  }
0xce: {  	v8 =	vld.idx.msk [tilespmem:v8+s13+$0x0], $0xffff  }
0xcf: {  	v3 =	vld.idx.msk [tilespmem:v3+s13+$0x0], $0xffff  }
0xd0: {  	v4 =	vld.idx.msk [tilespmem:v4+s13+$0x0], $0xffff;
	[tilespmem:s25+$0xFFFFFF40] =	vst v7  }
0xd1: {  	[tilespmem:s25+$0xFFFFFF50] =	vst v14  }
0xd2: {  	[tilespmem:s25+$0xFFFFFF80] =	vst v20  }
0xd3: {  	[tilespmem:s25+$0xFFFFFF90] =	vst v21  }
0xd4: {  	[tilespmem:s25+$0xFFFFFF60] =	vst v16  }
0xd5: {  	[tilespmem:s25+$0xFFFFFFB0] =	vst v12  }
0xd6: {  	s26 =	sand.u32 $0x1FF80, s26;
	s30 =	sand.u32 $0x70, s24;
	[tilespmem:s25+$0xFFFFFF70] =	vst v18  }
0xd7: {  	s26 =	sor.u32 s30, s26;
	[tilespmem:s25+$0xFFFFFFA0] =	vst v22  }
0xd8: {  	[tilespmem:s26+$0x3380] =	vst v13  }
0xd9: {  	[tilespmem:s25+$0xFFFFFFD0] =	vst v15  }
0xda: {  	[tilespmem:s25+$0xFFFFFFE0] =	vst v23  }
0xdb: {  	[tilespmem:s25+$0xFFFFFFF0] =	vst v24  }
0xdc: {  	[tilespmem:s25+$0x0] =	vst v11  }
0xdd: {  	[tilespmem:s25+$0x10] =	vst v27  }
0xde: {  	s29 =	sand.u32 $0x1FF80, s29;
	[tilespmem:s25+$0x20] =	vst v26  }
0xdf: {  	s26 =	sor.u32 s30, s29;
	[tilespmem:s25+$0x30] =	vst v25  }
0xe0: {  	[tilespmem:s26+$0x3380] =	vst v19  }
0xe1: {  	[tilespmem:s25+$0x50] =	vst v17  }
0xe2: {  	[tilespmem:s25+$0x60] =	vst v5  }
0xe3: {  	p1 =	sne.s32 s24, $0x9AB0;
	[tilespmem:s25+$0x70] =	vst v9  }
.Ltmp0:
0xe4: {  	[tilespmem:s25+$0x80] =	vst v10;
	(pc) =	sbr.rel @p1 .LBB2_3-.Ltmp0, $4  }
0xe5: {  	[tilespmem:s25+$0x90] =	vst v8  }
0xe6: {  	s31 =	sand.u32 $0x1FF80, s31;
	[tilespmem:s25+$0xA0] =	vst v3  }
0xe7: {  	s26 =	sor.u32 s30, s31;
	[tilespmem:s25+$0xB0] =	vst v4  }
0xe8: {  	s24 =	sadd.s32 $0x190, s24;
	s25 =	sadd.s32 $0x190, s25;
	[tilespmem:s26+$0x3380] =	vst v6  }
0xe9: {  	s23 =	sadd.s32 s6, s23  }
0xea: {  	s23 =	sshrl.u32 s23, $0x3  }
0xeb: {  	s24 =	sshll.u32 s21, $0x8;
	s23 =	smul.u32 $0x4E400, s23  }
0xec: {  	s24 =	sand.u32 $0x300, s24  }
0xed: {  	s23 =	sor.u32 s24, s23  }
0xee: {  	s23 =	sshrl.u32 s23, $0x3  }
0xef: {  	s24 =	simm.s32 @!p0 $0x2;
	s31 =	sadd.s32 s5, s23  }
0xf0: {  	[hbm4b:s31+s14] =	stream.strided.scatter [tilespmem:s16], [sflag:$0x1], $0x9C80, s15, s14, $0x38;
	[tilespmem:$0x16C80] =	vst v63  }
0xf1: {  	_ =	swait.ge @!p0 [sflag:s24], $0x9C80  }
0xf2: {  	s22 =	sadd.s32 $0xC8, s22;
	[sflag:s24] =	ssyncset.done @!p0 $0x0  }
0xf3: {  	v2 =	vmov s22;
	s22 =	simm.s32 $0x0;
	[sflag:s24] =	ssyncadd.s32 @!p0 $0xFFFF6380;
	s24 =	simm.s32 $0xD0C0  }
.LBB2_5:
0xf4: {  	s25 =	sadd.s32 $0x10, s22  }
0xf5: {  	v27 =	vor.u32 s22, v0;
	s26 =	sadd.s32 $0x20, s22;
	s28 =	sadd.s32 $0x30, s22;
	s29 =	sadd.s32 $0x40, s22;
	v28 =	vor.u32 s25, v0  }
0xf6: {  	s30 =	sadd.s32 $0x50, s22;
	s31 =	sadd.s32 $0x60, s22;
	v29 =	vor.u32 s26, v0;
	v30 =	vor.u32 s28, v0;
	v31 =	vor.u32 s29, v0  }
0xf7: {  	v32 =	vor.u32 s30, v0;
	v33 =	vor.u32 s31, v0;
	s29 =	sadd.s32 $0x70, s22;
	s25 =	sadd.s32 $0x80, s22;
	v3 =	vmul.u32 $0x28F6, v27  }
0xf8: {  	s30 =	sadd.s32 $0x90, s22;
	s31 =	sadd.s32 $0xA0, s22;
	s26 =	sadd.s32 $0xD0, s22;
	v27 =	vadd.s32 v2, v27;
	v34 =	vor.u32 s29, v0;
	v35 =	vor.u32 s25, v0  }
0xf9: {  	s28 =	sadd.s32 $0x100, s22;
	v36 =	vor.u32 s30, v0;
	v37 =	vor.u32 s31, v0;
	v40 =	vor.u32 s26, v0  }
0xfa: {  	v41 =	vor.u32 s28, v0;
	v4 =	vmul.u32 $0x28F6, v29;
	v5 =	vmul.u32 $0x28F6, v30  }
0xfb: {  	v6 =	vmul.u32 $0x28F6, v31;
	v7 =	vmul.u32 $0x28F6, v33;
	v29 =	vadd.s32 v2, v29  }
0xfc: {  	s30 =	sadd.s32 $0xB0, s22;
	s29 =	sadd.s32 $0xC0, s22;
	s31 =	sadd.s32 $0xE0, s22;
	v30 =	vadd.s32 v2, v30;
	v31 =	vadd.s32 v2, v31;
	v33 =	vadd.s32 v2, v33  }
0xfd: {  	s26 =	sadd.s32 $0x110, s22;
	v38 =	vor.u32 s30, v0;
	v39 =	vor.u32 s29, v0;
	v26 =	vor.u32 s31, v0  }
0xfe: {  	v24 =	vor.u32 s26, v0;
	v42 =	vshrl.u32 v3, $0x15;
	v3 =	vmul.u32 $0x28F6, v28  }
0xff: {  	v54 =	vmul.u32 $0x28F6, v35;
	v55 =	vmul.u32 $0x28F6, v36;
	v56 =	vmul.u32 $0x28F6, v37  }
0x100: {  	s30 =	sadd.s32 $0xF0, s22;
	s31 =	sadd.s32 $0x120, s22;
	v60 =	vmul.u32 $0x28F6, v41;
	v28 =	vadd.s32 v2, v28;
	v35 =	vadd.s32 v2, v35  }
0x101: {  	v36 =	vadd.s32 v2, v36;
	v25 =	vor.u32 s30, v0;
	v23 =	vor.u32 s31, v0  }
0x102: {  	v44 =	vshrl.u32 v4, $0x15;
	v45 =	vshrl.u32 v5, $0x15;
	v46 =	vshrl.u32 v6, $0x15  }
0x103: {  	s30 =	sadd.s32 $0x130, s22;
	s31 =	sadd.s32 $0x140, s22;
	v48 =	vshrl.u32 v7, $0x15;
	v57 =	vmul.u32 $0x28F6, v39;
	v58 =	vmul.u32 $0x28F6, v26  }
0x104: {  	v26 =	vadd.s32 v2, v26;
	v21 =	vor.u32 s30, v0;
	v22 =	vor.u32 s31, v0  }
0x105: {  	v43 =	vshrl.u32 v3, $0x15;
	v3 =	vmul.u32 $0x28F6, v32;
	v50 =	vshrl.u32 v54, $0x15  }
0x106: {  	v51 =	vshrl.u32 v55, $0x15;
	v52 =	vshrl.u32 v56, $0x15;
	v59 =	vmul.u32 $0x28F6, v25  }
0x107: {  	v61 =	vmul.u32 $0x28F6, v23;
	v14 =	vshrl.u32 v60, $0x15;
	v55 =	vmul.u32 $0xFFFFFF38, v44  }
0x108: {  	v60 =	vmul.u32 $0xFFFFFF38, v45;
	v32 =	vadd.s32 v2, v32;
	v44 =	vadd.s32 v2, v44  }
0x109: {  	s30 =	sadd.s32 $0x150, s22;
	s31 =	sadd.s32 $0x160, s22;
	v45 =	vadd.s32 v2, v45;
	v25 =	vadd.s32 v2, v25;
	v23 =	vadd.s32 v2, v23  }
0x10a: {  	v20 =	vor.u32 s30, v0;
	v18 =	vor.u32 s31, v0;
	v11 =	vshrl.u32 v57, $0x15  }
0x10b: {  	v12 =	vshrl.u32 v58, $0x15;
	v62 =	vmul.u32 $0x28F6, v21;
	v63 =	vmul.u32 $0x28F6, v22  }
0x10c: {  	s30 =	sadd.s32 $0x170, s22;
	s31 =	sadd.s32 $0x180, s22;
	v58 =	vmul.u32 $0xFFFFFF38, v42;
	v42 =	vadd.s32 v2, v42;
	v21 =	vadd.s32 v2, v21  }
0x10d: {  	v19 =	vor.u32 s30, v0;
	v17 =	vor.u32 s31, v0;
	v47 =	vshrl.u32 v3, $0x15  }
0x10e: {  	v3 =	vmul.u32 $0x28F6, v34;
	v13 =	vshrl.u32 v59, $0x15;
	v4 =	vshrl.u32 v61, $0x15  }
0x10f: {  	v8 =	vmul.u32 $0x28F6, v20;
	v53 =	vmul.u32 $0x28F6, v18;
	v59 =	vmul.u32 $0xFFFFFF38, v43  }
0x110: {  	v61 =	vmul.u32 $0xFFFFFF38, v46;
	v55 =	vadd.s32 v55, v29;
	v34 =	vadd.s32 v2, v34  }
0x111: {  	v43 =	vadd.s32 v2, v43;
	v46 =	vadd.s32 v2, v46;
	v20 =	vadd.s32 v2, v20  }
0x112: {  	v18 =	vadd.s32 v2, v18;
	v6 =	vshrl.u32 v62, $0x15;
	v57 =	vmul.u32 $0x28F6, v19  }
0x113: {  	v54 =	vmul.u32 $0x28F6, v17;
	v9 =	vshrl.u32 v63, $0x15;
	v27 =	vadd.s32 v58, v27  }
0x114: {  	v62 =	vmul.u32 $0xFFFFFF38, v47;
	v63 =	vmul.u32 $0xFFFFFF38, v48;
	v58 =	vmul.u32 $0xFFFFFF38, v50  }
0x115: {  	v47 =	vadd.s32 v2, v47;
	v48 =	vadd.s32 v2, v48;
	v50 =	vadd.s32 v2, v50  }
0x116: {  	v19 =	vadd.s32 v2, v19;
	v17 =	vadd.s32 v2, v17;
	v49 =	vshrl.u32 v3, $0x15  }
0x117: {  	v3 =	vmul.u32 $0x28F6, v38;
	v10 =	vshrl.u32 v8, $0x15;
	v7 =	vshrl.u32 v53, $0x15  }
0x118: {  	v28 =	vadd.s32 v59, v28;
	v53 =	vadd.s32 v60, v30;
	v31 =	vadd.s32 v61, v31  }
0x119: {  	v59 =	vmul.u32 $0xFFFFFF38, v51;
	v60 =	vmul.u32 $0xFFFFFF38, v52;
	v38 =	vadd.s32 v2, v38  }
0x11a: {  	v52 =	vadd.s32 v2, v52;
	v8 =	vshrl.u32 v57, $0x15;
	v5 =	vshrl.u32 v54, $0x15  }
0x11b: {  	v57 =	vmul.u32 $0xFFFFFF38, v49;
	v32 =	vadd.s32 v62, v32;
	v33 =	vadd.s32 v63, v33  }
0x11c: {  	v35 =	vadd.s32 v58, v35;
	v62 =	vadd.s32 v2, v37;
	v63 =	vmul.u32 $0xFFFFFF38, v11  }
0x11d: {  	v58 =	vadd.s32 v2, v39;
	v49 =	vadd.s32 v2, v49;
	v11 =	vadd.s32 v2, v11  }
0x11e: {  	v44 =	vld.idx.msk [tilespmem:v44+s3+$0x0], $0xffff;
	v15 =	vshrl.u32 v3, $0x15;
	v3 =	vmul.u32 $0x28F6, v40;
	v36 =	vadd.s32 v59, v36  }
0x11f: {  	v45 =	vld.idx.msk [tilespmem:v45+s3+$0x0], $0xffff;
	v54 =	vadd.s32 v60, v62;
	v59 =	vmul.u32 $0xFFFFFF38, v12;
	v60 =	vmul.u32 $0xFFFFFF38, v13  }
0x120: {  	v42 =	vld.idx.msk [tilespmem:v42+s3+$0x0], $0xffff;
	v40 =	vadd.s32 v2, v40;
	v12 =	vadd.s32 v2, v12;
	v13 =	vadd.s32 v2, v13  }
0x121: {  	v34 =	vadd.s32 v57, v34;
	v61 =	vmul.u32 $0xFFFFFF38, v15;
	v43 =	vld.idx.msk [tilespmem:v43+s3+$0x0], $0xffff;
	v37 =	vadd.s32 v63, v58  }
0x122: {  	v46 =	vld.idx.msk [tilespmem:v46+s3+$0x0], $0xffff;
	v63 =	vmul.u32 $0xFFFFFF38, v4;
	v58 =	vadd.s32 v2, v41;
	v15 =	vadd.s32 v2, v15  }
0x123: {  	v4 =	vadd.s32 v2, v4;
	v16 =	vshrl.u32 v3, $0x15;
	v3 =	vmul.u32 $0x28F6, v24;
	v47 =	vld.idx.msk [tilespmem:v47+s3+$0x0], $0xffff  }
0x124: {  	v39 =	vadd.s32 v59, v26;
	v56 =	vadd.s32 v60, v25;
	v24 =	vadd.s32 v2, v24;
	v26 =	vld.idx.msk [tilespmem:v50+s3+$0x0], $0xffff  }
0x125: {  	v59 =	vmul.u32 $0xFFFFFF38, v9;
	v60 =	vmul.u32 $0xFFFFFF38, v10;
	v9 =	vadd.s32 v2, v9;
	v53 =	vld.idx.msk [tilespmem:v53+s11+$0x0], $0xffff  }
0x126: {  	v57 =	vmul.u32 $0xFFFFFF38, v16;
	v38 =	vadd.s32 v61, v38;
	v61 =	vmul.u32 $0xFFFFFF38, v14;
	v31 =	vld.idx.msk [tilespmem:v31+s11+$0x0], $0xffff  }
0x127: {  	v30 =	vadd.s32 v63, v23;
	v63 =	vadd.s32 v2, v22;
	v16 =	vadd.s32 v2, v16;
	v49 =	vld.idx.msk [tilespmem:v49+s3+$0x0], $0xffff  }
0x128: {  	v14 =	vadd.s32 v2, v14;
	v3 =	vshrl.u32 v3, $0x15;
	v35 =	vld.idx.msk [tilespmem:v35+s11+$0x0], $0xffff;
	v40 =	vadd.s32 v57, v40  }
0x129: {  	v62 =	vmul.u32 $0xFFFFFF38, v3;
	v41 =	vadd.s32 v61, v58;
	v57 =	vmul.u32 $0xFFFFFF38, v6;
	v61 =	vld.idx.msk [tilespmem:v27+s11+$0x0], $0xffff  }
0x12a: {  	v23 =	vadd.s32 v60, v20;
	v60 =	vmul.u32 $0xFFFFFF38, v5;
	v27 =	vadd.s32 v2, v51;
	v58 =	vld.idx.msk [tilespmem:v55+s11+$0x0], $0xffff  }
0x12b: {  	v3 =	vadd.s32 v2, v3;
	v29 =	vadd.s32 v62, v24;
	v62 =	vld.idx.msk [tilespmem:v28+s11+$0x0], $0xffff;
	v28 =	vadd.s32 v57, v21  }
0x12c: {  	v55 =	vld.idx.msk [tilespmem:v34+s11+$0x0], $0xffff;
	v57 =	vmul.u32 $0xFFFFFF38, v7;
	v24 =	vadd.s32 v59, v63;
	v59 =	vmul.u32 $0xFFFFFF38, v8  }
0x12d: {  	v48 =	vld.idx.msk [tilespmem:v48+s3+$0x0], $0xffff;
	v6 =	vadd.s32 v2, v6;
	v22 =	vadd.s32 v60, v17;
	v7 =	vadd.s32 v2, v7  }
0x12e: {  	v36 =	vld.idx.msk [tilespmem:v36+s11+$0x0], $0xffff;
	v31 =	vsub.s32 v46, v31;
	v20 =	vadd.s32 v57, v18;
	v21 =	vadd.s32 v59, v19  }
0x12f: {  	v12 =	vld.idx.msk [tilespmem:v12+s3+$0x0], $0xffff;
	v26 =	vsub.s32 v26, v35;
	v61 =	vsub.s32 v42, v61;
	v50 =	vsub.s32 v44, v58  }
0x130: {  	v18 =	vld.idx.msk [tilespmem:v32+s11+$0x0], $0xffff;
	v58 =	vsub.s32 v45, v53;
	v63 =	vsub.s32 $0x0, v61;
	v57 =	vsub.s32 $0x0, v50  }
0x131: {  	v19 =	vld.idx.msk [tilespmem:v27+s3+$0x0], $0xffff;
	v60 =	vsub.s32 $0x0, v58;
	v32 =	vsub.s32 v49, v55;
	v55 =	vadd.s32 v2, v10  }
0x132: {  	v27 =	vld.idx.msk [tilespmem:v33+s11+$0x0], $0xffff;
	v62 =	vsub.s32 v43, v62;
	v17 =	vmin.u32 v61, v63;
	v33 =	vmin.u32 v50, v57  }
0x133: {  	v15 =	vld.idx.msk [tilespmem:v15+s3+$0x0], $0xffff;
	v61 =	vsub.s32 $0x0, v31;
	v34 =	vmin.u32 v58, v60;
	v49 =	vsub.s32 $0x0, v32  }
0x134: {  	v37 =	vld.idx.msk [tilespmem:v37+s11+$0x0], $0xffff;
	v50 =	vsub.s32 $0x0, v26;
	v57 =	vadd.s32 v2, v8;
	v51 =	vsub.s32 $0x0, v62  }
0x135: {  	v59 =	vld.idx.msk [tilespmem:v52+s3+$0x0], $0xffff;
	v31 =	vmin.u32 v31, v61;
	v32 =	vmin.u32 v32, v49;
	v52 =	vmin.u32 v26, v50  }
0x136: {  	v53 =	vld.idx.msk [tilespmem:v11+s3+$0x0], $0xffff;
	vm0 =	vgt.s32 v17, $0x1;
	vm6 =	vgt.s32 v33, $0x1;
	vm1 =	vgt.s32 v34, $0x1  }
0x137: {  	v16 =	vld.idx.msk [tilespmem:v16+s3+$0x0], $0xffff;
	v25 =	vmin.u32 v62, v51;
	v18 =	vsub.s32 v47, v18;
	v47 =	vadd.s32 v2, v5  }
0x138: {  	v42 =	vld.idx.msk [tilespmem:v6+s3+$0x0], $0xffff;
	v26 =	vnsel vm0, $0x1, v17;
	vm7 =	vgt.s32 v31, $0x1;
	vm10 =	vgt.s32 v32, $0x1  }
0x139: {  	v63 =	vld.idx.msk [tilespmem:v54+s11+$0x0], $0xffff;
	vm11 =	vgt.s32 v52, $0x1;
	v62 =	vsub.s32 $0x0, v18;
	v27 =	vsub.s32 v48, v27  }
0x13a: {  	v58 =	vld.idx.msk [tilespmem:v38+s11+$0x0], $0xffff;
	v19 =	vsub.s32 v19, v36;
	vm5 =	vgt.s32 v25, $0x1;
	v17 =	vnsel vm7, $0x1, v31  }
0x13b: {  	v60 =	vld.idx.msk [tilespmem:v40+s11+$0x0], $0xffff;
	v8 =	vnsel vm10, $0x1, v32;
	v11 =	vnsel vm11, $0x1, v52;
	v37 =	vsub.s32 v53, v37  }
0x13c: {  	v28 =	vld.idx.msk [tilespmem:v28+s11+$0x0], $0xffff;
	v45 =	vcvt.s32.f32 v26;
	v18 =	vmin.u32 v18, v62;
	v48 =	vsub.s32 $0x0, v27  }
0x13d: {  	v13 =	vld.idx.msk [tilespmem:v13+s3+$0x0], $0xffff;
	v36 =	vsub.s32 $0x0, v19;
	v25 =	vnsel vm5, $0x1, v25;
	v43 =	vsub.s32 $0x0, v37  }
0x13e: {  	v30 =	vld.idx.msk [tilespmem:v30+s11+$0x0], $0xffff;
	v44 =	vmin.u32 v27, v48;
	v51 =	vsub.s32 v59, v63;
	v36 =	vmin.u32 v19, v36  }
0x13f: {  	v61 =	vld.idx.msk [tilespmem:v4+s3+$0x0], $0xffff;
	v27 =	vnsel vm6, $0x1, v33;
	v19 =	vnsel vm1, $0x1, v34;
	vm8 =	vgt.s32 v18, $0x1  }
0x140: {  	v24 =	vld.idx.msk [tilespmem:v24+s11+$0x0], $0xffff;
	v5 =	vsub.s32 v15, v58;
	v48 =	vmin.u32 v37, v43;
	v16 =	vsub.s32 v16, v60  }
0x141: {  	v49 =	vld.idx.msk [tilespmem:v9+s3+$0x0], $0xffff;
	v28 =	vsub.s32 v42, v28;
	v46 =	vcvt.s32.f32 v25;
	v54 =	vsub.s32 $0x0, v51  }
0x142: {  	v23 =	vld.idx.msk [tilespmem:v23+s11+$0x0], $0xffff;
	vm9 =	vgt.s32 v44, $0x1;
	v18 =	vnsel vm8, $0x1, v18;
	vm12 =	vgt.s32 v36, $0x1  }
0x143: {  	v62 =	vld.idx.msk [tilespmem:v39+s11+$0x0], $0xffff;
	v40 =	vsub.s32 $0x0, v5;
	vm15 =	vgt.s32 v48, $0x1;
	v50 =	vsub.s32 $0x0, v16  }
0x144: {  	v52 =	vld.idx.msk [tilespmem:v55+s3+$0x0], $0xffff;
	v30 =	vsub.s32 v61, v30;
	v35 =	vmin.u32 v51, v54;
	v10 =	vnsel vm9, $0x1, v44  }
0x145: {  	v59 =	vld.idx.msk [tilespmem:v3+s3+$0x0], $0xffff;
	v3 =	vnsel vm12, $0x1, v36;
	v5 =	vmin.u32 v5, v40;
	v9 =	vmin.u32 v16, v50  }
0x146: {  	v61 =	vld.idx.msk [tilespmem:v47+s3+$0x0], $0xffff;
	v36 =	vsub.s32 v49, v24;
	v47 =	vshrl.u32 v45, $0x14;
	v49 =	vcvt.s32.f32 v19  }
0x147: {  	v29 =	vld.idx.msk [tilespmem:v29+s11+$0x0], $0xffff;
	v50 =	vcvt.s32.f32 v17;
	vm13 =	vgt.s32 v35, $0x1;
	vm14 =	vgt.s32 v5, $0x1  }
0x148: {  	v63 =	vld.idx.msk [tilespmem:v56+s11+$0x0], $0xffff;
	vm4 =	vgt.s32 v9, $0x1;
	v24 =	vsub.s32 $0x0, v36;
	v4 =	vnsel vm13, $0x1, v35  }
0x149: {  	v6 =	vnsel vm14, $0x1, v5;
	v5 =	vnsel vm15, $0x1, v48;
	v12 =	vsub.s32 v12, v62  }
0x14a: {  	v14 =	vld.idx.msk [tilespmem:v14+s3+$0x0], $0xffff;
	v9 =	vnsel vm4, $0x1, v9;
	v62 =	vsub.s32 $0x0, v28;
	v15 =	vsub.s32 v52, v23  }
0x14b: {  	v60 =	vld.idx.msk [tilespmem:v20+s11+$0x0], $0xffff;
	v38 =	vmin.u32 v36, v24;
	v48 =	vcvt.s32.f32 v27;
	v31 =	vshrl.u32 v49, $0x14  }
0x14c: {  	v44 =	vld.idx.msk [tilespmem:v41+s11+$0x0], $0xffff;
	v32 =	vshrl.u32 v50, $0x14;
	v52 =	vcvt.s32.f32 v10;
	v51 =	vsub.s32 $0x0, v12  }
0x14d: {  	v54 =	vld.idx.msk [tilespmem:v7+s3+$0x0], $0xffff;
	v13 =	vsub.s32 v13, v63;
	v56 =	vsub.s32 v59, v29;
	v59 =	vsub.s32 $0x0, v30  }
0x14e: {  	v39 =	vsub.s32 $0x0, v15;
	vm11 =	vgt.s32 v38, $0x1;
	v31 =	vadd.s32 $0xFFFFFC08, v31  }
0x14f: {  	v32 =	vadd.s32 $0xFFFFFC08, v32;
	v12 =	vmin.u32 v12, v51;
	v53 =	vsub.s32 $0x0, v13  }
0x150: {  	v29 =	vsub.s32 $0x0, v56;
	v23 =	vnsel vm11, $0x1, v38;
	v51 =	vcvt.s32.f32 v18  }
0x151: {  	v34 =	vshrl.u32 v52, $0x14;
	vm5 =	vgt.s32 v12, $0x1;
	v13 =	vmin.u32 v13, v53  }
0x152: {  	v14 =	vsub.s32 v14, v44;
	v58 =	vmin.u32 v56, v29;
	v40 =	vsub.s32 v54, v60  }
0x153: {  	v29 =	vshrl.u32 v48, $0x14;
	v53 =	vcvt.s32.f32 v8;
	v54 =	vcvt.s32.f32 v11  }
0x154: {  	v34 =	vadd.s32 $0xFFFFFC08, v34;
	v56 =	vcvt.s32.f32 v4;
	v16 =	vnsel vm5, $0x1, v12  }
0x155: {  	v57 =	vld.idx.msk [tilespmem:v57+s3+$0x0], $0xffff;
	vm6 =	vgt.s32 v13, $0x1;
	v55 =	vsub.s32 $0x0, v14;
	vm8 =	vgt.s32 v58, $0x1  }
0x156: {  	v63 =	vld.idx.msk [tilespmem:v21+s11+$0x0], $0xffff;
	v41 =	vsub.s32 $0x0, v40;
	v29 =	vadd.s32 $0xFFFFFC08, v29;
	v33 =	vshrl.u32 v51, $0x14  }
0x157: {  	v7 =	vnsel vm6, $0x1, v13;
	v12 =	vmin.u32 v14, v55;
	v13 =	vmin.u32 v30, v59  }
0x158: {  	v20 =	vnsel vm8, $0x1, v58;
	v30 =	vshrl.u32 v46, $0x14;
	v33 =	vadd.s32 $0xFFFFFC08, v33  }
0x159: {  	v35 =	vshrl.u32 v53, $0x14;
	v55 =	vcvt.s32.f32 v3;
	v36 =	vshrl.u32 v54, $0x14  }
0x15a: {  	v37 =	vld.idx.msk [tilespmem:v22+s11+$0x0], $0xffff;
	v38 =	vshrl.u32 v56, $0x14;
	v58 =	vcvt.s32.f32 v5;
	vm7 =	vgt.s32 v12, $0x1  }
0x15b: {  	vm9 =	vgt.s32 v13, $0x1;
	v42 =	vsub.s32 v57, v63;
	v30 =	vadd.s32 $0xFFFFFC08, v30  }
0x15c: {  	v35 =	vadd.s32 $0xFFFFFC08, v35;
	v36 =	vadd.s32 $0xFFFFFC08, v36;
	v57 =	vcvt.s32.f32 v6  }
0x15d: {  	v38 =	vadd.s32 $0xFFFFFC08, v38;
	v63 =	vcvt.s32.f32 v16;
	v51 =	vcvt.s32.f32 v20  }
0x15e: {  	v14 =	vnsel vm7, $0x1, v12;
	v21 =	vnsel vm9, $0x1, v13;
	v12 =	vmin.u32 v28, v62  }
0x15f: {  	v13 =	vmin.u32 v15, v39;
	v43 =	vsub.s32 $0x0, v42;
	v28 =	vsub.s32 v61, v37  }
0x160: {  	v37 =	vshrl.u32 v55, $0x14;
	v61 =	vcvt.s32.f32 v9;
	vm10 =	vgt.s32 v12, $0x1  }
0x161: {  	vm12 =	vgt.s32 v13, $0x1;
	v44 =	vsub.s32 $0x0, v28;
	v37 =	vadd.s32 $0xFFFFFC08, v37  }
0x162: {  	v39 =	vshrl.u32 v57, $0x14;
	v49 =	vcvt.s32.f32 v14;
	v53 =	vcvt.s32.f32 v21  }
0x163: {  	v31 =	vld.idx.msk [tilespmem:v31+s12+$0x0], $0xffff;
	v22 =	vnsel vm10, $0x1, v12;
	v24 =	vnsel vm12, $0x1, v13;
	v12 =	vmin.u32 v40, v41  }
0x164: {  	v32 =	vld.idx.msk [tilespmem:v32+s12+$0x0], $0xffff;
	v13 =	vmin.u32 v42, v43;
	v28 =	vmin.u32 v28, v44;
	v40 =	vshrl.u32 v58, $0x14  }
0x165: {  	v34 =	vld.idx.msk [tilespmem:v34+s12+$0x0], $0xffff;
	v44 =	vcvt.s32.f32 v7;
	v45 =	vadd.s32 $0xFFFFFC08, v39;
	v58 =	vcvt.s32.f32 v23  }
0x166: {  	v29 =	vld.idx.msk [tilespmem:v29+s12+$0x0], $0xffff;
	vm13 =	vgt.s32 v12, $0x1;
	vm14 =	vgt.s32 v13, $0x1;
	vm15 =	vgt.s32 v28, $0x1  }
0x167: {  	v46 =	vadd.s32 $0xFFFFFC08, v40;
	v56 =	vcvt.s32.f32 v22;
	v12 =	vnsel vm13, $0x1, v12;
	v30 =	vld.idx.msk [tilespmem:v30+s12+$0x0], $0xffff  }
0x168: {  	v15 =	vnsel vm14, $0x1, v13;
	v13 =	vnsel vm15, $0x1, v28;
	v28 =	vadd.s32 $0xFFFFFC08, v47;
	v35 =	vld.idx.msk [tilespmem:v35+s12+$0x0], $0xffff  }
0x169: {  	v47 =	vshrl.u32 v61, $0x14;
	v48 =	vshra.s32 v31, $0x6;
	v36 =	vld.idx.msk [tilespmem:v36+s12+$0x0], $0xffff;
	v50 =	vshra.s32 v32, $0x6  }
0x16a: {  	v38 =	vld.idx.msk [tilespmem:v38+s12+$0x0], $0xffff;
	v40 =	vadd.s32 $0xFFFFFC08, v47;
	vm2 =	vgt.s32 v19, v48;
	v19 =	vshrl.u32 v49, $0x14  }
0x16b: {  	vm1 =	vgt.s32 v17, v50;
	v17 =	vshrl.u32 v51, $0x14;
	v19 =	vadd.s32 $0xFFFFFC08, v19  }
0x16c: {  	v54 =	vshra.s32 v34, $0x6;
	v17 =	vadd.s32 $0xFFFFFC08, v17;
	v62 =	vshra.s32 v29, $0x6  }
0x16d: {  	vm5 =	vgt.s32 v10, v54;
	v10 =	vshrl.u32 v58, $0x14;
	vm12 =	vgt.s32 v27, v62;
	v27 =	vld.idx.msk [tilespmem:v33+s12+$0x0], $0xffff  }
0x16e: {  	v33 =	vld.idx.msk [tilespmem:v45+s12+$0x0], $0xffff;
	v10 =	vadd.s32 $0xFFFFFC08, v10;
	v45 =	vcvt.s32.f32 v13;
	v60 =	vshra.s32 v30, $0x6  }
0x16f: {  	v37 =	vld.idx.msk [tilespmem:v37+s12+$0x0], $0xffff;
	v55 =	vshra.s32 v35, $0x6;
	v57 =	vshra.s32 v36, $0x6;
	v62 =	vshra.s32 v38, $0x6  }
0x170: {  	v54 =	vsel vm12, $0x1, v1;
	v43 =	vand.u32 $0x3F, v36;
	vm13 =	vgt.s32 v25, v60  }
0x171: {  	v28 =	vld.idx.msk [tilespmem:v28+s12+$0x0], $0xffff;
	v25 =	vshrl.u32 v44, $0x14;
	vm4 =	vgt.s32 v8, v55;
	vm3 =	vgt.s32 v11, v57  }
0x172: {  	v60 =	vshrl.u32 v56, $0x14;
	vm7 =	vgt.s32 v4, v62;
	v55 =	vsel vm2, $0x1, v1  }
0x173: {  	v57 =	vsel vm1, $0x1, v1;
	v62 =	vand.u32 $0x3F, v30;
	v30 =	vand.u32 $0x3F, v34  }
0x174: {  	v25 =	vadd.s32 $0xFFFFFC08, v25;
	v39 =	vadd.s32 $0xFFFFFC08, v60;
	v61 =	vshra.s32 v37, $0x6  }
0x175: {  	v41 =	vsel vm3, $0x1, v1;
	vm10 =	vgt.s32 v3, v61;
	v3 =	vcvt.s32.f32 v12  }
0x176: {  	v52 =	vshra.s32 v27, $0x6;
	v44 =	vshra.s32 v33, $0x6;
	v59 =	vshra.s32 v28, $0x6  }
0x177: {  	v11 =	vld.idx.msk [tilespmem:v46+s12+$0x0], $0xffff;
	vm0 =	vgt.s32 v18, v52;
	v18 =	vshrl.u32 v53, $0x14;
	vm8 =	vgt.s32 v6, v44  }
0x178: {  	v40 =	vld.idx.msk [tilespmem:v40+s12+$0x0], $0xffff;
	v3 =	vshrl.u32 v3, $0x14;
	v6 =	vshrl.u32 v45, $0x14;
	v52 =	vsel vm13, $0x1, v1  }
0x179: {  	v61 =	vand.u32 $0x3F, v28;
	v28 =	vand.u32 $0x3F, v32;
	v32 =	vand.u32 $0x3F, v35  }
0x17a: {  	v19 =	vld.idx.msk [tilespmem:v19+s12+$0x0], $0xffff;
	v35 =	vsel vm4, $0x1, v1;
	v44 =	vsel vm10, $0x1, v1;
	v45 =	vand.u32 $0x3F, v37  }
0x17b: {  	v17 =	vld.idx.msk [tilespmem:v17+s12+$0x0], $0xffff;
	vm14 =	vgt.s32 v26, v59;
	v26 =	vshrl.u32 v63, $0x14;
	v59 =	vcvt.s32.f32 v24  }
0x17c: {  	v18 =	vadd.s32 $0xFFFFFC08, v18;
	v63 =	vcvt.s32.f32 v15;
	v46 =	vshra.s32 v11, $0x6  }
0x17d: {  	v47 =	vshra.s32 v40, $0x6;
	v3 =	vadd.s32 $0xFFFFFC08, v3;
	v6 =	vadd.s32 $0xFFFFFC08, v6  }
0x17e: {  	v11 =	vand.u32 $0x3F, v11;
	v26 =	vadd.s32 $0xFFFFFC08, v26;
	vm11 =	vgt.s32 v5, v46  }
0x17f: {  	vm9 =	vgt.s32 v9, v47;
	v50 =	vsel vm14, $0x1, v1;
	v51 =	vshra.s32 v19, $0x6  }
0x180: {  	v10 =	vld.idx.msk [tilespmem:v10+s12+$0x0], $0xffff;
	v53 =	vshra.s32 v17, $0x6;
	v46 =	vsel vm7, $0x1, v1;
	v47 =	vand.u32 $0x3F, v38  }
0x181: {  	v25 =	vld.idx.msk [tilespmem:v25+s12+$0x0], $0xffff;
	v17 =	vand.u32 $0x3F, v17;
	v8 =	vshrl.u32 v59, $0x14;
	v4 =	vshrl.u32 v63, $0x14  }
0x182: {  	v9 =	vld.idx.msk [tilespmem:v39+s12+$0x0], $0xffff;
	vm14 =	vgt.s32 v14, v51;
	vm13 =	vgt.s32 v20, v53;
	v59 =	vsel vm0, $0x1, v1  }
0x183: {  	v14 =	vadd.s32 v52, v62;
	v63 =	vand.u32 $0x3F, v29;
	v20 =	vadd.s32 v57, v28  }
0x184: {  	v29 =	vand.u32 $0x3F, v27;
	v51 =	vsel vm9, $0x1, v1;
	v52 =	vand.u32 $0x3F, v40;
	v5 =	vld.idx.msk [tilespmem:v18+s12+$0x0], $0xffff  }
0x185: {  	v8 =	vadd.s32 $0xFFFFFC08, v8;
	v4 =	vadd.s32 $0xFFFFFC08, v4;
	v58 =	vshra.s32 v10, $0x6;
	v3 =	vld.idx.msk [tilespmem:v3+s12+$0x0], $0xffff  }
0x186: {  	v27 =	vadd.s32 v51, v52;
	v10 =	vand.u32 $0x3F, v10;
	vm1 =	vgt.s32 v23, v58;
	v6 =	vld.idx.msk [tilespmem:v6+s12+$0x0], $0xffff  }
0x187: {  	v23 =	vadd.s32 v46, v47;
	v26 =	vld.idx.msk [tilespmem:v26+s12+$0x0], $0xffff;
	v49 =	vshra.s32 v25, $0x6;
	v56 =	vshra.s32 v9, $0x6  }
0x188: {  	v25 =	vand.u32 $0x3F, v25;
	v9 =	vand.u32 $0x3F, v9;
	vm15 =	vgt.s32 v7, v49;
	v14 =	vld.idx.msk [tilespmem:v14+s13+$0x0], $0xffff  }
0x189: {  	vm2 =	vgt.s32 v22, v56;
	v7 =	vadd.s32 v50, v61;
	v20 =	vld.idx.msk [tilespmem:v20+s13+$0x0], $0xffff;
	v50 =	vsel vm11, $0x1, v1  }
0x18a: {  	v56 =	vsel vm13, $0x1, v1;
	v8 =	vld.idx.msk [tilespmem:v8+s12+$0x0], $0xffff;
	v11 =	vadd.s32 v50, v11;
	v58 =	vsel vm2, $0x1, v1  }
0x18b: {  	v4 =	vld.idx.msk [tilespmem:v4+s12+$0x0], $0xffff;
	v17 =	vadd.s32 v56, v17;
	v9 =	vadd.s32 v58, v9;
	v18 =	vshra.s32 v5, $0x6  }
0x18c: {  	v27 =	vld.idx.msk [tilespmem:v27+s13+$0x0], $0xffff;
	v34 =	vshra.s32 v3, $0x6;
	v42 =	vshra.s32 v6, $0x6;
	v5 =	vand.u32 $0x3F, v5  }
0x18d: {  	v23 =	vld.idx.msk [tilespmem:v23+s13+$0x0], $0xffff;
	v6 =	vand.u32 $0x3F, v6;
	vm12 =	vgt.s32 v21, v18;
	v21 =	vadd.s32 v59, v29  }
0x18e: {  	v48 =	vshra.s32 v26, $0x6;
	vm3 =	vgt.s32 v13, v42;
	v13 =	vadd.s32 v41, v43;
	v7 =	vld.idx.msk [tilespmem:v7+s13+$0x0], $0xffff  }
0x18f: {  	v59 =	vsel vm1, $0x1, v1;
	vm6 =	vgt.s32 v16, v48;
	v16 =	vadd.s32 v54, v63;
	v11 =	vld.idx.msk [tilespmem:v11+s13+$0x0], $0xffff  }
0x190: {  	v26 =	vand.u32 $0x3F, v26;
	v54 =	vsel vm15, $0x1, v1;
	v10 =	vadd.s32 v59, v10;
	v17 =	vld.idx.msk [tilespmem:v17+s13+$0x0], $0xffff  }
0x191: {  	v57 =	vsel vm12, $0x1, v1;
	v63 =	vsel vm3, $0x1, v1;
	v25 =	vadd.s32 v54, v25;
	v9 =	vld.idx.msk [tilespmem:v9+s13+$0x0], $0xffff  }
0x192: {  	v60 =	vshra.s32 v8, $0x6;
	v39 =	vshra.s32 v4, $0x6;
	v5 =	vadd.s32 v57, v5;
	v21 =	vld.idx.msk [tilespmem:v21+s13+$0x0], $0xffff  }
0x193: {  	v6 =	vadd.s32 v63, v6;
	vm0 =	vgt.s32 v24, v60;
	v24 =	vand.u32 $0x3F, v31;
	v13 =	vld.idx.msk [tilespmem:v13+s13+$0x0], $0xffff  }
0x194: {  	v31 =	vsel vm5, $0x1, v1;
	vm5 =	vgt.s32 v12, v34;
	v12 =	vadd.s32 v35, v32;
	v16 =	vld.idx.msk [tilespmem:v16+s13+$0x0], $0xffff  }
0x195: {  	v53 =	vsel vm6, $0x1, v1;
	vm4 =	vgt.s32 v15, v39;
	v15 =	vadd.s32 v44, v45;
	v10 =	vld.idx.msk [tilespmem:v10+s13+$0x0], $0xffff  }
0x196: {  	v26 =	vadd.s32 v53, v26;
	v25 =	vld.idx.msk [tilespmem:v25+s13+$0x0], $0xffff  }
0x197: {  	v18 =	vadd.s32 v55, v24;
	v5 =	vld.idx.msk [tilespmem:v5+s13+$0x0], $0xffff  }
0x198: {  	v49 =	vand.u32 $0x3F, v33;
	v48 =	vsel vm8, $0x1, v1;
	v22 =	vadd.s32 v31, v30;
	v6 =	vld.idx.msk [tilespmem:v6+s13+$0x0], $0xffff  }
0x199: {  	v19 =	vand.u32 $0x3F, v19;
	v24 =	vadd.s32 v48, v49;
	v55 =	vsel vm14, $0x1, v1;
	v12 =	vld.idx.msk [tilespmem:v12+s13+$0x0], $0xffff  }
0x19a: {  	v8 =	vand.u32 $0x3F, v8;
	v60 =	vsel vm0, $0x1, v1;
	v19 =	vadd.s32 v55, v19;
	v15 =	vld.idx.msk [tilespmem:v15+s13+$0x0], $0xffff  }
0x19b: {  	v3 =	vand.u32 $0x3F, v3;
	v61 =	vsel vm5, $0x1, v1;
	v8 =	vadd.s32 v60, v8;
	v26 =	vld.idx.msk [tilespmem:v26+s13+$0x0], $0xffff  }
0x19c: {  	v4 =	vand.u32 $0x3F, v4;
	v62 =	vsel vm4, $0x1, v1;
	v3 =	vadd.s32 v61, v3;
	v18 =	vld.idx.msk [tilespmem:v18+s13+$0x0], $0xffff  }
0x19d: {  	v4 =	vadd.s32 v62, v4;
	v22 =	vld.idx.msk [tilespmem:v22+s13+$0x0], $0xffff  }
0x19e: {  	v24 =	vld.idx.msk [tilespmem:v24+s13+$0x0], $0xffff  }
0x19f: {  	v19 =	vld.idx.msk [tilespmem:v19+s13+$0x0], $0xffff  }
0x1a0: {  	v8 =	vld.idx.msk [tilespmem:v8+s13+$0x0], $0xffff  }
0x1a1: {  	v3 =	vld.idx.msk [tilespmem:v3+s13+$0x0], $0xffff  }
0x1a2: {  	v4 =	vld.idx.msk [tilespmem:v4+s13+$0x0], $0xffff;
	[tilespmem:s24+$0xFFFFFF40] =	vst v7  }
0x1a3: {  	[tilespmem:s24+$0xFFFFFF50] =	vst v14  }
0x1a4: {  	[tilespmem:s24+$0xFFFFFF80] =	vst v20  }
0x1a5: {  	[tilespmem:s24+$0xFFFFFF90] =	vst v21  }
0x1a6: {  	[tilespmem:s24+$0xFFFFFF60] =	vst v16  }
0x1a7: {  	[tilespmem:s24+$0xFFFFFFB0] =	vst v12  }
0x1a8: {  	s25 =	sand.u32 $0x1FF80, s25;
	s29 =	sand.u32 $0x70, s22;
	[tilespmem:s24+$0xFFFFFF70] =	vst v18  }
0x1a9: {  	s25 =	sor.u32 s29, s25;
	[tilespmem:s24+$0xFFFFFFA0] =	vst v22  }
0x1aa: {  	[tilespmem:s25+$0xD000] =	vst v13  }
0x1ab: {  	[tilespmem:s24+$0xFFFFFFD0] =	vst v15  }
0x1ac: {  	[tilespmem:s24+$0xFFFFFFE0] =	vst v23  }
0x1ad: {  	[tilespmem:s24+$0xFFFFFFF0] =	vst v24  }
0x1ae: {  	[tilespmem:s24+$0x0] =	vst v11  }
0x1af: {  	[tilespmem:s24+$0x10] =	vst v27  }
0x1b0: {  	s30 =	sand.u32 $0x1FF80, s28;
	[tilespmem:s24+$0x20] =	vst v26  }
0x1b1: {  	s25 =	sor.u32 s29, s30;
	[tilespmem:s24+$0x30] =	vst v25  }
0x1b2: {  	[tilespmem:s25+$0xD000] =	vst v19  }
0x1b3: {  	[tilespmem:s24+$0x50] =	vst v17  }
0x1b4: {  	[tilespmem:s24+$0x60] =	vst v5  }
0x1b5: {  	p0 =	sne.s32 s22, $0x9AB0;
	[tilespmem:s24+$0x70] =	vst v9  }
.Ltmp1:
0x1b6: {  	[tilespmem:s24+$0x80] =	vst v10;
	(pc) =	sbr.rel @p0 .LBB2_5-.Ltmp1, $4  }
0x1b7: {  	[tilespmem:s24+$0x90] =	vst v8  }
0x1b8: {  	s31 =	sand.u32 $0x1FF80, s31;
	[tilespmem:s24+$0xA0] =	vst v3  }
0x1b9: {  	s25 =	sor.u32 s29, s31;
	[tilespmem:s24+$0xB0] =	vst v4  }
0x1ba: {  	s22 =	sadd.s32 $0x190, s22;
	s24 =	sadd.s32 $0x190, s24;
	[tilespmem:s25+$0xD000] =	vst v6  }
0x1bb: {  	s21 =	sadd.s32 $0x1, s21  }
0x1bc: {  	p0 =	sne.s32 s21, $0x10  }
.Ltmp2:
0x1bd: {  	_ = 	snop;
	(pc) =	sbr.rel @p0 .LBB2_2-.Ltmp2, $4  }
0x1be: {  	_ = 	snop  }
0x1bf: {  	s22 =	sadd.s32 s23, s5  }
0x1c0: {  	s22 =	sadd.s32 $0x10, s22  }
0x1c1: {  	[hbm4b:s22+s14] =	stream.strided.scatter [tilespmem:s17], [sflag:$0x2], $0x9C80, s15, s14, $0x38;
	[tilespmem:$0x16C80] =	vst v63  }
0x1c2: {  	s20 =	sadd.s32 $0x1, s20  }
0x1c3: {  	_ =	swait.ge [sflag:s18], $0x9C80;
	p0 =	sne.s32 s20, s9  }
.Ltmp3:
0x1c4: {  	[sflag:s18] =	ssyncset.done $0x0;
	(pc) =	sbr.rel @p0 .LBB2_1-.Ltmp3, $4  }
0x1c5: {  	[sflag:s18] =	ssyncadd.s32 $0xFFFF6380  }
0x1c6: {  	_ =	swait.ge [sflag:s19], $0x9C80  }
0x1c7: {  	[sflag:s19] =	ssyncset.done $0x0  }
0x1c8: {  	[sflag:s19] =	ssyncadd.s32 $0xFFFF6380  }
0x1c9: {  	_ =	sfence.sel $0x180000  }
0x1ca: {  	[bflag:$0x0] =	sbarrier.arrive $0xFFFF  }
0x1cb: {  	p0 =	sne.s32 s0, $0x0;
	_ =	strace $0x90000047  }
0x1cc: {  	s0 =	sadd.s32 @!p0 $0x100000, s1;
	[bflag:$0x2] =	sbarrier.arrive $0xFFFF  }
0x1cd: {  	[sflag:s0] =	ssyncadd.tile.s32 @!p0 $0x1;
	_ =	shalt  }
.Lfunc_end2:
_tile_overlayer_lowered:
.L_overlay_start_2:
0x1ce: {  	(tag) =	ssettag $0x2  }
0x1cf: {  	s0 =	rddreg [dreg:$0x0];
	s2 =	stileid.u32  }
0x1d0: {  	s1 =	rddreg [dreg:$0x1];
	p0 =	sne.s32 s2, $0x0  }
0x1d1: {  	s3 =	rddreg [dreg:$0x2];
	[bflag:$0x3] =	sbarrier.arrive $0xFFFF;
	s2 =	simm.s32 @!p0 $0x1C03  }
0x1d2: {  	[timem:s3], [sflag:s2] =	dma.local @!p0 [hbm:s0], s1  }
0x1d3: {  	s0 =	simm.s32 @!p0 $0x3  }
0x1d4: {  	_ =	swait.ge @!p0 [sflag:s0], s1  }
0x1d5: {  	s1 =	ssub.s32 @!p0 $0x0, s1;
	[sflag:s0] =	ssyncset.done @!p0 $0x0  }
0x1d6: {  	[sflag:s0] =	ssyncadd.s32 @!p0 s1  }
0x1d7: {  	[bflag:$0x3] =	sbarrier.arrive $0xFFFF  }
0x1d8: {  	_ =	shalt  }

</sc_bundles>
